<compile_context>
chip_gen: v7x
topology: tpu7x:2x2x1
jax: 0.10.2.dev20260603
libtpu: 0.0.44.dev20260713+nightly
codegen_flags: <defaults>
</compile_context>

<pallas_src>
import functools

import jax
import jax.numpy as jnp
from jax import lax
from jax.experimental import pallas as pl
from jax.experimental.pallas import tpu as pltpu
from jax.experimental.pallas import tpu_sc as plsc

RADIUS2 = 0.2 * 0.2
NSAMPLE = 32

B, N, NPOINT, C = 4, 16384, 1024, 64
NCHUNK = N // 16

try:
    _info = plsc.get_sparse_core_info()
    NC, NS = _info.num_cores, _info.num_subcores
except Exception:
    NC, NS = 2, 16
NW = NC * NS
TPB = NW // B
CPT = NPOINT // TPB
FPT = C // TPB

_mesh = plsc.VectorSubcoreMesh(core_axis_name="c", subcore_axis_name="s",
                               num_cores=NC, num_subcores=NS)


@functools.partial(
    pl.kernel,
    out_type=jax.ShapeDtypeStruct((B, NSAMPLE, NPOINT), jnp.int32),
    mesh=_mesh,
    compiler_params=pltpu.CompilerParams(needs_layout_passes=False),
    scratch_types=[
        pltpu.VMEM((N,), jnp.float32),
        pltpu.VMEM((N,), jnp.float32),
        pltpu.VMEM((N,), jnp.float32),
        pltpu.VMEM((N,), jnp.float32),
        pltpu.VMEM((CPT,), jnp.float32),
        pltpu.VMEM((CPT,), jnp.float32),
        pltpu.VMEM((CPT,), jnp.float32),
        pltpu.VMEM((CPT,), jnp.float32),
        pltpu.VMEM((128,), jnp.int32),
        pltpu.VMEM((128,), jnp.int32),
        pltpu.VMEM((128,), jnp.int32),
        pltpu.VMEM((128,), jnp.int32),
        pltpu.VMEM((NSAMPLE, CPT), jnp.int32),
    ],
)
def _ball_query_sc(xb_hbm, yb_hbm, zb_hbm, pp_hbm, cx_hbm, cy_hbm, cz_hbm,
                   cc_hbm, idx_hbm, xv, yv, zv, ppv, cxv, cyv, czv, ccv,
                   hits0, hits1, hits2, hits3, idxout):
    wid = lax.axis_index("s") * NC + lax.axis_index("c")
    b = wid // TPB
    seg = wid % TPB
    pltpu.sync_copy(xb_hbm.at[b], xv)
    pltpu.sync_copy(yb_hbm.at[b], yv)
    pltpu.sync_copy(zb_hbm.at[b], zv)
    pltpu.sync_copy(pp_hbm.at[b], ppv)
    pltpu.sync_copy(cx_hbm.at[b, pl.ds(seg * CPT, CPT)], cxv)
    pltpu.sync_copy(cy_hbm.at[b, pl.ds(seg * CPT, CPT)], cyv)
    pltpu.sync_copy(cz_hbm.at[b, pl.ds(seg * CPT, CPT)], czv)
    pltpu.sync_copy(cc_hbm.at[b, pl.ds(seg * CPT, CPT)], ccv)

    lanes = lax.iota(jnp.int32, 16)
    r2 = jnp.full((16,), RADIUS2, jnp.float32)
    dead = jnp.full((16,), -1e30, jnp.float32)
    G = 4
    hits = (hits0, hits1, hits2, hits3)

    def per_group(g, _):
        cxs, cys, czs, ccs = [], [], [], []
        for q in range(G):
            pv = jnp.full((16,), g * G + q, jnp.int32)
            cxs.append(plsc.load_gather(cxv, [pv]))
            cys.append(plsc.load_gather(cyv, [pv]))
            czs.append(plsc.load_gather(czv, [pv]))
            ccs.append(plsc.load_gather(ccv, [pv]))

        def cond(carry):
            i = carry[0]
            cs = carry[1:]
            alive = cs[0] < NSAMPLE
            for q in range(1, G):
                alive = alive | (cs[q] < NSAMPLE)
            return alive & (i < NCHUNK // 4)

        def body(carry):
            i = carry[0]
            cs = list(carry[1:])
            base0 = i * 64
            r2e = [jnp.where(cs[q] < NSAMPLE, r2, dead) for q in range(G)]
            for c in range(4):
                base = base0 + c * 16
                px = xv[pl.ds(base, 16)]
                py = yv[pl.ds(base, 16)]
                pz = zv[pl.ds(base, 16)]
                pp = ppv[pl.ds(base, 16)]
                for q in range(G):
                    dot = (cxs[q] * px + cys[q] * py) + czs[q] * pz
                    d2 = (ccs[q] + pp) - (dot + dot)
                    m = d2 <= r2e[q]
                    plsc.store_compressed(hits[q].at[pl.ds(cs[q], 16)],
                                          base + lanes, mask=m)
                    cs[q] = cs[q] + plsc.all_reduce_population_count(m)[0]
            return (i + 1, *cs)

        carry = lax.while_loop(cond, body,
                               (jnp.int32(0),) + (jnp.int32(0),) * G)
        cs = carry[1:]

        for q in range(G):
            pv = jnp.full((16,), g * G + q, jnp.int32)
            pad = plsc.load_gather(hits[q], [jnp.zeros((16,), jnp.int32)])
            h0 = hits[q][pl.ds(0, 16)]
            h1 = hits[q][pl.ds(16, 16)]
            plsc.store_scatter(idxout, [lanes, pv],
                               jnp.where(lanes < cs[q], h0, pad))
            plsc.store_scatter(idxout, [lanes + 16, pv],
                               jnp.where(lanes + 16 < cs[q], h1, pad))
        return ()

    lax.fori_loop(0, CPT // G, per_group, ())
    pltpu.sync_copy(idxout, idx_hbm.at[b, :, pl.ds(seg * CPT, CPT)])


@functools.partial(
    pl.kernel,
    out_type=jax.ShapeDtypeStruct((B, 6 + C, NSAMPLE, NPOINT), jnp.float32),
    mesh=_mesh,
    compiler_params=pltpu.CompilerParams(needs_layout_passes=False),
    scratch_types=[
        pltpu.VMEM((NSAMPLE, NPOINT), jnp.int32),
        pltpu.VMEM((N,), jnp.float32),
        pltpu.VMEM((NPOINT,), jnp.float32),
        pltpu.VMEM((NSAMPLE, NPOINT), jnp.float32),
    ],
)
def _group_sc(idx_hbm, xyzt_hbm, cent_hbm, feat_hbm, out_hbm,
              idxv, row, cv, outbuf):
    wid = lax.axis_index("s") * NC + lax.axis_index("c")
    b = wid // TPB
    r = wid % TPB
    pltpu.sync_copy(idx_hbm.at[b], idxv)
    lanes = lax.iota(jnp.int32, 16)
    NCOL = NPOINT // 16

    def gather_row():
        def gstep(j):
            s = j // NCOL
            c = j % NCOL
            iv = idxv[s, pl.ds(c * 16, 16)]
            outbuf[s, pl.ds(c * 16, 16)] = plsc.load_gather(row, [iv])
        plsc.parallel_loop(0, NSAMPLE * NCOL, 1, unroll=8)(gstep)

    for k in range(FPT):
        ch = r + k * TPB
        pltpu.sync_copy(feat_hbm.at[b, ch], row)
        gather_row()
        pltpu.sync_copy(outbuf, out_hbm.at[b, 6 + ch])

    @pl.when(r < 3)
    def _():
        d = r
        pltpu.sync_copy(xyzt_hbm.at[b, d], row)
        pltpu.sync_copy(cent_hbm.at[b, d], cv)

        def cstep(j):
            s = j // NCOL
            c = j % NCOL
            iv = idxv[s, pl.ds(c * 16, 16)]
            cb = plsc.load_gather(cv, [c * 16 + lanes])
            outbuf[s, pl.ds(c * 16, 16)] = plsc.load_gather(row, [iv]) - cb

        plsc.parallel_loop(0, NSAMPLE * NCOL, 1, unroll=8)(cstep)
        pltpu.sync_copy(outbuf, out_hbm.at[b, d])
        pltpu.sync_copy(outbuf, out_hbm.at[b, 3 + d])


def _round_bf16(x):
    u = lax.bitcast_convert_type(x, jnp.uint32)
    r = u + jnp.uint32(0x7FFF) + ((u >> 16) & jnp.uint32(1))
    return lax.bitcast_convert_type(r & jnp.uint32(0xFFFF0000), jnp.float32)


def kernel(xyz, new_xyz, features):
    xb = _round_bf16(xyz)
    nb = _round_bf16(new_xyz)
    cc = jnp.sum(new_xyz * new_xyz, axis=-1)
    pp = jnp.sum(xyz * xyz, axis=-1)
    xbx, xby, xbz = xb[..., 0], xb[..., 1], xb[..., 2]
    nbx, nby, nbz = nb[..., 0], nb[..., 1], nb[..., 2]
    idx = _ball_query_sc(xbx, xby, xbz, pp, nbx, nby, nbz, cc)
    xyzt = jnp.transpose(xyz, (0, 2, 1))
    cent = jnp.transpose(new_xyz, (0, 2, 1))
    out = _group_sc(idx, xyzt, cent, features)
    return jnp.transpose(out, (0, 1, 3, 2))

# --- scband reference (transcript-rebuilt; emitter-appended) ---
"""Pipeline reference for scband-query-and-group-16947940950603 (READ-ONLY COPY).

The authoritative reference and input builder live on the scoring server;
editing this copy changes nothing except your own understanding.
"""

import jax, jax.numpy as jnp
import numpy as np

RADIUS = 0.2
NSAMPLE = 32


def setup_inputs(seed: int = 0) -> dict:
    key = jax.random.key(seed)
    k1, k2 = jax.random.split(key)
    B, N, npoint, C = 4, 16384, 1024, 64
    xyz = jax.random.uniform(k1, (B, N, 3), dtype=jnp.float32)
    # centroids are a subset of the points (as produced by FPS), so each ball is non-empty
    new_xyz = xyz[:, :npoint, :]
    features = jax.random.normal(k2, (B, C, N), dtype=jnp.float32)
    return {"xyz": xyz, "new_xyz": new_xyz, "features": features}


def _ball_query(xyz, new_xyz, radius, nsample):
    # dense-mode ball query: first `nsample` in-ball indices, padded with the first hit
    B, N, _ = xyz.shape
    d2 = (jnp.sum(new_xyz * new_xyz, axis=-1)[:, :, None]
          + jnp.sum(xyz * xyz, axis=-1)[:, None, :]
          - 2.0 * jnp.einsum('bpd,bnd->bpn', new_xyz, xyz))  # (B, npoint, N)
    in_ball = d2 <= radius * radius
    ar = jnp.arange(N, dtype=jnp.int32)
    score = jnp.where(in_ball, ar[None, None, :], jnp.int32(N))
    neg_vals, _ = jax.lax.top_k(-score, nsample)  # smallest indices first
    idx = -neg_vals  # (B, npoint, nsample)
    first = idx[..., :1]
    idx = jnp.where(idx >= N, first, idx)  # pad empty slots with first in-ball index
    return idx


def _group(t, idx):
    # t: (B, C, N), idx: (B, npoint, nsample) -> (B, C, npoint, nsample)
    return jax.vmap(lambda x, i: x[:, i])(t, idx)


def reference(xyz, new_xyz, features):
    idx = _ball_query(xyz, new_xyz, RADIUS, NSAMPLE)
    xyz_trans = jnp.transpose(xyz, (0, 2, 1))  # (B, 3, N)
    grouped_xyz = _group(xyz_trans, idx)  # (B, 3, npoint, nsample)
    grouped_xyz = grouped_xyz - jnp.transpose(new_xyz, (0, 2, 1))[..., None]
    # NOTE: in the torch source, `grouped_xyz -= ...` is in-place, so
    # raw_grouped_xyz aliases the CENTERED tensor; we replicate that semantics.
    raw_grouped_xyz = grouped_xyz
    grouped_features = _group(features, idx)  # (B, C, npoint, nsample)
    new_features = jnp.concatenate([raw_grouped_xyz, grouped_xyz, grouped_features], axis=1)
    return new_features  # (B, 3+3+C, npoint, nsample)

if __name__ == "__main__":
    import jax
    _d = setup_inputs()
    print(jax.jit(kernel)(*tuple(_d.values())))

</pallas_src>

<mosaic_0001>
#map = affine_map<(d0, d1) -> (0, 0)>
#map1 = affine_map<(d0, d1) -> (0, 0, 0)>
module attributes {stable_mosaic.version = 14 : i64} {
  func.func @_ball_query_sc(%arg0: i32, %arg1: i32, %arg2: memref<4x16384xf32, #tpu.memory_space<hbm>>, %arg3: memref<4x16384xf32, #tpu.memory_space<hbm>>, %arg4: memref<4x16384xf32, #tpu.memory_space<hbm>>, %arg5: memref<4x16384xf32, #tpu.memory_space<hbm>>, %arg6: memref<4x1024xf32, #tpu.memory_space<hbm>>, %arg7: memref<4x1024xf32, #tpu.memory_space<hbm>>, %arg8: memref<4x1024xf32, #tpu.memory_space<hbm>>, %arg9: memref<4x1024xf32, #tpu.memory_space<hbm>>, %arg10: memref<4x32x1024xi32, #tpu.memory_space<hbm>>, %arg11: memref<16384xf32, #tpu.memory_space<vmem>>, %arg12: memref<16384xf32, #tpu.memory_space<vmem>>, %arg13: memref<16384xf32, #tpu.memory_space<vmem>>, %arg14: memref<16384xf32, #tpu.memory_space<vmem>>, %arg15: memref<128xf32, #tpu.memory_space<vmem>>, %arg16: memref<128xf32, #tpu.memory_space<vmem>>, %arg17: memref<128xf32, #tpu.memory_space<vmem>>, %arg18: memref<128xf32, #tpu.memory_space<vmem>>, %arg19: memref<128xi32, #tpu.memory_space<vmem>>, %arg20: memref<128xi32, #tpu.memory_space<vmem>>, %arg21: memref<128xi32, #tpu.memory_space<vmem>>, %arg22: memref<128xi32, #tpu.memory_space<vmem>>, %arg23: memref<32x128xi32, #tpu.memory_space<vmem>>) attributes {dimension_semantics = [#tpu.dimension_semantics<core_parallel>, #tpu.dimension_semantics<subcore_parallel>], iteration_bounds = array<i64: 2, 16>, scalar_prefetch = 0 : i64, scratch_operands = 13 : i64, tpu.core_type = #tpu.core_type<sc_vector_subcore>, window_params = [{transform_indices = #map}, {transform_indices = #map}, {transform_indices = #map}, {transform_indices = #map}, {transform_indices = #map}, {transform_indices = #map}, {transform_indices = #map}, {transform_indices = #map}, {transform_indices = #map1}]} {
    %mul3A = arith.constant 2 : i32
    %mul3A_0 = arith.muli %arg1, %mul3A : i32
    %add3A = arith.addi %mul3A_0, %arg0 : i32
    %jit3A = arith.constant 8 : i32
    %div3A = arith.divsi %add3A, %jit3A : i32
    %sign3A = arith.constant 0 : i32
    %sign3A_1 = arith.cmpi sgt, %add3A, %sign3A : i32
    %sign3A_2 = arith.extui %sign3A_1 : i1 to i32
    %sign3A_3 = arith.constant 0 : i32
    %sign3A_4 = arith.cmpi slt, %add3A, %sign3A_3 : i32
    %sign3A_5 = arith.extui %sign3A_4 : i1 to i32
    %sign3A_6 = arith.subi %sign3A_2, %sign3A_5 : i32
    %sign3A_7 = arith.constant 0 : i32
    %sign3A_8 = arith.cmpi sgt, %jit3A, %sign3A_7 : i32
    %sign3A_9 = arith.extui %sign3A_8 : i1 to i32
    %sign3A_10 = arith.constant 0 : i32
    %sign3A_11 = arith.cmpi slt, %jit3A, %sign3A_10 : i32
    %sign3A_12 = arith.extui %sign3A_11 : i1 to i32
    %sign3A_13 = arith.subi %sign3A_9, %sign3A_12 : i32
    %ne3A = arith.cmpi ne, %sign3A_6, %sign3A_13 : i32
    %rem3A = arith.remsi %add3A, %jit3A : i32
    %ne3A_14 = arith.constant 0 : i32
    %ne3A_15 = arith.cmpi ne, %rem3A, %ne3A_14 : i32
    %and3A = arith.andi %ne3A, %ne3A_15 : i1
    %sub3A = arith.constant 1 : i32
    %sub3A_16 = arith.subi %div3A, %sub3A : i32
    %select_n3A = arith.select %and3A, %sub3A_16, %div3A : i32
    %jit3A_17 = arith.constant 8 : i32
    %eq3A = arith.constant 0 : i32
    %eq3A_18 = arith.cmpi eq, %jit3A_17, %eq3A : i32
    %jit3A_19 = arith.constant 1 : i32
    %select_n3A_20 = arith.select %eq3A_18, %jit3A_19, %jit3A_17 : i32
    %rem3A_21 = arith.remsi %add3A, %select_n3A_20 : i32
    %ne3A_22 = arith.constant 0 : i32
    %ne3A_23 = arith.cmpi ne, %rem3A_21, %ne3A_22 : i32
    %lt3A = arith.constant 0 : i32
    %lt3A_24 = arith.cmpi slt, %rem3A_21, %lt3A : i32
    %lt3A_25 = arith.constant 0 : i32
    %lt3A_26 = arith.cmpi slt, %select_n3A_20, %lt3A_25 : i32
    %ne3A_27 = arith.xori %lt3A_24, %lt3A_26 : i1
    %and3A_28 = arith.andi %ne3A_27, %ne3A_23 : i1
    %add3A_29 = arith.addi %rem3A_21, %select_n3A_20 : i32
    %select_n3A_30 = arith.select %and3A_28, %add3A_29, %rem3A_21 : i32
    "tpu.region"() ({
      %run_scoped3A = tpu.sem_alloc : memref<!tpu.dma_semaphore, #tpu.memory_space<semaphore_mem>>
      %dma_start3A = arith.constant 0 : i32
      %dma_start3A_48 = tpu.memref_slice %arg2[%select_n3A, %dma_start3A] : memref<4x16384xf32, #tpu.memory_space<hbm>> -> memref<1x16384xf32, #tpu.memory_space<hbm>>
      %dma_start3A_49 = tpu.memref_squeeze %dma_start3A_48 : memref<1x16384xf32, #tpu.memory_space<hbm>> -> memref<16384xf32, #tpu.memory_space<hbm>>
      %dma_start3A_50 = arith.constant 0 : i32
      %dma_start3A_51 = tpu.memref_slice %arg2[%select_n3A, %dma_start3A_50] : memref<4x16384xf32, #tpu.memory_space<hbm>> -> memref<1x16384xf32, #tpu.memory_space<hbm>>
      %dma_start3A_52 = tpu.memref_squeeze %dma_start3A_51 : memref<1x16384xf32, #tpu.memory_space<hbm>> -> memref<16384xf32, #tpu.memory_space<hbm>>
      tpu.enqueue_dma source(%dma_start3A_52 : memref<16384xf32, #tpu.memory_space<hbm>>) target(%arg11 : memref<16384xf32, #tpu.memory_space<vmem>>) target_semaphore(%run_scoped3A : memref<!tpu.dma_semaphore, #tpu.memory_space<semaphore_mem>>)
      %dma_wait3A = arith.constant 0 : i32
      %dma_wait3A_53 = tpu.memref_slice %arg2[%select_n3A, %dma_wait3A] : memref<4x16384xf32, #tpu.memory_space<hbm>> -> memref<1x16384xf32, #tpu.memory_space<hbm>>
      %dma_wait3A_54 = tpu.memref_squeeze %dma_wait3A_53 : memref<1x16384xf32, #tpu.memory_space<hbm>> -> memref<16384xf32, #tpu.memory_space<hbm>>
      %dma_wait3A_55 = arith.constant 0 : i32
      %dma_wait3A_56 = tpu.memref_slice %arg2[%select_n3A, %dma_wait3A_55] : memref<4x16384xf32, #tpu.memory_space<hbm>> -> memref<1x16384xf32, #tpu.memory_space<hbm>>
      %dma_wait3A_57 = tpu.memref_squeeze %dma_wait3A_56 : memref<1x16384xf32, #tpu.memory_space<hbm>> -> memref<16384xf32, #tpu.memory_space<hbm>>
      tpu.wait_dma2 semaphore(%run_scoped3A : memref<!tpu.dma_semaphore, #tpu.memory_space<semaphore_mem>>) src(%dma_wait3A_57 : memref<16384xf32, #tpu.memory_space<hbm>>) dst(%arg11 : memref<16384xf32, #tpu.memory_space<vmem>>)
      tpu.yield
    }) : () -> ()
    "tpu.region"() ({
      %run_scoped3A = tpu.sem_alloc : memref<!tpu.dma_semaphore, #tpu.memory_space<semaphore_mem>>
      %dma_start3A = arith.constant 0 : i32
      %dma_start3A_48 = tpu.memref_slice %arg3[%select_n3A, %dma_start3A] : memref<4x16384xf32, #tpu.memory_space<hbm>> -> memref<1x16384xf32, #tpu.memory_space<hbm>>
      %dma_start3A_49 = tpu.memref_squeeze %dma_start3A_48 : memref<1x16384xf32, #tpu.memory_space<hbm>> -> memref<16384xf32, #tpu.memory_space<hbm>>
      %dma_start3A_50 = arith.constant 0 : i32
      %dma_start3A_51 = tpu.memref_slice %arg3[%select_n3A, %dma_start3A_50] : memref<4x16384xf32, #tpu.memory_space<hbm>> -> memref<1x16384xf32, #tpu.memory_space<hbm>>
      %dma_start3A_52 = tpu.memref_squeeze %dma_start3A_51 : memref<1x16384xf32, #tpu.memory_space<hbm>> -> memref<16384xf32, #tpu.memory_space<hbm>>
      tpu.enqueue_dma source(%dma_start3A_52 : memref<16384xf32, #tpu.memory_space<hbm>>) target(%arg12 : memref<16384xf32, #tpu.memory_space<vmem>>) target_semaphore(%run_scoped3A : memref<!tpu.dma_semaphore, #tpu.memory_space<semaphore_mem>>)
      %dma_wait3A = arith.constant 0 : i32
      %dma_wait3A_53 = tpu.memref_slice %arg3[%select_n3A, %dma_wait3A] : memref<4x16384xf32, #tpu.memory_space<hbm>> -> memref<1x16384xf32, #tpu.memory_space<hbm>>
      %dma_wait3A_54 = tpu.memref_squeeze %dma_wait3A_53 : memref<1x16384xf32, #tpu.memory_space<hbm>> -> memref<16384xf32, #tpu.memory_space<hbm>>
      %dma_wait3A_55 = arith.constant 0 : i32
      %dma_wait3A_56 = tpu.memref_slice %arg3[%select_n3A, %dma_wait3A_55] : memref<4x16384xf32, #tpu.memory_space<hbm>> -> memref<1x16384xf32, #tpu.memory_space<hbm>>
      %dma_wait3A_57 = tpu.memref_squeeze %dma_wait3A_56 : memref<1x16384xf32, #tpu.memory_space<hbm>> -> memref<16384xf32, #tpu.memory_space<hbm>>
      tpu.wait_dma2 semaphore(%run_scoped3A : memref<!tpu.dma_semaphore, #tpu.memory_space<semaphore_mem>>) src(%dma_wait3A_57 : memref<16384xf32, #tpu.memory_space<hbm>>) dst(%arg12 : memref<16384xf32, #tpu.memory_space<vmem>>)
      tpu.yield
    }) : () -> ()
    "tpu.region"() ({
      %run_scoped3A = tpu.sem_alloc : memref<!tpu.dma_semaphore, #tpu.memory_space<semaphore_mem>>
      %dma_start3A = arith.constant 0 : i32
      %dma_start3A_48 = tpu.memref_slice %arg4[%select_n3A, %dma_start3A] : memref<4x16384xf32, #tpu.memory_space<hbm>> -> memref<1x16384xf32, #tpu.memory_space<hbm>>
      %dma_start3A_49 = tpu.memref_squeeze %dma_start3A_48 : memref<1x16384xf32, #tpu.memory_space<hbm>> -> memref<16384xf32, #tpu.memory_space<hbm>>
      %dma_start3A_50 = arith.constant 0 : i32
      %dma_start3A_51 = tpu.memref_slice %arg4[%select_n3A, %dma_start3A_50] : memref<4x16384xf32, #tpu.memory_space<hbm>> -> memref<1x16384xf32, #tpu.memory_space<hbm>>
      %dma_start3A_52 = tpu.memref_squeeze %dma_start3A_51 : memref<1x16384xf32, #tpu.memory_space<hbm>> -> memref<16384xf32, #tpu.memory_space<hbm>>
      tpu.enqueue_dma source(%dma_start3A_52 : memref<16384xf32, #tpu.memory_space<hbm>>) target(%arg13 : memref<16384xf32, #tpu.memory_space<vmem>>) target_semaphore(%run_scoped3A : memref<!tpu.dma_semaphore, #tpu.memory_space<semaphore_mem>>)
      %dma_wait3A = arith.constant 0 : i32
      %dma_wait3A_53 = tpu.memref_slice %arg4[%select_n3A, %dma_wait3A] : memref<4x16384xf32, #tpu.memory_space<hbm>> -> memref<1x16384xf32, #tpu.memory_space<hbm>>
      %dma_wait3A_54 = tpu.memref_squeeze %dma_wait3A_53 : memref<1x16384xf32, #tpu.memory_space<hbm>> -> memref<16384xf32, #tpu.memory_space<hbm>>
      %dma_wait3A_55 = arith.constant 0 : i32
      %dma_wait3A_56 = tpu.memref_slice %arg4[%select_n3A, %dma_wait3A_55] : memref<4x16384xf32, #tpu.memory_space<hbm>> -> memref<1x16384xf32, #tpu.memory_space<hbm>>
      %dma_wait3A_57 = tpu.memref_squeeze %dma_wait3A_56 : memref<1x16384xf32, #tpu.memory_space<hbm>> -> memref<16384xf32, #tpu.memory_space<hbm>>
      tpu.wait_dma2 semaphore(%run_scoped3A : memref<!tpu.dma_semaphore, #tpu.memory_space<semaphore_mem>>) src(%dma_wait3A_57 : memref<16384xf32, #tpu.memory_space<hbm>>) dst(%arg13 : memref<16384xf32, #tpu.memory_space<vmem>>)
      tpu.yield
    }) : () -> ()
    "tpu.region"() ({
      %run_scoped3A = tpu.sem_alloc : memref<!tpu.dma_semaphore, #tpu.memory_space<semaphore_mem>>
      %dma_start3A = arith.constant 0 : i32
      %dma_start3A_48 = tpu.memref_slice %arg5[%select_n3A, %dma_start3A] : memref<4x16384xf32, #tpu.memory_space<hbm>> -> memref<1x16384xf32, #tpu.memory_space<hbm>>
      %dma_start3A_49 = tpu.memref_squeeze %dma_start3A_48 : memref<1x16384xf32, #tpu.memory_space<hbm>> -> memref<16384xf32, #tpu.memory_space<hbm>>
      %dma_start3A_50 = arith.constant 0 : i32
      %dma_start3A_51 = tpu.memref_slice %arg5[%select_n3A, %dma_start3A_50] : memref<4x16384xf32, #tpu.memory_space<hbm>> -> memref<1x16384xf32, #tpu.memory_space<hbm>>
      %dma_start3A_52 = tpu.memref_squeeze %dma_start3A_51 : memref<1x16384xf32, #tpu.memory_space<hbm>> -> memref<16384xf32, #tpu.memory_space<hbm>>
      tpu.enqueue_dma source(%dma_start3A_52 : memref<16384xf32, #tpu.memory_space<hbm>>) target(%arg14 : memref<16384xf32, #tpu.memory_space<vmem>>) target_semaphore(%run_scoped3A : memref<!tpu.dma_semaphore, #tpu.memory_space<semaphore_mem>>)
      %dma_wait3A = arith.constant 0 : i32
      %dma_wait3A_53 = tpu.memref_slice %arg5[%select_n3A, %dma_wait3A] : memref<4x16384xf32, #tpu.memory_space<hbm>> -> memref<1x16384xf32, #tpu.memory_space<hbm>>
      %dma_wait3A_54 = tpu.memref_squeeze %dma_wait3A_53 : memref<1x16384xf32, #tpu.memory_space<hbm>> -> memref<16384xf32, #tpu.memory_space<hbm>>
      %dma_wait3A_55 = arith.constant 0 : i32
      %dma_wait3A_56 = tpu.memref_slice %arg5[%select_n3A, %dma_wait3A_55] : memref<4x16384xf32, #tpu.memory_space<hbm>> -> memref<1x16384xf32, #tpu.memory_space<hbm>>
      %dma_wait3A_57 = tpu.memref_squeeze %dma_wait3A_56 : memref<1x16384xf32, #tpu.memory_space<hbm>> -> memref<16384xf32, #tpu.memory_space<hbm>>
      tpu.wait_dma2 semaphore(%run_scoped3A : memref<!tpu.dma_semaphore, #tpu.memory_space<semaphore_mem>>) src(%dma_wait3A_57 : memref<16384xf32, #tpu.memory_space<hbm>>) dst(%arg14 : memref<16384xf32, #tpu.memory_space<vmem>>)
      tpu.yield
    }) : () -> ()
    %mul3A_31 = arith.constant 128 : i32
    %mul3A_32 = arith.muli %select_n3A_30, %mul3A_31 : i32
    "tpu.region"() ({
      %run_scoped3A = tpu.sem_alloc : memref<!tpu.dma_semaphore, #tpu.memory_space<semaphore_mem>>
      %dma_start3A = tpu.memref_slice %arg6[%select_n3A, %mul3A_32] : memref<4x1024xf32, #tpu.memory_space<hbm>> -> memref<1x128xf32, #tpu.memory_space<hbm>>
      %dma_start3A_48 = tpu.memref_squeeze %dma_start3A : memref<1x128xf32, #tpu.memory_space<hbm>> -> memref<128xf32, #tpu.memory_space<hbm>>
      %dma_start3A_49 = tpu.memref_slice %arg6[%select_n3A, %mul3A_32] : memref<4x1024xf32, #tpu.memory_space<hbm>> -> memref<1x128xf32, #tpu.memory_space<hbm>>
      %dma_start3A_50 = tpu.memref_squeeze %dma_start3A_49 : memref<1x128xf32, #tpu.memory_space<hbm>> -> memref<128xf32, #tpu.memory_space<hbm>>
      tpu.enqueue_dma source(%dma_start3A_50 : memref<128xf32, #tpu.memory_space<hbm>>) target(%arg15 : memref<128xf32, #tpu.memory_space<vmem>>) target_semaphore(%run_scoped3A : memref<!tpu.dma_semaphore, #tpu.memory_space<semaphore_mem>>)
      %dma_wait3A = tpu.memref_slice %arg6[%select_n3A, %mul3A_32] : memref<4x1024xf32, #tpu.memory_space<hbm>> -> memref<1x128xf32, #tpu.memory_space<hbm>>
      %dma_wait3A_51 = tpu.memref_squeeze %dma_wait3A : memref<1x128xf32, #tpu.memory_space<hbm>> -> memref<128xf32, #tpu.memory_space<hbm>>
      %dma_wait3A_52 = tpu.memref_slice %arg6[%select_n3A, %mul3A_32] : memref<4x1024xf32, #tpu.memory_space<hbm>> -> memref<1x128xf32, #tpu.memory_space<hbm>>
      %dma_wait3A_53 = tpu.memref_squeeze %dma_wait3A_52 : memref<1x128xf32, #tpu.memory_space<hbm>> -> memref<128xf32, #tpu.memory_space<hbm>>
      tpu.wait_dma2 semaphore(%run_scoped3A : memref<!tpu.dma_semaphore, #tpu.memory_space<semaphore_mem>>) src(%dma_wait3A_53 : memref<128xf32, #tpu.memory_space<hbm>>) dst(%arg15 : memref<128xf32, #tpu.memory_space<vmem>>)
      tpu.yield
    }) : () -> ()
    %mul3A_33 = arith.constant 128 : i32
    %mul3A_34 = arith.muli %select_n3A_30, %mul3A_33 : i32
    "tpu.region"() ({
      %run_scoped3A = tpu.sem_alloc : memref<!tpu.dma_semaphore, #tpu.memory_space<semaphore_mem>>
      %dma_start3A = tpu.memref_slice %arg7[%select_n3A, %mul3A_34] : memref<4x1024xf32, #tpu.memory_space<hbm>> -> memref<1x128xf32, #tpu.memory_space<hbm>>
      %dma_start3A_48 = tpu.memref_squeeze %dma_start3A : memref<1x128xf32, #tpu.memory_space<hbm>> -> memref<128xf32, #tpu.memory_space<hbm>>
      %dma_start3A_49 = tpu.memref_slice %arg7[%select_n3A, %mul3A_34] : memref<4x1024xf32, #tpu.memory_space<hbm>> -> memref<1x128xf32, #tpu.memory_space<hbm>>
      %dma_start3A_50 = tpu.memref_squeeze %dma_start3A_49 : memref<1x128xf32, #tpu.memory_space<hbm>> -> memref<128xf32, #tpu.memory_space<hbm>>
      tpu.enqueue_dma source(%dma_start3A_50 : memref<128xf32, #tpu.memory_space<hbm>>) target(%arg16 : memref<128xf32, #tpu.memory_space<vmem>>) target_semaphore(%run_scoped3A : memref<!tpu.dma_semaphore, #tpu.memory_space<semaphore_mem>>)
      %dma_wait3A = tpu.memref_slice %arg7[%select_n3A, %mul3A_34] : memref<4x1024xf32, #tpu.memory_space<hbm>> -> memref<1x128xf32, #tpu.memory_space<hbm>>
      %dma_wait3A_51 = tpu.memref_squeeze %dma_wait3A : memref<1x128xf32, #tpu.memory_space<hbm>> -> memref<128xf32, #tpu.memory_space<hbm>>
      %dma_wait3A_52 = tpu.memref_slice %arg7[%select_n3A, %mul3A_34] : memref<4x1024xf32, #tpu.memory_space<hbm>> -> memref<1x128xf32, #tpu.memory_space<hbm>>
      %dma_wait3A_53 = tpu.memref_squeeze %dma_wait3A_52 : memref<1x128xf32, #tpu.memory_space<hbm>> -> memref<128xf32, #tpu.memory_space<hbm>>
      tpu.wait_dma2 semaphore(%run_scoped3A : memref<!tpu.dma_semaphore, #tpu.memory_space<semaphore_mem>>) src(%dma_wait3A_53 : memref<128xf32, #tpu.memory_space<hbm>>) dst(%arg16 : memref<128xf32, #tpu.memory_space<vmem>>)
      tpu.yield
    }) : () -> ()
    %mul3A_35 = arith.constant 128 : i32
    %mul3A_36 = arith.muli %select_n3A_30, %mul3A_35 : i32
    "tpu.region"() ({
      %run_scoped3A = tpu.sem_alloc : memref<!tpu.dma_semaphore, #tpu.memory_space<semaphore_mem>>
      %dma_start3A = tpu.memref_slice %arg8[%select_n3A, %mul3A_36] : memref<4x1024xf32, #tpu.memory_space<hbm>> -> memref<1x128xf32, #tpu.memory_space<hbm>>
      %dma_start3A_48 = tpu.memref_squeeze %dma_start3A : memref<1x128xf32, #tpu.memory_space<hbm>> -> memref<128xf32, #tpu.memory_space<hbm>>
      %dma_start3A_49 = tpu.memref_slice %arg8[%select_n3A, %mul3A_36] : memref<4x1024xf32, #tpu.memory_space<hbm>> -> memref<1x128xf32, #tpu.memory_space<hbm>>
      %dma_start3A_50 = tpu.memref_squeeze %dma_start3A_49 : memref<1x128xf32, #tpu.memory_space<hbm>> -> memref<128xf32, #tpu.memory_space<hbm>>
      tpu.enqueue_dma source(%dma_start3A_50 : memref<128xf32, #tpu.memory_space<hbm>>) target(%arg17 : memref<128xf32, #tpu.memory_space<vmem>>) target_semaphore(%run_scoped3A : memref<!tpu.dma_semaphore, #tpu.memory_space<semaphore_mem>>)
      %dma_wait3A = tpu.memref_slice %arg8[%select_n3A, %mul3A_36] : memref<4x1024xf32, #tpu.memory_space<hbm>> -> memref<1x128xf32, #tpu.memory_space<hbm>>
      %dma_wait3A_51 = tpu.memref_squeeze %dma_wait3A : memref<1x128xf32, #tpu.memory_space<hbm>> -> memref<128xf32, #tpu.memory_space<hbm>>
      %dma_wait3A_52 = tpu.memref_slice %arg8[%select_n3A, %mul3A_36] : memref<4x1024xf32, #tpu.memory_space<hbm>> -> memref<1x128xf32, #tpu.memory_space<hbm>>
      %dma_wait3A_53 = tpu.memref_squeeze %dma_wait3A_52 : memref<1x128xf32, #tpu.memory_space<hbm>> -> memref<128xf32, #tpu.memory_space<hbm>>
      tpu.wait_dma2 semaphore(%run_scoped3A : memref<!tpu.dma_semaphore, #tpu.memory_space<semaphore_mem>>) src(%dma_wait3A_53 : memref<128xf32, #tpu.memory_space<hbm>>) dst(%arg17 : memref<128xf32, #tpu.memory_space<vmem>>)
      tpu.yield
    }) : () -> ()
    %mul3A_37 = arith.constant 128 : i32
    %mul3A_38 = arith.muli %select_n3A_30, %mul3A_37 : i32
    "tpu.region"() ({
      %run_scoped3A = tpu.sem_alloc : memref<!tpu.dma_semaphore, #tpu.memory_space<semaphore_mem>>
      %dma_start3A = tpu.memref_slice %arg9[%select_n3A, %mul3A_38] : memref<4x1024xf32, #tpu.memory_space<hbm>> -> memref<1x128xf32, #tpu.memory_space<hbm>>
      %dma_start3A_48 = tpu.memref_squeeze %dma_start3A : memref<1x128xf32, #tpu.memory_space<hbm>> -> memref<128xf32, #tpu.memory_space<hbm>>
      %dma_start3A_49 = tpu.memref_slice %arg9[%select_n3A, %mul3A_38] : memref<4x1024xf32, #tpu.memory_space<hbm>> -> memref<1x128xf32, #tpu.memory_space<hbm>>
      %dma_start3A_50 = tpu.memref_squeeze %dma_start3A_49 : memref<1x128xf32, #tpu.memory_space<hbm>> -> memref<128xf32, #tpu.memory_space<hbm>>
      tpu.enqueue_dma source(%dma_start3A_50 : memref<128xf32, #tpu.memory_space<hbm>>) target(%arg18 : memref<128xf32, #tpu.memory_space<vmem>>) target_semaphore(%run_scoped3A : memref<!tpu.dma_semaphore, #tpu.memory_space<semaphore_mem>>)
      %dma_wait3A = tpu.memref_slice %arg9[%select_n3A, %mul3A_38] : memref<4x1024xf32, #tpu.memory_space<hbm>> -> memref<1x128xf32, #tpu.memory_space<hbm>>
      %dma_wait3A_51 = tpu.memref_squeeze %dma_wait3A : memref<1x128xf32, #tpu.memory_space<hbm>> -> memref<128xf32, #tpu.memory_space<hbm>>
      %dma_wait3A_52 = tpu.memref_slice %arg9[%select_n3A, %mul3A_38] : memref<4x1024xf32, #tpu.memory_space<hbm>> -> memref<1x128xf32, #tpu.memory_space<hbm>>
      %dma_wait3A_53 = tpu.memref_squeeze %dma_wait3A_52 : memref<1x128xf32, #tpu.memory_space<hbm>> -> memref<128xf32, #tpu.memory_space<hbm>>
      tpu.wait_dma2 semaphore(%run_scoped3A : memref<!tpu.dma_semaphore, #tpu.memory_space<semaphore_mem>>) src(%dma_wait3A_53 : memref<128xf32, #tpu.memory_space<hbm>>) dst(%arg18 : memref<128xf32, #tpu.memory_space<vmem>>)
      tpu.yield
    }) : () -> ()
    %iota3A = tpu.iota {dimensions = array<i32: 0>} : vector<16xi32>
    %broadcast_in_dim3A = arith.constant 4.000000e-02 : f32
    %broadcast_in_dim3A_39 = vector.broadcast %broadcast_in_dim3A : f32 to vector<16xf32>
    %broadcast_in_dim3A_40 = arith.constant -1.000000e+30 : f32
    %broadcast_in_dim3A_41 = vector.broadcast %broadcast_in_dim3A_40 : f32 to vector<16xf32>
    %scan3A = arith.constant 0 : i32
    %scan3A_42 = arith.constant 32 : i32
    %scan3A_43 = arith.addi %scan3A, %scan3A_42 : i32
    %scan3A_44 = arith.constant 1 : i32
    scf.for %scan3A_48 = %scan3A to %scan3A_43 step %scan3A_44  : i32 {
      %mul3A_49 = arith.constant 4 : i32
      %mul3A_50 = arith.muli %scan3A_48, %mul3A_49 : i32
      %add3A_51 = arith.constant 0 : i32
      %add3A_52 = arith.addi %mul3A_50, %add3A_51 : i32
      %broadcast_in_dim3A_53 = vector.broadcast %add3A_52 : i32 to vector<16xi32>
      %gather3A = tpu.vector_load_idx %arg15[%broadcast_in_dim3A_53] : memref<128xf32, #tpu.memory_space<vmem>>[vector<16xi32>], vector<16xf32>,
      %gather3A_54 = tpu.vector_load_idx %arg16[%broadcast_in_dim3A_53] : memref<128xf32, #tpu.memory_space<vmem>>[vector<16xi32>], vector<16xf32>,
      %gather3A_55 = tpu.vector_load_idx %arg17[%broadcast_in_dim3A_53] : memref<128xf32, #tpu.memory_space<vmem>>[vector<16xi32>], vector<16xf32>,
      %gather3A_56 = tpu.vector_load_idx %arg18[%broadcast_in_dim3A_53] : memref<128xf32, #tpu.memory_space<vmem>>[vector<16xi32>], vector<16xf32>,
      %mul3A_57 = arith.constant 4 : i32
      %mul3A_58 = arith.muli %scan3A_48, %mul3A_57 : i32
      %add3A_59 = arith.constant 1 : i32
      %add3A_60 = arith.addi %mul3A_58, %add3A_59 : i32
      %broadcast_in_dim3A_61 = vector.broadcast %add3A_60 : i32 to vector<16xi32>
      %gather3A_62 = tpu.vector_load_idx %arg15[%broadcast_in_dim3A_61] : memref<128xf32, #tpu.memory_space<vmem>>[vector<16xi32>], vector<16xf32>,
      %gather3A_63 = tpu.vector_load_idx %arg16[%broadcast_in_dim3A_61] : memref<128xf32, #tpu.memory_space<vmem>>[vector<16xi32>], vector<16xf32>,
      %gather3A_64 = tpu.vector_load_idx %arg17[%broadcast_in_dim3A_61] : memref<128xf32, #tpu.memory_space<vmem>>[vector<16xi32>], vector<16xf32>,
      %gather3A_65 = tpu.vector_load_idx %arg18[%broadcast_in_dim3A_61] : memref<128xf32, #tpu.memory_space<vmem>>[vector<16xi32>], vector<16xf32>,
      %mul3A_66 = arith.constant 4 : i32
      %mul3A_67 = arith.muli %scan3A_48, %mul3A_66 : i32
      %add3A_68 = arith.constant 2 : i32
      %add3A_69 = arith.addi %mul3A_67, %add3A_68 : i32
      %broadcast_in_dim3A_70 = vector.broadcast %add3A_69 : i32 to vector<16xi32>
      %gather3A_71 = tpu.vector_load_idx %arg15[%broadcast_in_dim3A_70] : memref<128xf32, #tpu.memory_space<vmem>>[vector<16xi32>], vector<16xf32>,
      %gather3A_72 = tpu.vector_load_idx %arg16[%broadcast_in_dim3A_70] : memref<128xf32, #tpu.memory_space<vmem>>[vector<16xi32>], vector<16xf32>,
      %gather3A_73 = tpu.vector_load_idx %arg17[%broadcast_in_dim3A_70] : memref<128xf32, #tpu.memory_space<vmem>>[vector<16xi32>], vector<16xf32>,
      %gather3A_74 = tpu.vector_load_idx %arg18[%broadcast_in_dim3A_70] : memref<128xf32, #tpu.memory_space<vmem>>[vector<16xi32>], vector<16xf32>,
      %mul3A_75 = arith.constant 4 : i32
      %mul3A_76 = arith.muli %scan3A_48, %mul3A_75 : i32
      %add3A_77 = arith.constant 3 : i32
      %add3A_78 = arith.addi %mul3A_76, %add3A_77 : i32
      %broadcast_in_dim3A_79 = vector.broadcast %add3A_78 : i32 to vector<16xi32>
      %gather3A_80 = tpu.vector_load_idx %arg15[%broadcast_in_dim3A_79] : memref<128xf32, #tpu.memory_space<vmem>>[vector<16xi32>], vector<16xf32>,
      %gather3A_81 = tpu.vector_load_idx %arg16[%broadcast_in_dim3A_79] : memref<128xf32, #tpu.memory_space<vmem>>[vector<16xi32>], vector<16xf32>,
      %gather3A_82 = tpu.vector_load_idx %arg17[%broadcast_in_dim3A_79] : memref<128xf32, #tpu.memory_space<vmem>>[vector<16xi32>], vector<16xf32>,
      %gather3A_83 = tpu.vector_load_idx %arg18[%broadcast_in_dim3A_79] : memref<128xf32, #tpu.memory_space<vmem>>[vector<16xi32>], vector<16xf32>,
      %while3A = arith.constant 0 : i32
      %while3A_84 = arith.constant 0 : i32
      %while3A_85 = arith.constant 0 : i32
      %while3A_86 = arith.constant 0 : i32
      %while3A_87 = arith.constant 0 : i32
      %while3A_88:5 = scf.while (%while3A_184 = %while3A, %while3A_185 = %while3A_84, %while3A_186 = %while3A_85, %while3A_187 = %while3A_86, %while3A_188 = %while3A_87) : (i32, i32, i32, i32, i32) -> (i32, i32, i32, i32, i32) {
        %lt3A_189 = arith.constant 32 : i32
        %lt3A_190 = arith.cmpi slt, %while3A_185, %lt3A_189 : i32
        %lt3A_191 = arith.constant 32 : i32
        %lt3A_192 = arith.cmpi slt, %while3A_186, %lt3A_191 : i32
        %or3A = arith.ori %lt3A_190, %lt3A_192 : i1
        %lt3A_193 = arith.constant 32 : i32
        %lt3A_194 = arith.cmpi slt, %while3A_187, %lt3A_193 : i32
        %or3A_195 = arith.ori %or3A, %lt3A_194 : i1
        %lt3A_196 = arith.constant 32 : i32
        %lt3A_197 = arith.cmpi slt, %while3A_188, %lt3A_196 : i32
        %or3A_198 = arith.ori %or3A_195, %lt3A_197 : i1
        %lt3A_199 = arith.constant 256 : i32
        %lt3A_200 = arith.cmpi slt, %while3A_184, %lt3A_199 : i32
        %and3A_201 = arith.andi %or3A_198, %lt3A_200 : i1
        scf.condition(%and3A_201) %while3A_184, %while3A_185, %while3A_186, %while3A_187, %while3A_188 : i32, i32, i32, i32, i32
      } do {
      ^bb0(%while3A_184: i32, %while3A_185: i32, %while3A_186: i32, %while3A_187: i32, %while3A_188: i32):
        %mul3A_189 = arith.constant 64 : i32
        %mul3A_190 = arith.muli %while3A_184, %mul3A_189 : i32
        %lt3A_191 = arith.constant 32 : i32
        %lt3A_192 = arith.cmpi slt, %while3A_185, %lt3A_191 : i32
        %select_n3A_193 = arith.select %lt3A_192, %broadcast_in_dim3A_39, %broadcast_in_dim3A_41 : vector<16xf32>
        %lt3A_194 = arith.constant 32 : i32
        %lt3A_195 = arith.cmpi slt, %while3A_186, %lt3A_194 : i32
        %select_n3A_196 = arith.select %lt3A_195, %broadcast_in_dim3A_39, %broadcast_in_dim3A_41 : vector<16xf32>
        %lt3A_197 = arith.constant 32 : i32
        %lt3A_198 = arith.cmpi slt, %while3A_187, %lt3A_197 : i32
        %select_n3A_199 = arith.select %lt3A_198, %broadcast_in_dim3A_39, %broadcast_in_dim3A_41 : vector<16xf32>
        %lt3A_200 = arith.constant 32 : i32
        %lt3A_201 = arith.cmpi slt, %while3A_188, %lt3A_200 : i32
        %select_n3A_202 = arith.select %lt3A_201, %broadcast_in_dim3A_39, %broadcast_in_dim3A_41 : vector<16xf32>
        %add3A_203 = arith.constant 0 : i32
        %add3A_204 = arith.addi %mul3A_190, %add3A_203 : i32
        %get3A_205 = arith.index_cast %add3A_204 : i32 to index
        %get3A_206 = tpu.vector_load %arg11[%get3A_205] {strides = array<i32>} : memref<16384xf32, #tpu.memory_space<vmem>>, vector<16xf32>,
        %get3A_207 = arith.index_cast %add3A_204 : i32 to index
        %get3A_208 = tpu.vector_load %arg12[%get3A_207] {strides = array<i32>} : memref<16384xf32, #tpu.memory_space<vmem>>, vector<16xf32>,
        %get3A_209 = arith.index_cast %add3A_204 : i32 to index
        %get3A_210 = tpu.vector_load %arg13[%get3A_209] {strides = array<i32>} : memref<16384xf32, #tpu.memory_space<vmem>>, vector<16xf32>,
        %get3A_211 = arith.index_cast %add3A_204 : i32 to index
        %get3A_212 = tpu.vector_load %arg14[%get3A_211] {strides = array<i32>} : memref<16384xf32, #tpu.memory_space<vmem>>, vector<16xf32>,
        %mul3A_213 = arith.mulf %gather3A, %get3A_206 : vector<16xf32>
        %mul3A_214 = arith.mulf %gather3A_54, %get3A_208 : vector<16xf32>
        %add3A_215 = arith.addf %mul3A_213, %mul3A_214 : vector<16xf32>
        %mul3A_216 = arith.mulf %gather3A_55, %get3A_210 : vector<16xf32>
        %add3A_217 = arith.addf %add3A_215, %mul3A_216 : vector<16xf32>
        %add3A_218 = arith.addf %gather3A_56, %get3A_212 : vector<16xf32>
        %add3A_219 = arith.addf %add3A_217, %add3A_217 : vector<16xf32>
        %sub3A_220 = arith.subf %add3A_218, %add3A_219 : vector<16xf32>
        %le3A = arith.cmpf ole, %sub3A_220, %select_n3A_193 : vector<16xf32>
        %add3A_221 = vector.broadcast %add3A_204 : i32 to vector<16xi32>
        %add3A_222 = arith.addi %add3A_221, %iota3A : vector<16xi32>
        %swap3A = arith.index_cast %while3A_185 : i32 to index
        %swap3A_223 = tpu.vector_load %arg19[%swap3A] masked %le3A {strides = array<i32>} : memref<128xi32, #tpu.memory_space<vmem>>, vector<16xi32>, vector<16xi1>
        tpu.vector_store %arg19[%swap3A], %add3A_222 masked %le3A {strides = array<i32>} : memref<128xi32, #tpu.memory_space<vmem>>, vector<16xi32>, vector<16xi1>
        %all_reduce_population_count3A = tpu.all_reduce %le3A {dim = 0 : i64, kind = #tpu.reduction_kind<sum>} : vector<16xi1> -> vector<16xi32>
        %slice3A = vector.extract_strided_slice %all_reduce_population_count3A {offsets = [0], sizes = [1], strides = [1]} : vector<16xi32> to vector<1xi32>
        %squeeze3A = vector.extract %slice3A[0] : i32 from vector<1xi32>
        %add3A_224 = arith.addi %while3A_185, %squeeze3A : i32
        %mul3A_225 = arith.mulf %gather3A_62, %get3A_206 : vector<16xf32>
        %mul3A_226 = arith.mulf %gather3A_63, %get3A_208 : vector<16xf32>
        %add3A_227 = arith.addf %mul3A_225, %mul3A_226 : vector<16xf32>
        %mul3A_228 = arith.mulf %gather3A_64, %get3A_210 : vector<16xf32>
        %add3A_229 = arith.addf %add3A_227, %mul3A_228 : vector<16xf32>
        %add3A_230 = arith.addf %gather3A_65, %get3A_212 : vector<16xf32>
        %add3A_231 = arith.addf %add3A_229, %add3A_229 : vector<16xf32>
        %sub3A_232 = arith.subf %add3A_230, %add3A_231 : vector<16xf32>
        %le3A_233 = arith.cmpf ole, %sub3A_232, %select_n3A_196 : vector<16xf32>
        %add3A_234 = vector.broadcast %add3A_204 : i32 to vector<16xi32>
        %add3A_235 = arith.addi %add3A_234, %iota3A : vector<16xi32>
        %swap3A_236 = arith.index_cast %while3A_186 : i32 to index
        %swap3A_237 = tpu.vector_load %arg20[%swap3A_236] masked %le3A_233 {strides = array<i32>} : memref<128xi32, #tpu.memory_space<vmem>>, vector<16xi32>, vector<16xi1>
        tpu.vector_store %arg20[%swap3A_236], %add3A_235 masked %le3A_233 {strides = array<i32>} : memref<128xi32, #tpu.memory_space<vmem>>, vector<16xi32>, vector<16xi1>
        %all_reduce_population_count3A_238 = tpu.all_reduce %le3A_233 {dim = 0 : i64, kind = #tpu.reduction_kind<sum>} : vector<16xi1> -> vector<16xi32>
        %slice3A_239 = vector.extract_strided_slice %all_reduce_population_count3A_238 {offsets = [0], sizes = [1], strides = [1]} : vector<16xi32> to vector<1xi32>
        %squeeze3A_240 = vector.extract %slice3A_239[0] : i32 from vector<1xi32>
        %add3A_241 = arith.addi %while3A_186, %squeeze3A_240 : i32
        %mul3A_242 = arith.mulf %gather3A_71, %get3A_206 : vector<16xf32>
        %mul3A_243 = arith.mulf %gather3A_72, %get3A_208 : vector<16xf32>
        %add3A_244 = arith.addf %mul3A_242, %mul3A_243 : vector<16xf32>
        %mul3A_245 = arith.mulf %gather3A_73, %get3A_210 : vector<16xf32>
        %add3A_246 = arith.addf %add3A_244, %mul3A_245 : vector<16xf32>
        %add3A_247 = arith.addf %gather3A_74, %get3A_212 : vector<16xf32>
        %add3A_248 = arith.addf %add3A_246, %add3A_246 : vector<16xf32>
        %sub3A_249 = arith.subf %add3A_247, %add3A_248 : vector<16xf32>
        %le3A_250 = arith.cmpf ole, %sub3A_249, %select_n3A_199 : vector<16xf32>
        %add3A_251 = vector.broadcast %add3A_204 : i32 to vector<16xi32>
        %add3A_252 = arith.addi %add3A_251, %iota3A : vector<16xi32>
        %swap3A_253 = arith.index_cast %while3A_187 : i32 to index
        %swap3A_254 = tpu.vector_load %arg21[%swap3A_253] masked %le3A_250 {strides = array<i32>} : memref<128xi32, #tpu.memory_space<vmem>>, vector<16xi32>, vector<16xi1>
        tpu.vector_store %arg21[%swap3A_253], %add3A_252 masked %le3A_250 {strides = array<i32>} : memref<128xi32, #tpu.memory_space<vmem>>, vector<16xi32>, vector<16xi1>
        %all_reduce_population_count3A_255 = tpu.all_reduce %le3A_250 {dim = 0 : i64, kind = #tpu.reduction_kind<sum>} : vector<16xi1> -> vector<16xi32>
        %slice3A_256 = vector.extract_strided_slice %all_reduce_population_count3A_255 {offsets = [0], sizes = [1], strides = [1]} : vector<16xi32> to vector<1xi32>
        %squeeze3A_257 = vector.extract %slice3A_256[0] : i32 from vector<1xi32>
        %add3A_258 = arith.addi %while3A_187, %squeeze3A_257 : i32
        %mul3A_259 = arith.mulf %gather3A_80, %get3A_206 : vector<16xf32>
        %mul3A_260 = arith.mulf %gather3A_81, %get3A_208 : vector<16xf32>
        %add3A_261 = arith.addf %mul3A_259, %mul3A_260 : vector<16xf32>
        %mul3A_262 = arith.mulf %gather3A_82, %get3A_210 : vector<16xf32>
        %add3A_263 = arith.addf %add3A_261, %mul3A_262 : vector<16xf32>
        %add3A_264 = arith.addf %gather3A_83, %get3A_212 : vector<16xf32>
        %add3A_265 = arith.addf %add3A_263, %add3A_263 : vector<16xf32>
        %sub3A_266 = arith.subf %add3A_264, %add3A_265 : vector<16xf32>
        %le3A_267 = arith.cmpf ole, %sub3A_266, %select_n3A_202 : vector<16xf32>
        %add3A_268 = vector.broadcast %add3A_204 : i32 to vector<16xi32>
        %add3A_269 = arith.addi %add3A_268, %iota3A : vector<16xi32>
        %swap3A_270 = arith.index_cast %while3A_188 : i32 to index
        %swap3A_271 = tpu.vector_load %arg22[%swap3A_270] masked %le3A_267 {strides = array<i32>} : memref<128xi32, #tpu.memory_space<vmem>>, vector<16xi32>, vector<16xi1>
        tpu.vector_store %arg22[%swap3A_270], %add3A_269 masked %le3A_267 {strides = array<i32>} : memref<128xi32, #tpu.memory_space<vmem>>, vector<16xi32>, vector<16xi1>
        %all_reduce_population_count3A_272 = tpu.all_reduce %le3A_267 {dim = 0 : i64, kind = #tpu.reduction_kind<sum>} : vector<16xi1> -> vector<16xi32>
        %slice3A_273 = vector.extract_strided_slice %all_reduce_population_count3A_272 {offsets = [0], sizes = [1], strides = [1]} : vector<16xi32> to vector<1xi32>
        %squeeze3A_274 = vector.extract %slice3A_273[0] : i32 from vector<1xi32>
        %add3A_275 = arith.addi %while3A_188, %squeeze3A_274 : i32
        %add3A_276 = arith.constant 16 : i32
        %add3A_277 = arith.addi %mul3A_190, %add3A_276 : i32
        %get3A_278 = arith.index_cast %add3A_277 : i32 to index
        %get3A_279 = tpu.vector_load %arg11[%get3A_278] {strides = array<i32>} : memref<16384xf32, #tpu.memory_space<vmem>>, vector<16xf32>,
        %get3A_280 = arith.index_cast %add3A_277 : i32 to index
        %get3A_281 = tpu.vector_load %arg12[%get3A_280] {strides = array<i32>} : memref<16384xf32, #tpu.memory_space<vmem>>, vector<16xf32>,
        %get3A_282 = arith.index_cast %add3A_277 : i32 to index
        %get3A_283 = tpu.vector_load %arg13[%get3A_282] {strides = array<i32>} : memref<16384xf32, #tpu.memory_space<vmem>>, vector<16xf32>,
        %get3A_284 = arith.index_cast %add3A_277 : i32 to index
        %get3A_285 = tpu.vector_load %arg14[%get3A_284] {strides = array<i32>} : memref<16384xf32, #tpu.memory_space<vmem>>, vector<16xf32>,
        %mul3A_286 = arith.mulf %gather3A, %get3A_279 : vector<16xf32>
        %mul3A_287 = arith.mulf %gather3A_54, %get3A_281 : vector<16xf32>
        %add3A_288 = arith.addf %mul3A_286, %mul3A_287 : vector<16xf32>
        %mul3A_289 = arith.mulf %gather3A_55, %get3A_283 : vector<16xf32>
        %add3A_290 = arith.addf %add3A_288, %mul3A_289 : vector<16xf32>
        %add3A_291 = arith.addf %gather3A_56, %get3A_285 : vector<16xf32>
        %add3A_292 = arith.addf %add3A_290, %add3A_290 : vector<16xf32>
        %sub3A_293 = arith.subf %add3A_291, %add3A_292 : vector<16xf32>
        %le3A_294 = arith.cmpf ole, %sub3A_293, %select_n3A_193 : vector<16xf32>
        %add3A_295 = vector.broadcast %add3A_277 : i32 to vector<16xi32>
        %add3A_296 = arith.addi %add3A_295, %iota3A : vector<16xi32>
        %swap3A_297 = arith.index_cast %add3A_224 : i32 to index
        %swap3A_298 = tpu.vector_load %arg19[%swap3A_297] masked %le3A_294 {strides = array<i32>} : memref<128xi32, #tpu.memory_space<vmem>>, vector<16xi32>, vector<16xi1>
        tpu.vector_store %arg19[%swap3A_297], %add3A_296 masked %le3A_294 {strides = array<i32>} : memref<128xi32, #tpu.memory_space<vmem>>, vector<16xi32>, vector<16xi1>
        %all_reduce_population_count3A_299 = tpu.all_reduce %le3A_294 {dim = 0 : i64, kind = #tpu.reduction_kind<sum>} : vector<16xi1> -> vector<16xi32>
        %slice3A_300 = vector.extract_strided_slice %all_reduce_population_count3A_299 {offsets = [0], sizes = [1], strides = [1]} : vector<16xi32> to vector<1xi32>
        %squeeze3A_301 = vector.extract %slice3A_300[0] : i32 from vector<1xi32>
        %add3A_302 = arith.addi %add3A_224, %squeeze3A_301 : i32
        %mul3A_303 = arith.mulf %gather3A_62, %get3A_279 : vector<16xf32>
        %mul3A_304 = arith.mulf %gather3A_63, %get3A_281 : vector<16xf32>
        %add3A_305 = arith.addf %mul3A_303, %mul3A_304 : vector<16xf32>
        %mul3A_306 = arith.mulf %gather3A_64, %get3A_283 : vector<16xf32>
        %add3A_307 = arith.addf %add3A_305, %mul3A_306 : vector<16xf32>
        %add3A_308 = arith.addf %gather3A_65, %get3A_285 : vector<16xf32>
        %add3A_309 = arith.addf %add3A_307, %add3A_307 : vector<16xf32>
        %sub3A_310 = arith.subf %add3A_308, %add3A_309 : vector<16xf32>
        %le3A_311 = arith.cmpf ole, %sub3A_310, %select_n3A_196 : vector<16xf32>
        %add3A_312 = vector.broadcast %add3A_277 : i32 to vector<16xi32>
        %add3A_313 = arith.addi %add3A_312, %iota3A : vector<16xi32>
        %swap3A_314 = arith.index_cast %add3A_241 : i32 to index
        %swap3A_315 = tpu.vector_load %arg20[%swap3A_314] masked %le3A_311 {strides = array<i32>} : memref<128xi32, #tpu.memory_space<vmem>>, vector<16xi32>, vector<16xi1>
        tpu.vector_store %arg20[%swap3A_314], %add3A_313 masked %le3A_311 {strides = array<i32>} : memref<128xi32, #tpu.memory_space<vmem>>, vector<16xi32>, vector<16xi1>
        %all_reduce_population_count3A_316 = tpu.all_reduce %le3A_311 {dim = 0 : i64, kind = #tpu.reduction_kind<sum>} : vector<16xi1> -> vector<16xi32>
        %slice3A_317 = vector.extract_strided_slice %all_reduce_population_count3A_316 {offsets = [0], sizes = [1], strides = [1]} : vector<16xi32> to vector<1xi32>
        %squeeze3A_318 = vector.extract %slice3A_317[0] : i32 from vector<1xi32>
        %add3A_319 = arith.addi %add3A_241, %squeeze3A_318 : i32
        %mul3A_320 = arith.mulf %gather3A_71, %get3A_279 : vector<16xf32>
        %mul3A_321 = arith.mulf %gather3A_72, %get3A_281 : vector<16xf32>
        %add3A_322 = arith.addf %mul3A_320, %mul3A_321 : vector<16xf32>
        %mul3A_323 = arith.mulf %gather3A_73, %get3A_283 : vector<16xf32>
        %add3A_324 = arith.addf %add3A_322, %mul3A_323 : vector<16xf32>
        %add3A_325 = arith.addf %gather3A_74, %get3A_285 : vector<16xf32>
        %add3A_326 = arith.addf %add3A_324, %add3A_324 : vector<16xf32>
        %sub3A_327 = arith.subf %add3A_325, %add3A_326 : vector<16xf32>
        %le3A_328 = arith.cmpf ole, %sub3A_327, %select_n3A_199 : vector<16xf32>
        %add3A_329 = vector.broadcast %add3A_277 : i32 to vector<16xi32>
        %add3A_330 = arith.addi %add3A_329, %iota3A : vector<16xi32>
        %swap3A_331 = arith.index_cast %add3A_258 : i32 to index
        %swap3A_332 = tpu.vector_load %arg21[%swap3A_331] masked %le3A_328 {strides = array<i32>} : memref<128xi32, #tpu.memory_space<vmem>>, vector<16xi32>, vector<16xi1>
        tpu.vector_store %arg21[%swap3A_331], %add3A_330 masked %le3A_328 {strides = array<i32>} : memref<128xi32, #tpu.memory_space<vmem>>, vector<16xi32>, vector<16xi1>
        %all_reduce_population_count3A_333 = tpu.all_reduce %le3A_328 {dim = 0 : i64, kind = #tpu.reduction_kind<sum>} : vector<16xi1> -> vector<16xi32>
        %slice3A_334 = vector.extract_strided_slice %all_reduce_population_count3A_333 {offsets = [0], sizes = [1], strides = [1]} : vector<16xi32> to vector<1xi32>
        %squeeze3A_335 = vector.extract %slice3A_334[0] : i32 from vector<1xi32>
        %add3A_336 = arith.addi %add3A_258, %squeeze3A_335 : i32
        %mul3A_337 = arith.mulf %gather3A_80, %get3A_279 : vector<16xf32>
        %mul3A_338 = arith.mulf %gather3A_81, %get3A_281 : vector<16xf32>
        %add3A_339 = arith.addf %mul3A_337, %mul3A_338 : vector<16xf32>
        %mul3A_340 = arith.mulf %gather3A_82, %get3A_283 : vector<16xf32>
        %add3A_341 = arith.addf %add3A_339, %mul3A_340 : vector<16xf32>
        %add3A_342 = arith.addf %gather3A_83, %get3A_285 : vector<16xf32>
        %add3A_343 = arith.addf %add3A_341, %add3A_341 : vector<16xf32>
        %sub3A_344 = arith.subf %add3A_342, %add3A_343 : vector<16xf32>
        %le3A_345 = arith.cmpf ole, %sub3A_344, %select_n3A_202 : vector<16xf32>
        %add3A_346 = vector.broadcast %add3A_277 : i32 to vector<16xi32>
        %add3A_347 = arith.addi %add3A_346, %iota3A : vector<16xi32>
        %swap3A_348 = arith.index_cast %add3A_275 : i32 to index
        %swap3A_349 = tpu.vector_load %arg22[%swap3A_348] masked %le3A_345 {strides = array<i32>} : memref<128xi32, #tpu.memory_space<vmem>>, vector<16xi32>, vector<16xi1>
        tpu.vector_store %arg22[%swap3A_348], %add3A_347 masked %le3A_345 {strides = array<i32>} : memref<128xi32, #tpu.memory_space<vmem>>, vector<16xi32>, vector<16xi1>
        %all_reduce_population_count3A_350 = tpu.all_reduce %le3A_345 {dim = 0 : i64, kind = #tpu.reduction_kind<sum>} : vector<16xi1> -> vector<16xi32>
        %slice3A_351 = vector.extract_strided_slice %all_reduce_population_count3A_350 {offsets = [0], sizes = [1], strides = [1]} : vector<16xi32> to vector<1xi32>
        %squeeze3A_352 = vector.extract %slice3A_351[0] : i32 from vector<1xi32>
        %add3A_353 = arith.addi %add3A_275, %squeeze3A_352 : i32
        %add3A_354 = arith.constant 32 : i32
        %add3A_355 = arith.addi %mul3A_190, %add3A_354 : i32
        %get3A_356 = arith.index_cast %add3A_355 : i32 to index
        %get3A_357 = tpu.vector_load %arg11[%get3A_356] {strides = array<i32>} : memref<16384xf32, #tpu.memory_space<vmem>>, vector<16xf32>,
        %get3A_358 = arith.index_cast %add3A_355 : i32 to index
        %get3A_359 = tpu.vector_load %arg12[%get3A_358] {strides = array<i32>} : memref<16384xf32, #tpu.memory_space<vmem>>, vector<16xf32>,
        %get3A_360 = arith.index_cast %add3A_355 : i32 to index
        %get3A_361 = tpu.vector_load %arg13[%get3A_360] {strides = array<i32>} : memref<16384xf32, #tpu.memory_space<vmem>>, vector<16xf32>,
        %get3A_362 = arith.index_cast %add3A_355 : i32 to index
        %get3A_363 = tpu.vector_load %arg14[%get3A_362] {strides = array<i32>} : memref<16384xf32, #tpu.memory_space<vmem>>, vector<16xf32>,
        %mul3A_364 = arith.mulf %gather3A, %get3A_357 : vector<16xf32>
        %mul3A_365 = arith.mulf %gather3A_54, %get3A_359 : vector<16xf32>
        %add3A_366 = arith.addf %mul3A_364, %mul3A_365 : vector<16xf32>
        %mul3A_367 = arith.mulf %gather3A_55, %get3A_361 : vector<16xf32>
        %add3A_368 = arith.addf %add3A_366, %mul3A_367 : vector<16xf32>
        %add3A_369 = arith.addf %gather3A_56, %get3A_363 : vector<16xf32>
        %add3A_370 = arith.addf %add3A_368, %add3A_368 : vector<16xf32>
        %sub3A_371 = arith.subf %add3A_369, %add3A_370 : vector<16xf32>
        %le3A_372 = arith.cmpf ole, %sub3A_371, %select_n3A_193 : vector<16xf32>
        %add3A_373 = vector.broadcast %add3A_355 : i32 to vector<16xi32>
        %add3A_374 = arith.addi %add3A_373, %iota3A : vector<16xi32>
        %swap3A_375 = arith.index_cast %add3A_302 : i32 to index
        %swap3A_376 = tpu.vector_load %arg19[%swap3A_375] masked %le3A_372 {strides = array<i32>} : memref<128xi32, #tpu.memory_space<vmem>>, vector<16xi32>, vector<16xi1>
        tpu.vector_store %arg19[%swap3A_375], %add3A_374 masked %le3A_372 {strides = array<i32>} : memref<128xi32, #tpu.memory_space<vmem>>, vector<16xi32>, vector<16xi1>
        %all_reduce_population_count3A_377 = tpu.all_reduce %le3A_372 {dim = 0 : i64, kind = #tpu.reduction_kind<sum>} : vector<16xi1> -> vector<16xi32>
        %slice3A_378 = vector.extract_strided_slice %all_reduce_population_count3A_377 {offsets = [0], sizes = [1], strides = [1]} : vector<16xi32> to vector<1xi32>
        %squeeze3A_379 = vector.extract %slice3A_378[0] : i32 from vector<1xi32>
        %add3A_380 = arith.addi %add3A_302, %squeeze3A_379 : i32
        %mul3A_381 = arith.mulf %gather3A_62, %get3A_357 : vector<16xf32>
        %mul3A_382 = arith.mulf %gather3A_63, %get3A_359 : vector<16xf32>
        %add3A_383 = arith.addf %mul3A_381, %mul3A_382 : vector<16xf32>
        %mul3A_384 = arith.mulf %gather3A_64, %get3A_361 : vector<16xf32>
        %add3A_385 = arith.addf %add3A_383, %mul3A_384 : vector<16xf32>
        %add3A_386 = arith.addf %gather3A_65, %get3A_363 : vector<16xf32>
        %add3A_387 = arith.addf %add3A_385, %add3A_385 : vector<16xf32>
        %sub3A_388 = arith.subf %add3A_386, %add3A_387 : vector<16xf32>
        %le3A_389 = arith.cmpf ole, %sub3A_388, %select_n3A_196 : vector<16xf32>
        %add3A_390 = vector.broadcast %add3A_355 : i32 to vector<16xi32>
        %add3A_391 = arith.addi %add3A_390, %iota3A : vector<16xi32>
        %swap3A_392 = arith.index_cast %add3A_319 : i32 to index
        %swap3A_393 = tpu.vector_load %arg20[%swap3A_392] masked %le3A_389 {strides = array<i32>} : memref<128xi32, #tpu.memory_space<vmem>>, vector<16xi32>, vector<16xi1>
        tpu.vector_store %arg20[%swap3A_392], %add3A_391 masked %le3A_389 {strides = array<i32>} : memref<128xi32, #tpu.memory_space<vmem>>, vector<16xi32>, vector<16xi1>
        %all_reduce_population_count3A_394 = tpu.all_reduce %le3A_389 {dim = 0 : i64, kind = #tpu.reduction_kind<sum>} : vector<16xi1> -> vector<16xi32>
        %slice3A_395 = vector.extract_strided_slice %all_reduce_population_count3A_394 {offsets = [0], sizes = [1], strides = [1]} : vector<16xi32> to vector<1xi32>
        %squeeze3A_396 = vector.extract %slice3A_395[0] : i32 from vector<1xi32>
        %add3A_397 = arith.addi %add3A_319, %squeeze3A_396 : i32
        %mul3A_398 = arith.mulf %gather3A_71, %get3A_357 : vector<16xf32>
        %mul3A_399 = arith.mulf %gather3A_72, %get3A_359 : vector<16xf32>
        %add3A_400 = arith.addf %mul3A_398, %mul3A_399 : vector<16xf32>
        %mul3A_401 = arith.mulf %gather3A_73, %get3A_361 : vector<16xf32>
        %add3A_402 = arith.addf %add3A_400, %mul3A_401 : vector<16xf32>
        %add3A_403 = arith.addf %gather3A_74, %get3A_363 : vector<16xf32>
        %add3A_404 = arith.addf %add3A_402, %add3A_402 : vector<16xf32>
        %sub3A_405 = arith.subf %add3A_403, %add3A_404 : vector<16xf32>
        %le3A_406 = arith.cmpf ole, %sub3A_405, %select_n3A_199 : vector<16xf32>
        %add3A_407 = vector.broadcast %add3A_355 : i32 to vector<16xi32>
        %add3A_408 = arith.addi %add3A_407, %iota3A : vector<16xi32>
        %swap3A_409 = arith.index_cast %add3A_336 : i32 to index
        %swap3A_410 = tpu.vector_load %arg21[%swap3A_409] masked %le3A_406 {strides = array<i32>} : memref<128xi32, #tpu.memory_space<vmem>>, vector<16xi32>, vector<16xi1>
        tpu.vector_store %arg21[%swap3A_409], %add3A_408 masked %le3A_406 {strides = array<i32>} : memref<128xi32, #tpu.memory_space<vmem>>, vector<16xi32>, vector<16xi1>
        %all_reduce_population_count3A_411 = tpu.all_reduce %le3A_406 {dim = 0 : i64, kind = #tpu.reduction_kind<sum>} : vector<16xi1> -> vector<16xi32>
        %slice3A_412 = vector.extract_strided_slice %all_reduce_population_count3A_411 {offsets = [0], sizes = [1], strides = [1]} : vector<16xi32> to vector<1xi32>
        %squeeze3A_413 = vector.extract %slice3A_412[0] : i32 from vector<1xi32>
        %add3A_414 = arith.addi %add3A_336, %squeeze3A_413 : i32
        %mul3A_415 = arith.mulf %gather3A_80, %get3A_357 : vector<16xf32>
        %mul3A_416 = arith.mulf %gather3A_81, %get3A_359 : vector<16xf32>
        %add3A_417 = arith.addf %mul3A_415, %mul3A_416 : vector<16xf32>
        %mul3A_418 = arith.mulf %gather3A_82, %get3A_361 : vector<16xf32>
        %add3A_419 = arith.addf %add3A_417, %mul3A_418 : vector<16xf32>
        %add3A_420 = arith.addf %gather3A_83, %get3A_363 : vector<16xf32>
        %add3A_421 = arith.addf %add3A_419, %add3A_419 : vector<16xf32>
        %sub3A_422 = arith.subf %add3A_420, %add3A_421 : vector<16xf32>
        %le3A_423 = arith.cmpf ole, %sub3A_422, %select_n3A_202 : vector<16xf32>
        %add3A_424 = vector.broadcast %add3A_355 : i32 to vector<16xi32>
        %add3A_425 = arith.addi %add3A_424, %iota3A : vector<16xi32>
        %swap3A_426 = arith.index_cast %add3A_353 : i32 to index
        %swap3A_427 = tpu.vector_load %arg22[%swap3A_426] masked %le3A_423 {strides = array<i32>} : memref<128xi32, #tpu.memory_space<vmem>>, vector<16xi32>, vector<16xi1>
        tpu.vector_store %arg22[%swap3A_426], %add3A_425 masked %le3A_423 {strides = array<i32>} : memref<128xi32, #tpu.memory_space<vmem>>, vector<16xi32>, vector<16xi1>
        %all_reduce_population_count3A_428 = tpu.all_reduce %le3A_423 {dim = 0 : i64, kind = #tpu.reduction_kind<sum>} : vector<16xi1> -> vector<16xi32>
        %slice3A_429 = vector.extract_strided_slice %all_reduce_population_count3A_428 {offsets = [0], sizes = [1], strides = [1]} : vector<16xi32> to vector<1xi32>
        %squeeze3A_430 = vector.extract %slice3A_429[0] : i32 from vector<1xi32>
        %add3A_431 = arith.addi %add3A_353, %squeeze3A_430 : i32
        %add3A_432 = arith.constant 48 : i32
        %add3A_433 = arith.addi %mul3A_190, %add3A_432 : i32
        %get3A_434 = arith.index_cast %add3A_433 : i32 to index
        %get3A_435 = tpu.vector_load %arg11[%get3A_434] {strides = array<i32>} : memref<16384xf32, #tpu.memory_space<vmem>>, vector<16xf32>,
        %get3A_436 = arith.index_cast %add3A_433 : i32 to index
        %get3A_437 = tpu.vector_load %arg12[%get3A_436] {strides = array<i32>} : memref<16384xf32, #tpu.memory_space<vmem>>, vector<16xf32>,
        %get3A_438 = arith.index_cast %add3A_433 : i32 to index
        %get3A_439 = tpu.vector_load %arg13[%get3A_438] {strides = array<i32>} : memref<16384xf32, #tpu.memory_space<vmem>>, vector<16xf32>,
        %get3A_440 = arith.index_cast %add3A_433 : i32 to index
        %get3A_441 = tpu.vector_load %arg14[%get3A_440] {strides = array<i32>} : memref<16384xf32, #tpu.memory_space<vmem>>, vector<16xf32>,
        %mul3A_442 = arith.mulf %gather3A, %get3A_435 : vector<16xf32>
        %mul3A_443 = arith.mulf %gather3A_54, %get3A_437 : vector<16xf32>
        %add3A_444 = arith.addf %mul3A_442, %mul3A_443 : vector<16xf32>
        %mul3A_445 = arith.mulf %gather3A_55, %get3A_439 : vector<16xf32>
        %add3A_446 = arith.addf %add3A_444, %mul3A_445 : vector<16xf32>
        %add3A_447 = arith.addf %gather3A_56, %get3A_441 : vector<16xf32>
        %add3A_448 = arith.addf %add3A_446, %add3A_446 : vector<16xf32>
        %sub3A_449 = arith.subf %add3A_447, %add3A_448 : vector<16xf32>
        %le3A_450 = arith.cmpf ole, %sub3A_449, %select_n3A_193 : vector<16xf32>
        %add3A_451 = vector.broadcast %add3A_433 : i32 to vector<16xi32>
        %add3A_452 = arith.addi %add3A_451, %iota3A : vector<16xi32>
        %swap3A_453 = arith.index_cast %add3A_380 : i32 to index
        %swap3A_454 = tpu.vector_load %arg19[%swap3A_453] masked %le3A_450 {strides = array<i32>} : memref<128xi32, #tpu.memory_space<vmem>>, vector<16xi32>, vector<16xi1>
        tpu.vector_store %arg19[%swap3A_453], %add3A_452 masked %le3A_450 {strides = array<i32>} : memref<128xi32, #tpu.memory_space<vmem>>, vector<16xi32>, vector<16xi1>
        %all_reduce_population_count3A_455 = tpu.all_reduce %le3A_450 {dim = 0 : i64, kind = #tpu.reduction_kind<sum>} : vector<16xi1> -> vector<16xi32>
        %slice3A_456 = vector.extract_strided_slice %all_reduce_population_count3A_455 {offsets = [0], sizes = [1], strides = [1]} : vector<16xi32> to vector<1xi32>
        %squeeze3A_457 = vector.extract %slice3A_456[0] : i32 from vector<1xi32>
        %add3A_458 = arith.addi %add3A_380, %squeeze3A_457 : i32
        %mul3A_459 = arith.mulf %gather3A_62, %get3A_435 : vector<16xf32>
        %mul3A_460 = arith.mulf %gather3A_63, %get3A_437 : vector<16xf32>
        %add3A_461 = arith.addf %mul3A_459, %mul3A_460 : vector<16xf32>
        %mul3A_462 = arith.mulf %gather3A_64, %get3A_439 : vector<16xf32>
        %add3A_463 = arith.addf %add3A_461, %mul3A_462 : vector<16xf32>
        %add3A_464 = arith.addf %gather3A_65, %get3A_441 : vector<16xf32>
        %add3A_465 = arith.addf %add3A_463, %add3A_463 : vector<16xf32>
        %sub3A_466 = arith.subf %add3A_464, %add3A_465 : vector<16xf32>
        %le3A_467 = arith.cmpf ole, %sub3A_466, %select_n3A_196 : vector<16xf32>
        %add3A_468 = vector.broadcast %add3A_433 : i32 to vector<16xi32>
        %add3A_469 = arith.addi %add3A_468, %iota3A : vector<16xi32>
        %swap3A_470 = arith.index_cast %add3A_397 : i32 to index
        %swap3A_471 = tpu.vector_load %arg20[%swap3A_470] masked %le3A_467 {strides = array<i32>} : memref<128xi32, #tpu.memory_space<vmem>>, vector<16xi32>, vector<16xi1>
        tpu.vector_store %arg20[%swap3A_470], %add3A_469 masked %le3A_467 {strides = array<i32>} : memref<128xi32, #tpu.memory_space<vmem>>, vector<16xi32>, vector<16xi1>
        %all_reduce_population_count3A_472 = tpu.all_reduce %le3A_467 {dim = 0 : i64, kind = #tpu.reduction_kind<sum>} : vector<16xi1> -> vector<16xi32>
        %slice3A_473 = vector.extract_strided_slice %all_reduce_population_count3A_472 {offsets = [0], sizes = [1], strides = [1]} : vector<16xi32> to vector<1xi32>
        %squeeze3A_474 = vector.extract %slice3A_473[0] : i32 from vector<1xi32>
        %add3A_475 = arith.addi %add3A_397, %squeeze3A_474 : i32
        %mul3A_476 = arith.mulf %gather3A_71, %get3A_435 : vector<16xf32>
        %mul3A_477 = arith.mulf %gather3A_72, %get3A_437 : vector<16xf32>
        %add3A_478 = arith.addf %mul3A_476, %mul3A_477 : vector<16xf32>
        %mul3A_479 = arith.mulf %gather3A_73, %get3A_439 : vector<16xf32>
        %add3A_480 = arith.addf %add3A_478, %mul3A_479 : vector<16xf32>
        %add3A_481 = arith.addf %gather3A_74, %get3A_441 : vector<16xf32>
        %add3A_482 = arith.addf %add3A_480, %add3A_480 : vector<16xf32>
        %sub3A_483 = arith.subf %add3A_481, %add3A_482 : vector<16xf32>
        %le3A_484 = arith.cmpf ole, %sub3A_483, %select_n3A_199 : vector<16xf32>
        %add3A_485 = vector.broadcast %add3A_433 : i32 to vector<16xi32>
        %add3A_486 = arith.addi %add3A_485, %iota3A : vector<16xi32>
        %swap3A_487 = arith.index_cast %add3A_414 : i32 to index
        %swap3A_488 = tpu.vector_load %arg21[%swap3A_487] masked %le3A_484 {strides = array<i32>} : memref<128xi32, #tpu.memory_space<vmem>>, vector<16xi32>, vector<16xi1>
        tpu.vector_store %arg21[%swap3A_487], %add3A_486 masked %le3A_484 {strides = array<i32>} : memref<128xi32, #tpu.memory_space<vmem>>, vector<16xi32>, vector<16xi1>
        %all_reduce_population_count3A_489 = tpu.all_reduce %le3A_484 {dim = 0 : i64, kind = #tpu.reduction_kind<sum>} : vector<16xi1> -> vector<16xi32>
        %slice3A_490 = vector.extract_strided_slice %all_reduce_population_count3A_489 {offsets = [0], sizes = [1], strides = [1]} : vector<16xi32> to vector<1xi32>
        %squeeze3A_491 = vector.extract %slice3A_490[0] : i32 from vector<1xi32>
        %add3A_492 = arith.addi %add3A_414, %squeeze3A_491 : i32
        %mul3A_493 = arith.mulf %gather3A_80, %get3A_435 : vector<16xf32>
        %mul3A_494 = arith.mulf %gather3A_81, %get3A_437 : vector<16xf32>
        %add3A_495 = arith.addf %mul3A_493, %mul3A_494 : vector<16xf32>
        %mul3A_496 = arith.mulf %gather3A_82, %get3A_439 : vector<16xf32>
        %add3A_497 = arith.addf %add3A_495, %mul3A_496 : vector<16xf32>
        %add3A_498 = arith.addf %gather3A_83, %get3A_441 : vector<16xf32>
        %add3A_499 = arith.addf %add3A_497, %add3A_497 : vector<16xf32>
        %sub3A_500 = arith.subf %add3A_498, %add3A_499 : vector<16xf32>
        %le3A_501 = arith.cmpf ole, %sub3A_500, %select_n3A_202 : vector<16xf32>
        %add3A_502 = vector.broadcast %add3A_433 : i32 to vector<16xi32>
        %add3A_503 = arith.addi %add3A_502, %iota3A : vector<16xi32>
        %swap3A_504 = arith.index_cast %add3A_431 : i32 to index
        %swap3A_505 = tpu.vector_load %arg22[%swap3A_504] masked %le3A_501 {strides = array<i32>} : memref<128xi32, #tpu.memory_space<vmem>>, vector<16xi32>, vector<16xi1>
        tpu.vector_store %arg22[%swap3A_504], %add3A_503 masked %le3A_501 {strides = array<i32>} : memref<128xi32, #tpu.memory_space<vmem>>, vector<16xi32>, vector<16xi1>
        %all_reduce_population_count3A_506 = tpu.all_reduce %le3A_501 {dim = 0 : i64, kind = #tpu.reduction_kind<sum>} : vector<16xi1> -> vector<16xi32>
        %slice3A_507 = vector.extract_strided_slice %all_reduce_population_count3A_506 {offsets = [0], sizes = [1], strides = [1]} : vector<16xi32> to vector<1xi32>
        %squeeze3A_508 = vector.extract %slice3A_507[0] : i32 from vector<1xi32>
        %add3A_509 = arith.addi %add3A_431, %squeeze3A_508 : i32
        %add3A_510 = arith.constant 1 : i32
        %add3A_511 = arith.addi %while3A_184, %add3A_510 : i32
        scf.yield %add3A_511, %add3A_458, %add3A_475, %add3A_492, %add3A_509 : i32, i32, i32, i32, i32
      }
      %mul3A_89 = arith.constant 4 : i32
      %mul3A_90 = arith.muli %scan3A_48, %mul3A_89 : i32
      %add3A_91 = arith.constant 0 : i32
      %add3A_92 = arith.addi %mul3A_90, %add3A_91 : i32
      %broadcast_in_dim3A_93 = vector.broadcast %add3A_92 : i32 to vector<16xi32>
      %broadcast_in_dim3A_94 = arith.constant 0 : i32
      %broadcast_in_dim3A_95 = vector.broadcast %broadcast_in_dim3A_94 : i32 to vector<16xi32>
      %gather3A_96 = tpu.vector_load_idx %arg19[%broadcast_in_dim3A_95] : memref<128xi32, #tpu.memory_space<vmem>>[vector<16xi32>], vector<16xi32>,
      %get3A = arith.constant 0 : index
      %get3A_97 = tpu.vector_load %arg19[%get3A] {strides = array<i32>} : memref<128xi32, #tpu.memory_space<vmem>>, vector<16xi32>,
      %get3A_98 = arith.constant 16 : index
      %get3A_99 = tpu.vector_load %arg19[%get3A_98] {strides = array<i32>} : memref<128xi32, #tpu.memory_space<vmem>>, vector<16xi32>,
      %lt3A_100 = vector.broadcast %while3A_88#1 : i32 to vector<16xi32>
      %lt3A_101 = arith.cmpi slt, %iota3A, %lt3A_100 : vector<16xi32>
      %select_n3A_102 = arith.select %lt3A_101, %get3A_97, %gather3A_96 : vector<16xi1>, vector<16xi32>
      tpu.vector_store_idx %arg23[%iota3A, %broadcast_in_dim3A_93], %select_n3A_102 : memref<32x128xi32, #tpu.memory_space<vmem>>[vector<16xi32>, vector<16xi32>], vector<16xi32>,
      %add3A_103 = arith.constant 16 : i32
      %add3A_104 = vector.broadcast %add3A_103 : i32 to vector<16xi32>
      %add3A_105 = arith.addi %iota3A, %add3A_104 : vector<16xi32>
      %add3A_106 = arith.constant 16 : i32
      %add3A_107 = vector.broadcast %add3A_106 : i32 to vector<16xi32>
      %add3A_108 = arith.addi %iota3A, %add3A_107 : vector<16xi32>
      %lt3A_109 = vector.broadcast %while3A_88#1 : i32 to vector<16xi32>
      %lt3A_110 = arith.cmpi slt, %add3A_108, %lt3A_109 : vector<16xi32>
      %select_n3A_111 = arith.select %lt3A_110, %get3A_99, %gather3A_96 : vector<16xi1>, vector<16xi32>
      tpu.vector_store_idx %arg23[%add3A_105, %broadcast_in_dim3A_93], %select_n3A_111 : memref<32x128xi32, #tpu.memory_space<vmem>>[vector<16xi32>, vector<16xi32>], vector<16xi32>,
      %mul3A_112 = arith.constant 4 : i32
      %mul3A_113 = arith.muli %scan3A_48, %mul3A_112 : i32
      %add3A_114 = arith.constant 1 : i32
      %add3A_115 = arith.addi %mul3A_113, %add3A_114 : i32
      %broadcast_in_dim3A_116 = vector.broadcast %add3A_115 : i32 to vector<16xi32>
      %broadcast_in_dim3A_117 = arith.constant 0 : i32
      %broadcast_in_dim3A_118 = vector.broadcast %broadcast_in_dim3A_117 : i32 to vector<16xi32>
      %gather3A_119 = tpu.vector_load_idx %arg20[%broadcast_in_dim3A_118] : memref<128xi32, #tpu.memory_space<vmem>>[vector<16xi32>], vector<16xi32>,
      %get3A_120 = arith.constant 0 : index
      %get3A_121 = tpu.vector_load %arg20[%get3A_120] {strides = array<i32>} : memref<128xi32, #tpu.memory_space<vmem>>, vector<16xi32>,
      %get3A_122 = arith.constant 16 : index
      %get3A_123 = tpu.vector_load %arg20[%get3A_122] {strides = array<i32>} : memref<128xi32, #tpu.memory_space<vmem>>, vector<16xi32>,
      %lt3A_124 = vector.broadcast %while3A_88#2 : i32 to vector<16xi32>
      %lt3A_125 = arith.cmpi slt, %iota3A, %lt3A_124 : vector<16xi32>
      %select_n3A_126 = arith.select %lt3A_125, %get3A_121, %gather3A_119 : vector<16xi1>, vector<16xi32>
      tpu.vector_store_idx %arg23[%iota3A, %broadcast_in_dim3A_116], %select_n3A_126 : memref<32x128xi32, #tpu.memory_space<vmem>>[vector<16xi32>, vector<16xi32>], vector<16xi32>,
      %add3A_127 = arith.constant 16 : i32
      %add3A_128 = vector.broadcast %add3A_127 : i32 to vector<16xi32>
      %add3A_129 = arith.addi %iota3A, %add3A_128 : vector<16xi32>
      %add3A_130 = arith.constant 16 : i32
      %add3A_131 = vector.broadcast %add3A_130 : i32 to vector<16xi32>
      %add3A_132 = arith.addi %iota3A, %add3A_131 : vector<16xi32>
      %lt3A_133 = vector.broadcast %while3A_88#2 : i32 to vector<16xi32>
      %lt3A_134 = arith.cmpi slt, %add3A_132, %lt3A_133 : vector<16xi32>
      %select_n3A_135 = arith.select %lt3A_134, %get3A_123, %gather3A_119 : vector<16xi1>, vector<16xi32>
      tpu.vector_store_idx %arg23[%add3A_129, %broadcast_in_dim3A_116], %select_n3A_135 : memref<32x128xi32, #tpu.memory_space<vmem>>[vector<16xi32>, vector<16xi32>], vector<16xi32>,
      %mul3A_136 = arith.constant 4 : i32
      %mul3A_137 = arith.muli %scan3A_48, %mul3A_136 : i32
      %add3A_138 = arith.constant 2 : i32
      %add3A_139 = arith.addi %mul3A_137, %add3A_138 : i32
      %broadcast_in_dim3A_140 = vector.broadcast %add3A_139 : i32 to vector<16xi32>
      %broadcast_in_dim3A_141 = arith.constant 0 : i32
      %broadcast_in_dim3A_142 = vector.broadcast %broadcast_in_dim3A_141 : i32 to vector<16xi32>
      %gather3A_143 = tpu.vector_load_idx %arg21[%broadcast_in_dim3A_142] : memref<128xi32, #tpu.memory_space<vmem>>[vector<16xi32>], vector<16xi32>,
      %get3A_144 = arith.constant 0 : index
      %get3A_145 = tpu.vector_load %arg21[%get3A_144] {strides = array<i32>} : memref<128xi32, #tpu.memory_space<vmem>>, vector<16xi32>,
      %get3A_146 = arith.constant 16 : index
      %get3A_147 = tpu.vector_load %arg21[%get3A_146] {strides = array<i32>} : memref<128xi32, #tpu.memory_space<vmem>>, vector<16xi32>,
      %lt3A_148 = vector.broadcast %while3A_88#3 : i32 to vector<16xi32>
      %lt3A_149 = arith.cmpi slt, %iota3A, %lt3A_148 : vector<16xi32>
      %select_n3A_150 = arith.select %lt3A_149, %get3A_145, %gather3A_143 : vector<16xi1>, vector<16xi32>
      tpu.vector_store_idx %arg23[%iota3A, %broadcast_in_dim3A_140], %select_n3A_150 : memref<32x128xi32, #tpu.memory_space<vmem>>[vector<16xi32>, vector<16xi32>], vector<16xi32>,
      %add3A_151 = arith.constant 16 : i32
      %add3A_152 = vector.broadcast %add3A_151 : i32 to vector<16xi32>
      %add3A_153 = arith.addi %iota3A, %add3A_152 : vector<16xi32>
      %add3A_154 = arith.constant 16 : i32
      %add3A_155 = vector.broadcast %add3A_154 : i32 to vector<16xi32>
      %add3A_156 = arith.addi %iota3A, %add3A_155 : vector<16xi32>
      %lt3A_157 = vector.broadcast %while3A_88#3 : i32 to vector<16xi32>
      %lt3A_158 = arith.cmpi slt, %add3A_156, %lt3A_157 : vector<16xi32>
      %select_n3A_159 = arith.select %lt3A_158, %get3A_147, %gather3A_143 : vector<16xi1>, vector<16xi32>
      tpu.vector_store_idx %arg23[%add3A_153, %broadcast_in_dim3A_140], %select_n3A_159 : memref<32x128xi32, #tpu.memory_space<vmem>>[vector<16xi32>, vector<16xi32>], vector<16xi32>,
      %mul3A_160 = arith.constant 4 : i32
      %mul3A_161 = arith.muli %scan3A_48, %mul3A_160 : i32
      %add3A_162 = arith.constant 3 : i32
      %add3A_163 = arith.addi %mul3A_161, %add3A_162 : i32
      %broadcast_in_dim3A_164 = vector.broadcast %add3A_163 : i32 to vector<16xi32>
      %broadcast_in_dim3A_165 = arith.constant 0 : i32
      %broadcast_in_dim3A_166 = vector.broadcast %broadcast_in_dim3A_165 : i32 to vector<16xi32>
      %gather3A_167 = tpu.vector_load_idx %arg22[%broadcast_in_dim3A_166] : memref<128xi32, #tpu.memory_space<vmem>>[vector<16xi32>], vector<16xi32>,
      %get3A_168 = arith.constant 0 : index
      %get3A_169 = tpu.vector_load %arg22[%get3A_168] {strides = array<i32>} : memref<128xi32, #tpu.memory_space<vmem>>, vector<16xi32>,
      %get3A_170 = arith.constant 16 : index
      %get3A_171 = tpu.vector_load %arg22[%get3A_170] {strides = array<i32>} : memref<128xi32, #tpu.memory_space<vmem>>, vector<16xi32>,
      %lt3A_172 = vector.broadcast %while3A_88#4 : i32 to vector<16xi32>
      %lt3A_173 = arith.cmpi slt, %iota3A, %lt3A_172 : vector<16xi32>
      %select_n3A_174 = arith.select %lt3A_173, %get3A_169, %gather3A_167 : vector<16xi1>, vector<16xi32>
      tpu.vector_store_idx %arg23[%iota3A, %broadcast_in_dim3A_164], %select_n3A_174 : memref<32x128xi32, #tpu.memory_space<vmem>>[vector<16xi32>, vector<16xi32>], vector<16xi32>,
      %add3A_175 = arith.constant 16 : i32
      %add3A_176 = vector.broadcast %add3A_175 : i32 to vector<16xi32>
      %add3A_177 = arith.addi %iota3A, %add3A_176 : vector<16xi32>
      %add3A_178 = arith.constant 16 : i32
      %add3A_179 = vector.broadcast %add3A_178 : i32 to vector<16xi32>
      %add3A_180 = arith.addi %iota3A, %add3A_179 : vector<16xi32>
      %lt3A_181 = vector.broadcast %while3A_88#4 : i32 to vector<16xi32>
      %lt3A_182 = arith.cmpi slt, %add3A_180, %lt3A_181 : vector<16xi32>
      %select_n3A_183 = arith.select %lt3A_182, %get3A_171, %gather3A_167 : vector<16xi1>, vector<16xi32>
      tpu.vector_store_idx %arg23[%add3A_177, %broadcast_in_dim3A_164], %select_n3A_183 : memref<32x128xi32, #tpu.memory_space<vmem>>[vector<16xi32>, vector<16xi32>], vector<16xi32>,
    }
    %scan3A_45 = arith.constant 32 : i32
    %mul3A_46 = arith.constant 128 : i32
    %mul3A_47 = arith.muli %select_n3A_30, %mul3A_46 : i32
    "tpu.region"() ({
      %run_scoped3A = tpu.sem_alloc : memref<!tpu.dma_semaphore, #tpu.memory_space<semaphore_mem>>
      %dma_start3A = arith.constant 0 : i32
      %dma_start3A_48 = tpu.memref_slice %arg10[%select_n3A, %dma_start3A, %mul3A_47] : memref<4x32x1024xi32, #tpu.memory_space<hbm>> -> memref<1x32x128xi32, #tpu.memory_space<hbm>>
      %dma_start3A_49 = tpu.memref_squeeze %dma_start3A_48 : memref<1x32x128xi32, #tpu.memory_space<hbm>> -> memref<32x128xi32, #tpu.memory_space<hbm>>
      %dma_start3A_50 = arith.constant 0 : i32
      %dma_start3A_51 = tpu.memref_slice %arg10[%select_n3A, %dma_start3A_50, %mul3A_47] : memref<4x32x1024xi32, #tpu.memory_space<hbm>> -> memref<1x32x128xi32, #tpu.memory_space<hbm>>
      %dma_start3A_52 = tpu.memref_squeeze %dma_start3A_51 : memref<1x32x128xi32, #tpu.memory_space<hbm>> -> memref<32x128xi32, #tpu.memory_space<hbm>>
      tpu.enqueue_dma source(%arg23 : memref<32x128xi32, #tpu.memory_space<vmem>>) target(%dma_start3A_52 : memref<32x128xi32, #tpu.memory_space<hbm>>) target_semaphore(%run_scoped3A : memref<!tpu.dma_semaphore, #tpu.memory_space<semaphore_mem>>)
      %dma_wait3A = arith.constant 0 : i32
      %dma_wait3A_53 = tpu.memref_slice %arg10[%select_n3A, %dma_wait3A, %mul3A_47] : memref<4x32x1024xi32, #tpu.memory_space<hbm>> -> memref<1x32x128xi32, #tpu.memory_space<hbm>>
      %dma_wait3A_54 = tpu.memref_squeeze %dma_wait3A_53 : memref<1x32x128xi32, #tpu.memory_space<hbm>> -> memref<32x128xi32, #tpu.memory_space<hbm>>
      %dma_wait3A_55 = arith.constant 0 : i32
      %dma_wait3A_56 = tpu.memref_slice %arg10[%select_n3A, %dma_wait3A_55, %mul3A_47] : memref<4x32x1024xi32, #tpu.memory_space<hbm>> -> memref<1x32x128xi32, #tpu.memory_space<hbm>>
      %dma_wait3A_57 = tpu.memref_squeeze %dma_wait3A_56 : memref<1x32x128xi32, #tpu.memory_space<hbm>> -> memref<32x128xi32, #tpu.memory_space<hbm>>
      tpu.wait_dma2 semaphore(%run_scoped3A : memref<!tpu.dma_semaphore, #tpu.memory_space<semaphore_mem>>) src(%arg23 : memref<32x128xi32, #tpu.memory_space<vmem>>) dst(%dma_wait3A_57 : memref<32x128xi32, #tpu.memory_space<hbm>>)
      tpu.yield
    }) : () -> ()
    return
  }
}

#map = affine_map<(d0, d1) -> (0, 0, 0)>
#map1 = affine_map<(d0, d1) -> (0, 0, 0, 0)>
module attributes {stable_mosaic.version = 14 : i64} {
  func.func @_group_sc(%arg0: i32, %arg1: i32, %arg2: memref<4x32x1024xi32, #tpu.memory_space<hbm>>, %arg3: memref<4x3x16384xf32, #tpu.memory_space<hbm>>, %arg4: memref<4x3x1024xf32, #tpu.memory_space<hbm>>, %arg5: memref<4x64x16384xf32, #tpu.memory_space<hbm>>, %arg6: memref<4x70x32x1024xf32, #tpu.memory_space<hbm>>, %arg7: memref<32x1024xi32, #tpu.memory_space<vmem>>, %arg8: memref<16384xf32, #tpu.memory_space<vmem>>, %arg9: memref<1024xf32, #tpu.memory_space<vmem>>, %arg10: memref<32x1024xf32, #tpu.memory_space<vmem>>) attributes {dimension_semantics = [#tpu.dimension_semantics<core_parallel>, #tpu.dimension_semantics<subcore_parallel>], iteration_bounds = array<i64: 2, 16>, scalar_prefetch = 0 : i64, scratch_operands = 4 : i64, tpu.core_type = #tpu.core_type<sc_vector_subcore>, window_params = [{transform_indices = #map}, {transform_indices = #map}, {transform_indices = #map}, {transform_indices = #map}, {transform_indices = #map1}]} {
    %mul3A = arith.constant 2 : i32
    %mul3A_0 = arith.muli %arg1, %mul3A : i32
    %add3A = arith.addi %mul3A_0, %arg0 : i32
    %jit3A = arith.constant 8 : i32
    %div3A = arith.divsi %add3A, %jit3A : i32
    %sign3A = arith.constant 0 : i32
    %sign3A_1 = arith.cmpi sgt, %add3A, %sign3A : i32
    %sign3A_2 = arith.extui %sign3A_1 : i1 to i32
    %sign3A_3 = arith.constant 0 : i32
    %sign3A_4 = arith.cmpi slt, %add3A, %sign3A_3 : i32
    %sign3A_5 = arith.extui %sign3A_4 : i1 to i32
    %sign3A_6 = arith.subi %sign3A_2, %sign3A_5 : i32
    %sign3A_7 = arith.constant 0 : i32
    %sign3A_8 = arith.cmpi sgt, %jit3A, %sign3A_7 : i32
    %sign3A_9 = arith.extui %sign3A_8 : i1 to i32
    %sign3A_10 = arith.constant 0 : i32
    %sign3A_11 = arith.cmpi slt, %jit3A, %sign3A_10 : i32
    %sign3A_12 = arith.extui %sign3A_11 : i1 to i32
    %sign3A_13 = arith.subi %sign3A_9, %sign3A_12 : i32
    %ne3A = arith.cmpi ne, %sign3A_6, %sign3A_13 : i32
    %rem3A = arith.remsi %add3A, %jit3A : i32
    %ne3A_14 = arith.constant 0 : i32
    %ne3A_15 = arith.cmpi ne, %rem3A, %ne3A_14 : i32
    %and3A = arith.andi %ne3A, %ne3A_15 : i1
    %sub3A = arith.constant 1 : i32
    %sub3A_16 = arith.subi %div3A, %sub3A : i32
    %select_n3A = arith.select %and3A, %sub3A_16, %div3A : i32
    %jit3A_17 = arith.constant 8 : i32
    %eq3A = arith.constant 0 : i32
    %eq3A_18 = arith.cmpi eq, %jit3A_17, %eq3A : i32
    %jit3A_19 = arith.constant 1 : i32
    %select_n3A_20 = arith.select %eq3A_18, %jit3A_19, %jit3A_17 : i32
    %rem3A_21 = arith.remsi %add3A, %select_n3A_20 : i32
    %ne3A_22 = arith.constant 0 : i32
    %ne3A_23 = arith.cmpi ne, %rem3A_21, %ne3A_22 : i32
    %lt3A = arith.constant 0 : i32
    %lt3A_24 = arith.cmpi slt, %rem3A_21, %lt3A : i32
    %lt3A_25 = arith.constant 0 : i32
    %lt3A_26 = arith.cmpi slt, %select_n3A_20, %lt3A_25 : i32
    %ne3A_27 = arith.xori %lt3A_24, %lt3A_26 : i1
    %and3A_28 = arith.andi %ne3A_27, %ne3A_23 : i1
    %add3A_29 = arith.addi %rem3A_21, %select_n3A_20 : i32
    %select_n3A_30 = arith.select %and3A_28, %add3A_29, %rem3A_21 : i32
    "tpu.region"() ({
      %run_scoped3A = tpu.sem_alloc : memref<!tpu.dma_semaphore, #tpu.memory_space<semaphore_mem>>
      %dma_start3A = arith.constant 0 : i32
      %dma_start3A_89 = arith.constant 0 : i32
      %dma_start3A_90 = tpu.memref_slice %arg2[%select_n3A, %dma_start3A, %dma_start3A_89] : memref<4x32x1024xi32, #tpu.memory_space<hbm>> -> memref<1x32x1024xi32, #tpu.memory_space<hbm>>
      %dma_start3A_91 = tpu.memref_squeeze %dma_start3A_90 : memref<1x32x1024xi32, #tpu.memory_space<hbm>> -> memref<32x1024xi32, #tpu.memory_space<hbm>>
      %dma_start3A_92 = arith.constant 0 : i32
      %dma_start3A_93 = arith.constant 0 : i32
      %dma_start3A_94 = tpu.memref_slice %arg2[%select_n3A, %dma_start3A_92, %dma_start3A_93] : memref<4x32x1024xi32, #tpu.memory_space<hbm>> -> memref<1x32x1024xi32, #tpu.memory_space<hbm>>
      %dma_start3A_95 = tpu.memref_squeeze %dma_start3A_94 : memref<1x32x1024xi32, #tpu.memory_space<hbm>> -> memref<32x1024xi32, #tpu.memory_space<hbm>>
      tpu.enqueue_dma source(%dma_start3A_95 : memref<32x1024xi32, #tpu.memory_space<hbm>>) target(%arg7 : memref<32x1024xi32, #tpu.memory_space<vmem>>) target_semaphore(%run_scoped3A : memref<!tpu.dma_semaphore, #tpu.memory_space<semaphore_mem>>)
      %dma_wait3A = arith.constant 0 : i32
      %dma_wait3A_96 = arith.constant 0 : i32
      %dma_wait3A_97 = tpu.memref_slice %arg2[%select_n3A, %dma_wait3A, %dma_wait3A_96] : memref<4x32x1024xi32, #tpu.memory_space<hbm>> -> memref<1x32x1024xi32, #tpu.memory_space<hbm>>
      %dma_wait3A_98 = tpu.memref_squeeze %dma_wait3A_97 : memref<1x32x1024xi32, #tpu.memory_space<hbm>> -> memref<32x1024xi32, #tpu.memory_space<hbm>>
      %dma_wait3A_99 = arith.constant 0 : i32
      %dma_wait3A_100 = arith.constant 0 : i32
      %dma_wait3A_101 = tpu.memref_slice %arg2[%select_n3A, %dma_wait3A_99, %dma_wait3A_100] : memref<4x32x1024xi32, #tpu.memory_space<hbm>> -> memref<1x32x1024xi32, #tpu.memory_space<hbm>>
      %dma_wait3A_102 = tpu.memref_squeeze %dma_wait3A_101 : memref<1x32x1024xi32, #tpu.memory_space<hbm>> -> memref<32x1024xi32, #tpu.memory_space<hbm>>
      tpu.wait_dma2 semaphore(%run_scoped3A : memref<!tpu.dma_semaphore, #tpu.memory_space<semaphore_mem>>) src(%dma_wait3A_102 : memref<32x1024xi32, #tpu.memory_space<hbm>>) dst(%arg7 : memref<32x1024xi32, #tpu.memory_space<vmem>>)
      tpu.yield
    }) : () -> ()
    %iota3A = tpu.iota {dimensions = array<i32: 0>} : vector<16xi32>
    %add3A_31 = arith.constant 0 : i32
    %add3A_32 = arith.addi %select_n3A_30, %add3A_31 : i32
    "tpu.region"() ({
      %run_scoped3A = tpu.sem_alloc : memref<!tpu.dma_semaphore, #tpu.memory_space<semaphore_mem>>
      %dma_start3A = arith.constant 0 : i32
      %dma_start3A_89 = tpu.memref_slice %arg5[%select_n3A, %add3A_32, %dma_start3A] : memref<4x64x16384xf32, #tpu.memory_space<hbm>> -> memref<1x1x16384xf32, #tpu.memory_space<hbm>>
      %dma_start3A_90 = tpu.memref_squeeze %dma_start3A_89 : memref<1x1x16384xf32, #tpu.memory_space<hbm>> -> memref<16384xf32, #tpu.memory_space<hbm>>
      %dma_start3A_91 = arith.constant 0 : i32
      %dma_start3A_92 = tpu.memref_slice %arg5[%select_n3A, %add3A_32, %dma_start3A_91] : memref<4x64x16384xf32, #tpu.memory_space<hbm>> -> memref<1x1x16384xf32, #tpu.memory_space<hbm>>
      %dma_start3A_93 = tpu.memref_squeeze %dma_start3A_92 : memref<1x1x16384xf32, #tpu.memory_space<hbm>> -> memref<16384xf32, #tpu.memory_space<hbm>>
      tpu.enqueue_dma source(%dma_start3A_93 : memref<16384xf32, #tpu.memory_space<hbm>>) target(%arg8 : memref<16384xf32, #tpu.memory_space<vmem>>) target_semaphore(%run_scoped3A : memref<!tpu.dma_semaphore, #tpu.memory_space<semaphore_mem>>)
      %dma_wait3A = arith.constant 0 : i32
      %dma_wait3A_94 = tpu.memref_slice %arg5[%select_n3A, %add3A_32, %dma_wait3A] : memref<4x64x16384xf32, #tpu.memory_space<hbm>> -> memref<1x1x16384xf32, #tpu.memory_space<hbm>>
      %dma_wait3A_95 = tpu.memref_squeeze %dma_wait3A_94 : memref<1x1x16384xf32, #tpu.memory_space<hbm>> -> memref<16384xf32, #tpu.memory_space<hbm>>
      %dma_wait3A_96 = arith.constant 0 : i32
      %dma_wait3A_97 = tpu.memref_slice %arg5[%select_n3A, %add3A_32, %dma_wait3A_96] : memref<4x64x16384xf32, #tpu.memory_space<hbm>> -> memref<1x1x16384xf32, #tpu.memory_space<hbm>>
      %dma_wait3A_98 = tpu.memref_squeeze %dma_wait3A_97 : memref<1x1x16384xf32, #tpu.memory_space<hbm>> -> memref<16384xf32, #tpu.memory_space<hbm>>
      tpu.wait_dma2 semaphore(%run_scoped3A : memref<!tpu.dma_semaphore, #tpu.memory_space<semaphore_mem>>) src(%dma_wait3A_98 : memref<16384xf32, #tpu.memory_space<hbm>>) dst(%arg8 : memref<16384xf32, #tpu.memory_space<vmem>>)
      tpu.yield
    }) : () -> ()
    %parallel_loop3A = arith.constant 0 : i32
    %parallel_loop3A_33 = arith.constant 2048 : i32
    %parallel_loop3A_34 = arith.constant 1 : i32
    scf.for %parallel_loop3A_89 = %parallel_loop3A to %parallel_loop3A_33 step %parallel_loop3A_34  : i32 {
      %parallel_loop3A_90 = arith.constant 64 : i32
      %parallel_loop3A_91 = arith.divsi %parallel_loop3A_89, %parallel_loop3A_90 : i32
      %parallel_loop3A_92 = arith.constant 0 : i32
      %parallel_loop3A_93 = arith.cmpi sgt, %parallel_loop3A_89, %parallel_loop3A_92 : i32
      %parallel_loop3A_94 = arith.extui %parallel_loop3A_93 : i1 to i32
      %parallel_loop3A_95 = arith.constant 0 : i32
      %parallel_loop3A_96 = arith.cmpi slt, %parallel_loop3A_89, %parallel_loop3A_95 : i32
      %parallel_loop3A_97 = arith.extui %parallel_loop3A_96 : i1 to i32
      %parallel_loop3A_98 = arith.subi %parallel_loop3A_94, %parallel_loop3A_97 : i32
      %parallel_loop3A_99 = arith.constant 0 : i32
      %parallel_loop3A_100 = arith.cmpi sgt, %parallel_loop3A_90, %parallel_loop3A_99 : i32
      %parallel_loop3A_101 = arith.extui %parallel_loop3A_100 : i1 to i32
      %parallel_loop3A_102 = arith.constant 0 : i32
      %parallel_loop3A_103 = arith.cmpi slt, %parallel_loop3A_90, %parallel_loop3A_102 : i32
      %parallel_loop3A_104 = arith.extui %parallel_loop3A_103 : i1 to i32
      %parallel_loop3A_105 = arith.subi %parallel_loop3A_101, %parallel_loop3A_104 : i32
      %parallel_loop3A_106 = arith.cmpi ne, %parallel_loop3A_98, %parallel_loop3A_105 : i32
      %parallel_loop3A_107 = arith.remsi %parallel_loop3A_89, %parallel_loop3A_90 : i32
      %parallel_loop3A_108 = arith.constant 0 : i32
      %parallel_loop3A_109 = arith.cmpi ne, %parallel_loop3A_107, %parallel_loop3A_108 : i32
      %parallel_loop3A_110 = arith.andi %parallel_loop3A_106, %parallel_loop3A_109 : i1
      %parallel_loop3A_111 = arith.constant 1 : i32
      %parallel_loop3A_112 = arith.subi %parallel_loop3A_91, %parallel_loop3A_111 : i32
      %parallel_loop3A_113 = arith.select %parallel_loop3A_110, %parallel_loop3A_112, %parallel_loop3A_91 : i32
      %parallel_loop3A_114 = arith.constant 64 : i32
      %parallel_loop3A_115 = arith.constant 0 : i32
      %parallel_loop3A_116 = arith.cmpi eq, %parallel_loop3A_114, %parallel_loop3A_115 : i32
      %parallel_loop3A_117 = arith.constant 1 : i32
      %parallel_loop3A_118 = arith.select %parallel_loop3A_116, %parallel_loop3A_117, %parallel_loop3A_114 : i32
      %parallel_loop3A_119 = arith.remsi %parallel_loop3A_89, %parallel_loop3A_118 : i32
      %parallel_loop3A_120 = arith.constant 0 : i32
      %parallel_loop3A_121 = arith.cmpi ne, %parallel_loop3A_119, %parallel_loop3A_120 : i32
      %parallel_loop3A_122 = arith.constant 0 : i32
      %parallel_loop3A_123 = arith.cmpi slt, %parallel_loop3A_119, %parallel_loop3A_122 : i32
      %parallel_loop3A_124 = arith.constant 0 : i32
      %parallel_loop3A_125 = arith.cmpi slt, %parallel_loop3A_118, %parallel_loop3A_124 : i32
      %parallel_loop3A_126 = arith.xori %parallel_loop3A_123, %parallel_loop3A_125 : i1
      %parallel_loop3A_127 = arith.andi %parallel_loop3A_126, %parallel_loop3A_121 : i1
      %parallel_loop3A_128 = arith.addi %parallel_loop3A_119, %parallel_loop3A_118 : i32
      %parallel_loop3A_129 = arith.select %parallel_loop3A_127, %parallel_loop3A_128, %parallel_loop3A_119 : i32
      %parallel_loop3A_130 = arith.constant 16 : i32
      %parallel_loop3A_131 = arith.muli %parallel_loop3A_129, %parallel_loop3A_130 : i32
      %parallel_loop3A_132 = arith.index_cast %parallel_loop3A_113 : i32 to index
      %parallel_loop3A_133 = arith.index_cast %parallel_loop3A_131 : i32 to index
      %parallel_loop3A_134 = tpu.vector_load %arg7[%parallel_loop3A_132, %parallel_loop3A_133] {strides = array<i32>} : memref<32x1024xi32, #tpu.memory_space<vmem>>, vector<16xi32>,
      %parallel_loop3A_135 = tpu.vector_load_idx %arg8[%parallel_loop3A_134] : memref<16384xf32, #tpu.memory_space<vmem>>[vector<16xi32>], vector<16xf32>,
      %parallel_loop3A_136 = arith.constant 16 : i32
      %parallel_loop3A_137 = arith.muli %parallel_loop3A_129, %parallel_loop3A_136 : i32
      %parallel_loop3A_138 = arith.index_cast %parallel_loop3A_113 : i32 to index
      %parallel_loop3A_139 = arith.index_cast %parallel_loop3A_137 : i32 to index
      %parallel_loop3A_140 = tpu.vector_load %arg10[%parallel_loop3A_138, %parallel_loop3A_139] {strides = array<i32>} : memref<32x1024xf32, #tpu.memory_space<vmem>>, vector<16xf32>,
      tpu.vector_store %arg10[%parallel_loop3A_138, %parallel_loop3A_139], %parallel_loop3A_135 {strides = array<i32>} : memref<32x1024xf32, #tpu.memory_space<vmem>>, vector<16xf32>,
    } {sc.loop_unroll_factor = 8 : i64, sc.parallel_access}
    %add3A_35 = arith.constant 6 : i32
    %add3A_36 = arith.addi %add3A_35, %add3A_32 : i32
    "tpu.region"() ({
      %run_scoped3A = tpu.sem_alloc : memref<!tpu.dma_semaphore, #tpu.memory_space<semaphore_mem>>
      %dma_start3A = arith.constant 0 : i32
      %dma_start3A_89 = arith.constant 0 : i32
      %dma_start3A_90 = tpu.memref_slice %arg6[%select_n3A, %add3A_36, %dma_start3A, %dma_start3A_89] : memref<4x70x32x1024xf32, #tpu.memory_space<hbm>> -> memref<1x1x32x1024xf32, #tpu.memory_space<hbm>>
      %dma_start3A_91 = tpu.memref_squeeze %dma_start3A_90 : memref<1x1x32x1024xf32, #tpu.memory_space<hbm>> -> memref<32x1024xf32, #tpu.memory_space<hbm>>
      %dma_start3A_92 = arith.constant 0 : i32
      %dma_start3A_93 = arith.constant 0 : i32
      %dma_start3A_94 = tpu.memref_slice %arg6[%select_n3A, %add3A_36, %dma_start3A_92, %dma_start3A_93] : memref<4x70x32x1024xf32, #tpu.memory_space<hbm>> -> memref<1x1x32x1024xf32, #tpu.memory_space<hbm>>
      %dma_start3A_95 = tpu.memref_squeeze %dma_start3A_94 : memref<1x1x32x1024xf32, #tpu.memory_space<hbm>> -> memref<32x1024xf32, #tpu.memory_space<hbm>>
      tpu.enqueue_dma source(%arg10 : memref<32x1024xf32, #tpu.memory_space<vmem>>) target(%dma_start3A_95 : memref<32x1024xf32, #tpu.memory_space<hbm>>) target_semaphore(%run_scoped3A : memref<!tpu.dma_semaphore, #tpu.memory_space<semaphore_mem>>)
      %dma_wait3A = arith.constant 0 : i32
      %dma_wait3A_96 = arith.constant 0 : i32
      %dma_wait3A_97 = tpu.memref_slice %arg6[%select_n3A, %add3A_36, %dma_wait3A, %dma_wait3A_96] : memref<4x70x32x1024xf32, #tpu.memory_space<hbm>> -> memref<1x1x32x1024xf32, #tpu.memory_space<hbm>>
      %dma_wait3A_98 = tpu.memref_squeeze %dma_wait3A_97 : memref<1x1x32x1024xf32, #tpu.memory_space<hbm>> -> memref<32x1024xf32, #tpu.memory_space<hbm>>
      %dma_wait3A_99 = arith.constant 0 : i32
      %dma_wait3A_100 = arith.constant 0 : i32
      %dma_wait3A_101 = tpu.memref_slice %arg6[%select_n3A, %add3A_36, %dma_wait3A_99, %dma_wait3A_100] : memref<4x70x32x1024xf32, #tpu.memory_space<hbm>> -> memref<1x1x32x1024xf32, #tpu.memory_space<hbm>>
      %dma_wait3A_102 = tpu.memref_squeeze %dma_wait3A_101 : memref<1x1x32x1024xf32, #tpu.memory_space<hbm>> -> memref<32x1024xf32, #tpu.memory_space<hbm>>
      tpu.wait_dma2 semaphore(%run_scoped3A : memref<!tpu.dma_semaphore, #tpu.memory_space<semaphore_mem>>) src(%arg10 : memref<32x1024xf32, #tpu.memory_space<vmem>>) dst(%dma_wait3A_102 : memref<32x1024xf32, #tpu.memory_space<hbm>>)
      tpu.yield
    }) : () -> ()
    %add3A_37 = arith.constant 8 : i32
    %add3A_38 = arith.addi %select_n3A_30, %add3A_37 : i32
    "tpu.region"() ({
      %run_scoped3A = tpu.sem_alloc : memref<!tpu.dma_semaphore, #tpu.memory_space<semaphore_mem>>
      %dma_start3A = arith.constant 0 : i32
      %dma_start3A_89 = tpu.memref_slice %arg5[%select_n3A, %add3A_38, %dma_start3A] : memref<4x64x16384xf32, #tpu.memory_space<hbm>> -> memref<1x1x16384xf32, #tpu.memory_space<hbm>>
      %dma_start3A_90 = tpu.memref_squeeze %dma_start3A_89 : memref<1x1x16384xf32, #tpu.memory_space<hbm>> -> memref<16384xf32, #tpu.memory_space<hbm>>
      %dma_start3A_91 = arith.constant 0 : i32
      %dma_start3A_92 = tpu.memref_slice %arg5[%select_n3A, %add3A_38, %dma_start3A_91] : memref<4x64x16384xf32, #tpu.memory_space<hbm>> -> memref<1x1x16384xf32, #tpu.memory_space<hbm>>
      %dma_start3A_93 = tpu.memref_squeeze %dma_start3A_92 : memref<1x1x16384xf32, #tpu.memory_space<hbm>> -> memref<16384xf32, #tpu.memory_space<hbm>>
      tpu.enqueue_dma source(%dma_start3A_93 : memref<16384xf32, #tpu.memory_space<hbm>>) target(%arg8 : memref<16384xf32, #tpu.memory_space<vmem>>) target_semaphore(%run_scoped3A : memref<!tpu.dma_semaphore, #tpu.memory_space<semaphore_mem>>)
      %dma_wait3A = arith.constant 0 : i32
      %dma_wait3A_94 = tpu.memref_slice %arg5[%select_n3A, %add3A_38, %dma_wait3A] : memref<4x64x16384xf32, #tpu.memory_space<hbm>> -> memref<1x1x16384xf32, #tpu.memory_space<hbm>>
      %dma_wait3A_95 = tpu.memref_squeeze %dma_wait3A_94 : memref<1x1x16384xf32, #tpu.memory_space<hbm>> -> memref<16384xf32, #tpu.memory_space<hbm>>
      %dma_wait3A_96 = arith.constant 0 : i32
      %dma_wait3A_97 = tpu.memref_slice %arg5[%select_n3A, %add3A_38, %dma_wait3A_96] : memref<4x64x16384xf32, #tpu.memory_space<hbm>> -> memref<1x1x16384xf32, #tpu.memory_space<hbm>>
      %dma_wait3A_98 = tpu.memref_squeeze %dma_wait3A_97 : memref<1x1x16384xf32, #tpu.memory_space<hbm>> -> memref<16384xf32, #tpu.memory_space<hbm>>
      tpu.wait_dma2 semaphore(%run_scoped3A : memref<!tpu.dma_semaphore, #tpu.memory_space<semaphore_mem>>) src(%dma_wait3A_98 : memref<16384xf32, #tpu.memory_space<hbm>>) dst(%arg8 : memref<16384xf32, #tpu.memory_space<vmem>>)
      tpu.yield
    }) : () -> ()
    %parallel_loop3A_39 = arith.constant 0 : i32
    %parallel_loop3A_40 = arith.constant 2048 : i32
    %parallel_loop3A_41 = arith.constant 1 : i32
    scf.for %parallel_loop3A_89 = %parallel_loop3A_39 to %parallel_loop3A_40 step %parallel_loop3A_41  : i32 {
      %parallel_loop3A_90 = arith.constant 64 : i32
      %parallel_loop3A_91 = arith.divsi %parallel_loop3A_89, %parallel_loop3A_90 : i32
      %parallel_loop3A_92 = arith.constant 0 : i32
      %parallel_loop3A_93 = arith.cmpi sgt, %parallel_loop3A_89, %parallel_loop3A_92 : i32
      %parallel_loop3A_94 = arith.extui %parallel_loop3A_93 : i1 to i32
      %parallel_loop3A_95 = arith.constant 0 : i32
      %parallel_loop3A_96 = arith.cmpi slt, %parallel_loop3A_89, %parallel_loop3A_95 : i32
      %parallel_loop3A_97 = arith.extui %parallel_loop3A_96 : i1 to i32
      %parallel_loop3A_98 = arith.subi %parallel_loop3A_94, %parallel_loop3A_97 : i32
      %parallel_loop3A_99 = arith.constant 0 : i32
      %parallel_loop3A_100 = arith.cmpi sgt, %parallel_loop3A_90, %parallel_loop3A_99 : i32
      %parallel_loop3A_101 = arith.extui %parallel_loop3A_100 : i1 to i32
      %parallel_loop3A_102 = arith.constant 0 : i32
      %parallel_loop3A_103 = arith.cmpi slt, %parallel_loop3A_90, %parallel_loop3A_102 : i32
      %parallel_loop3A_104 = arith.extui %parallel_loop3A_103 : i1 to i32
      %parallel_loop3A_105 = arith.subi %parallel_loop3A_101, %parallel_loop3A_104 : i32
      %parallel_loop3A_106 = arith.cmpi ne, %parallel_loop3A_98, %parallel_loop3A_105 : i32
      %parallel_loop3A_107 = arith.remsi %parallel_loop3A_89, %parallel_loop3A_90 : i32
      %parallel_loop3A_108 = arith.constant 0 : i32
      %parallel_loop3A_109 = arith.cmpi ne, %parallel_loop3A_107, %parallel_loop3A_108 : i32
      %parallel_loop3A_110 = arith.andi %parallel_loop3A_106, %parallel_loop3A_109 : i1
      %parallel_loop3A_111 = arith.constant 1 : i32
      %parallel_loop3A_112 = arith.subi %parallel_loop3A_91, %parallel_loop3A_111 : i32
      %parallel_loop3A_113 = arith.select %parallel_loop3A_110, %parallel_loop3A_112, %parallel_loop3A_91 : i32
      %parallel_loop3A_114 = arith.constant 64 : i32
      %parallel_loop3A_115 = arith.constant 0 : i32
      %parallel_loop3A_116 = arith.cmpi eq, %parallel_loop3A_114, %parallel_loop3A_115 : i32
      %parallel_loop3A_117 = arith.constant 1 : i32
      %parallel_loop3A_118 = arith.select %parallel_loop3A_116, %parallel_loop3A_117, %parallel_loop3A_114 : i32
      %parallel_loop3A_119 = arith.remsi %parallel_loop3A_89, %parallel_loop3A_118 : i32
      %parallel_loop3A_120 = arith.constant 0 : i32
      %parallel_loop3A_121 = arith.cmpi ne, %parallel_loop3A_119, %parallel_loop3A_120 : i32
      %parallel_loop3A_122 = arith.constant 0 : i32
      %parallel_loop3A_123 = arith.cmpi slt, %parallel_loop3A_119, %parallel_loop3A_122 : i32
      %parallel_loop3A_124 = arith.constant 0 : i32
      %parallel_loop3A_125 = arith.cmpi slt, %parallel_loop3A_118, %parallel_loop3A_124 : i32
      %parallel_loop3A_126 = arith.xori %parallel_loop3A_123, %parallel_loop3A_125 : i1
      %parallel_loop3A_127 = arith.andi %parallel_loop3A_126, %parallel_loop3A_121 : i1
      %parallel_loop3A_128 = arith.addi %parallel_loop3A_119, %parallel_loop3A_118 : i32
      %parallel_loop3A_129 = arith.select %parallel_loop3A_127, %parallel_loop3A_128, %parallel_loop3A_119 : i32
      %parallel_loop3A_130 = arith.constant 16 : i32
      %parallel_loop3A_131 = arith.muli %parallel_loop3A_129, %parallel_loop3A_130 : i32
      %parallel_loop3A_132 = arith.index_cast %parallel_loop3A_113 : i32 to index
      %parallel_loop3A_133 = arith.index_cast %parallel_loop3A_131 : i32 to index
      %parallel_loop3A_134 = tpu.vector_load %arg7[%parallel_loop3A_132, %parallel_loop3A_133] {strides = array<i32>} : memref<32x1024xi32, #tpu.memory_space<vmem>>, vector<16xi32>,
      %parallel_loop3A_135 = tpu.vector_load_idx %arg8[%parallel_loop3A_134] : memref<16384xf32, #tpu.memory_space<vmem>>[vector<16xi32>], vector<16xf32>,
      %parallel_loop3A_136 = arith.constant 16 : i32
      %parallel_loop3A_137 = arith.muli %parallel_loop3A_129, %parallel_loop3A_136 : i32
      %parallel_loop3A_138 = arith.index_cast %parallel_loop3A_113 : i32 to index
      %parallel_loop3A_139 = arith.index_cast %parallel_loop3A_137 : i32 to index
      %parallel_loop3A_140 = tpu.vector_load %arg10[%parallel_loop3A_138, %parallel_loop3A_139] {strides = array<i32>} : memref<32x1024xf32, #tpu.memory_space<vmem>>, vector<16xf32>,
      tpu.vector_store %arg10[%parallel_loop3A_138, %parallel_loop3A_139], %parallel_loop3A_135 {strides = array<i32>} : memref<32x1024xf32, #tpu.memory_space<vmem>>, vector<16xf32>,
    } {sc.loop_unroll_factor = 8 : i64, sc.parallel_access}
    %add3A_42 = arith.constant 6 : i32
    %add3A_43 = arith.addi %add3A_42, %add3A_38 : i32
    "tpu.region"() ({
      %run_scoped3A = tpu.sem_alloc : memref<!tpu.dma_semaphore, #tpu.memory_space<semaphore_mem>>
      %dma_start3A = arith.constant 0 : i32
      %dma_start3A_89 = arith.constant 0 : i32
      %dma_start3A_90 = tpu.memref_slice %arg6[%select_n3A, %add3A_43, %dma_start3A, %dma_start3A_89] : memref<4x70x32x1024xf32, #tpu.memory_space<hbm>> -> memref<1x1x32x1024xf32, #tpu.memory_space<hbm>>
      %dma_start3A_91 = tpu.memref_squeeze %dma_start3A_90 : memref<1x1x32x1024xf32, #tpu.memory_space<hbm>> -> memref<32x1024xf32, #tpu.memory_space<hbm>>
      %dma_start3A_92 = arith.constant 0 : i32
      %dma_start3A_93 = arith.constant 0 : i32
      %dma_start3A_94 = tpu.memref_slice %arg6[%select_n3A, %add3A_43, %dma_start3A_92, %dma_start3A_93] : memref<4x70x32x1024xf32, #tpu.memory_space<hbm>> -> memref<1x1x32x1024xf32, #tpu.memory_space<hbm>>
      %dma_start3A_95 = tpu.memref_squeeze %dma_start3A_94 : memref<1x1x32x1024xf32, #tpu.memory_space<hbm>> -> memref<32x1024xf32, #tpu.memory_space<hbm>>
      tpu.enqueue_dma source(%arg10 : memref<32x1024xf32, #tpu.memory_space<vmem>>) target(%dma_start3A_95 : memref<32x1024xf32, #tpu.memory_space<hbm>>) target_semaphore(%run_scoped3A : memref<!tpu.dma_semaphore, #tpu.memory_space<semaphore_mem>>)
      %dma_wait3A = arith.constant 0 : i32
      %dma_wait3A_96 = arith.constant 0 : i32
      %dma_wait3A_97 = tpu.memref_slice %arg6[%select_n3A, %add3A_43, %dma_wait3A, %dma_wait3A_96] : memref<4x70x32x1024xf32, #tpu.memory_space<hbm>> -> memref<1x1x32x1024xf32, #tpu.memory_space<hbm>>
      %dma_wait3A_98 = tpu.memref_squeeze %dma_wait3A_97 : memref<1x1x32x1024xf32, #tpu.memory_space<hbm>> -> memref<32x1024xf32, #tpu.memory_space<hbm>>
      %dma_wait3A_99 = arith.constant 0 : i32
      %dma_wait3A_100 = arith.constant 0 : i32
      %dma_wait3A_101 = tpu.memref_slice %arg6[%select_n3A, %add3A_43, %dma_wait3A_99, %dma_wait3A_100] : memref<4x70x32x1024xf32, #tpu.memory_space<hbm>> -> memref<1x1x32x1024xf32, #tpu.memory_space<hbm>>
      %dma_wait3A_102 = tpu.memref_squeeze %dma_wait3A_101 : memref<1x1x32x1024xf32, #tpu.memory_space<hbm>> -> memref<32x1024xf32, #tpu.memory_space<hbm>>
      tpu.wait_dma2 semaphore(%run_scoped3A : memref<!tpu.dma_semaphore, #tpu.memory_space<semaphore_mem>>) src(%arg10 : memref<32x1024xf32, #tpu.memory_space<vmem>>) dst(%dma_wait3A_102 : memref<32x1024xf32, #tpu.memory_space<hbm>>)
      tpu.yield
    }) : () -> ()
    %add3A_44 = arith.constant 16 : i32
    %add3A_45 = arith.addi %select_n3A_30, %add3A_44 : i32
    "tpu.region"() ({
      %run_scoped3A = tpu.sem_alloc : memref<!tpu.dma_semaphore, #tpu.memory_space<semaphore_mem>>
      %dma_start3A = arith.constant 0 : i32
      %dma_start3A_89 = tpu.memref_slice %arg5[%select_n3A, %add3A_45, %dma_start3A] : memref<4x64x16384xf32, #tpu.memory_space<hbm>> -> memref<1x1x16384xf32, #tpu.memory_space<hbm>>
      %dma_start3A_90 = tpu.memref_squeeze %dma_start3A_89 : memref<1x1x16384xf32, #tpu.memory_space<hbm>> -> memref<16384xf32, #tpu.memory_space<hbm>>
      %dma_start3A_91 = arith.constant 0 : i32
      %dma_start3A_92 = tpu.memref_slice %arg5[%select_n3A, %add3A_45, %dma_start3A_91] : memref<4x64x16384xf32, #tpu.memory_space<hbm>> -> memref<1x1x16384xf32, #tpu.memory_space<hbm>>
      %dma_start3A_93 = tpu.memref_squeeze %dma_start3A_92 : memref<1x1x16384xf32, #tpu.memory_space<hbm>> -> memref<16384xf32, #tpu.memory_space<hbm>>
      tpu.enqueue_dma source(%dma_start3A_93 : memref<16384xf32, #tpu.memory_space<hbm>>) target(%arg8 : memref<16384xf32, #tpu.memory_space<vmem>>) target_semaphore(%run_scoped3A : memref<!tpu.dma_semaphore, #tpu.memory_space<semaphore_mem>>)
      %dma_wait3A = arith.constant 0 : i32
      %dma_wait3A_94 = tpu.memref_slice %arg5[%select_n3A, %add3A_45, %dma_wait3A] : memref<4x64x16384xf32, #tpu.memory_space<hbm>> -> memref<1x1x16384xf32, #tpu.memory_space<hbm>>
      %dma_wait3A_95 = tpu.memref_squeeze %dma_wait3A_94 : memref<1x1x16384xf32, #tpu.memory_space<hbm>> -> memref<16384xf32, #tpu.memory_space<hbm>>
      %dma_wait3A_96 = arith.constant 0 : i32
      %dma_wait3A_97 = tpu.memref_slice %arg5[%select_n3A, %add3A_45, %dma_wait3A_96] : memref<4x64x16384xf32, #tpu.memory_space<hbm>> -> memref<1x1x16384xf32, #tpu.memory_space<hbm>>
      %dma_wait3A_98 = tpu.memref_squeeze %dma_wait3A_97 : memref<1x1x16384xf32, #tpu.memory_space<hbm>> -> memref<16384xf32, #tpu.memory_space<hbm>>
      tpu.wait_dma2 semaphore(%run_scoped3A : memref<!tpu.dma_semaphore, #tpu.memory_space<semaphore_mem>>) src(%dma_wait3A_98 : memref<16384xf32, #tpu.memory_space<hbm>>) dst(%arg8 : memref<16384xf32, #tpu.memory_space<vmem>>)
      tpu.yield
    }) : () -> ()
    %parallel_loop3A_46 = arith.constant 0 : i32
    %parallel_loop3A_47 = arith.constant 2048 : i32
    %parallel_loop3A_48 = arith.constant 1 : i32
    scf.for %parallel_loop3A_89 = %parallel_loop3A_46 to %parallel_loop3A_47 step %parallel_loop3A_48  : i32 {
      %parallel_loop3A_90 = arith.constant 64 : i32
      %parallel_loop3A_91 = arith.divsi %parallel_loop3A_89, %parallel_loop3A_90 : i32
      %parallel_loop3A_92 = arith.constant 0 : i32
      %parallel_loop3A_93 = arith.cmpi sgt, %parallel_loop3A_89, %parallel_loop3A_92 : i32
      %parallel_loop3A_94 = arith.extui %parallel_loop3A_93 : i1 to i32
      %parallel_loop3A_95 = arith.constant 0 : i32
      %parallel_loop3A_96 = arith.cmpi slt, %parallel_loop3A_89, %parallel_loop3A_95 : i32
      %parallel_loop3A_97 = arith.extui %parallel_loop3A_96 : i1 to i32
      %parallel_loop3A_98 = arith.subi %parallel_loop3A_94, %parallel_loop3A_97 : i32
      %parallel_loop3A_99 = arith.constant 0 : i32
      %parallel_loop3A_100 = arith.cmpi sgt, %parallel_loop3A_90, %parallel_loop3A_99 : i32
      %parallel_loop3A_101 = arith.extui %parallel_loop3A_100 : i1 to i32
      %parallel_loop3A_102 = arith.constant 0 : i32
      %parallel_loop3A_103 = arith.cmpi slt, %parallel_loop3A_90, %parallel_loop3A_102 : i32
      %parallel_loop3A_104 = arith.extui %parallel_loop3A_103 : i1 to i32
      %parallel_loop3A_105 = arith.subi %parallel_loop3A_101, %parallel_loop3A_104 : i32
      %parallel_loop3A_106 = arith.cmpi ne, %parallel_loop3A_98, %parallel_loop3A_105 : i32
      %parallel_loop3A_107 = arith.remsi %parallel_loop3A_89, %parallel_loop3A_90 : i32
      %parallel_loop3A_108 = arith.constant 0 : i32
      %parallel_loop3A_109 = arith.cmpi ne, %parallel_loop3A_107, %parallel_loop3A_108 : i32
      %parallel_loop3A_110 = arith.andi %parallel_loop3A_106, %parallel_loop3A_109 : i1
      %parallel_loop3A_111 = arith.constant 1 : i32
      %parallel_loop3A_112 = arith.subi %parallel_loop3A_91, %parallel_loop3A_111 : i32
      %parallel_loop3A_113 = arith.select %parallel_loop3A_110, %parallel_loop3A_112, %parallel_loop3A_91 : i32
      %parallel_loop3A_114 = arith.constant 64 : i32
      %parallel_loop3A_115 = arith.constant 0 : i32
      %parallel_loop3A_116 = arith.cmpi eq, %parallel_loop3A_114, %parallel_loop3A_115 : i32
      %parallel_loop3A_117 = arith.constant 1 : i32
      %parallel_loop3A_118 = arith.select %parallel_loop3A_116, %parallel_loop3A_117, %parallel_loop3A_114 : i32
      %parallel_loop3A_119 = arith.remsi %parallel_loop3A_89, %parallel_loop3A_118 : i32
      %parallel_loop3A_120 = arith.constant 0 : i32
      %parallel_loop3A_121 = arith.cmpi ne, %parallel_loop3A_119, %parallel_loop3A_120 : i32
      %parallel_loop3A_122 = arith.constant 0 : i32
      %parallel_loop3A_123 = arith.cmpi slt, %parallel_loop3A_119, %parallel_loop3A_122 : i32
      %parallel_loop3A_124 = arith.constant 0 : i32
      %parallel_loop3A_125 = arith.cmpi slt, %parallel_loop3A_118, %parallel_loop3A_124 : i32
      %parallel_loop3A_126 = arith.xori %parallel_loop3A_123, %parallel_loop3A_125 : i1
      %parallel_loop3A_127 = arith.andi %parallel_loop3A_126, %parallel_loop3A_121 : i1
      %parallel_loop3A_128 = arith.addi %parallel_loop3A_119, %parallel_loop3A_118 : i32
      %parallel_loop3A_129 = arith.select %parallel_loop3A_127, %parallel_loop3A_128, %parallel_loop3A_119 : i32
      %parallel_loop3A_130 = arith.constant 16 : i32
      %parallel_loop3A_131 = arith.muli %parallel_loop3A_129, %parallel_loop3A_130 : i32
      %parallel_loop3A_132 = arith.index_cast %parallel_loop3A_113 : i32 to index
      %parallel_loop3A_133 = arith.index_cast %parallel_loop3A_131 : i32 to index
      %parallel_loop3A_134 = tpu.vector_load %arg7[%parallel_loop3A_132, %parallel_loop3A_133] {strides = array<i32>} : memref<32x1024xi32, #tpu.memory_space<vmem>>, vector<16xi32>,
      %parallel_loop3A_135 = tpu.vector_load_idx %arg8[%parallel_loop3A_134] : memref<16384xf32, #tpu.memory_space<vmem>>[vector<16xi32>], vector<16xf32>,
      %parallel_loop3A_136 = arith.constant 16 : i32
      %parallel_loop3A_137 = arith.muli %parallel_loop3A_129, %parallel_loop3A_136 : i32
      %parallel_loop3A_138 = arith.index_cast %parallel_loop3A_113 : i32 to index
      %parallel_loop3A_139 = arith.index_cast %parallel_loop3A_137 : i32 to index
      %parallel_loop3A_140 = tpu.vector_load %arg10[%parallel_loop3A_138, %parallel_loop3A_139] {strides = array<i32>} : memref<32x1024xf32, #tpu.memory_space<vmem>>, vector<16xf32>,
      tpu.vector_store %arg10[%parallel_loop3A_138, %parallel_loop3A_139], %parallel_loop3A_135 {strides = array<i32>} : memref<32x1024xf32, #tpu.memory_space<vmem>>, vector<16xf32>,
    } {sc.loop_unroll_factor = 8 : i64, sc.parallel_access}
    %add3A_49 = arith.constant 6 : i32
    %add3A_50 = arith.addi %add3A_49, %add3A_45 : i32
    "tpu.region"() ({
      %run_scoped3A = tpu.sem_alloc : memref<!tpu.dma_semaphore, #tpu.memory_space<semaphore_mem>>
      %dma_start3A = arith.constant 0 : i32
      %dma_start3A_89 = arith.constant 0 : i32
      %dma_start3A_90 = tpu.memref_slice %arg6[%select_n3A, %add3A_50, %dma_start3A, %dma_start3A_89] : memref<4x70x32x1024xf32, #tpu.memory_space<hbm>> -> memref<1x1x32x1024xf32, #tpu.memory_space<hbm>>
      %dma_start3A_91 = tpu.memref_squeeze %dma_start3A_90 : memref<1x1x32x1024xf32, #tpu.memory_space<hbm>> -> memref<32x1024xf32, #tpu.memory_space<hbm>>
      %dma_start3A_92 = arith.constant 0 : i32
      %dma_start3A_93 = arith.constant 0 : i32
      %dma_start3A_94 = tpu.memref_slice %arg6[%select_n3A, %add3A_50, %dma_start3A_92, %dma_start3A_93] : memref<4x70x32x1024xf32, #tpu.memory_space<hbm>> -> memref<1x1x32x1024xf32, #tpu.memory_space<hbm>>
      %dma_start3A_95 = tpu.memref_squeeze %dma_start3A_94 : memref<1x1x32x1024xf32, #tpu.memory_space<hbm>> -> memref<32x1024xf32, #tpu.memory_space<hbm>>
      tpu.enqueue_dma source(%arg10 : memref<32x1024xf32, #tpu.memory_space<vmem>>) target(%dma_start3A_95 : memref<32x1024xf32, #tpu.memory_space<hbm>>) target_semaphore(%run_scoped3A : memref<!tpu.dma_semaphore, #tpu.memory_space<semaphore_mem>>)
      %dma_wait3A = arith.constant 0 : i32
      %dma_wait3A_96 = arith.constant 0 : i32
      %dma_wait3A_97 = tpu.memref_slice %arg6[%select_n3A, %add3A_50, %dma_wait3A, %dma_wait3A_96] : memref<4x70x32x1024xf32, #tpu.memory_space<hbm>> -> memref<1x1x32x1024xf32, #tpu.memory_space<hbm>>
      %dma_wait3A_98 = tpu.memref_squeeze %dma_wait3A_97 : memref<1x1x32x1024xf32, #tpu.memory_space<hbm>> -> memref<32x1024xf32, #tpu.memory_space<hbm>>
      %dma_wait3A_99 = arith.constant 0 : i32
      %dma_wait3A_100 = arith.constant 0 : i32
      %dma_wait3A_101 = tpu.memref_slice %arg6[%select_n3A, %add3A_50, %dma_wait3A_99, %dma_wait3A_100] : memref<4x70x32x1024xf32, #tpu.memory_space<hbm>> -> memref<1x1x32x1024xf32, #tpu.memory_space<hbm>>
      %dma_wait3A_102 = tpu.memref_squeeze %dma_wait3A_101 : memref<1x1x32x1024xf32, #tpu.memory_space<hbm>> -> memref<32x1024xf32, #tpu.memory_space<hbm>>
      tpu.wait_dma2 semaphore(%run_scoped3A : memref<!tpu.dma_semaphore, #tpu.memory_space<semaphore_mem>>) src(%arg10 : memref<32x1024xf32, #tpu.memory_space<vmem>>) dst(%dma_wait3A_102 : memref<32x1024xf32, #tpu.memory_space<hbm>>)
      tpu.yield
    }) : () -> ()
    %add3A_51 = arith.constant 24 : i32
    %add3A_52 = arith.addi %select_n3A_30, %add3A_51 : i32
    "tpu.region"() ({
      %run_scoped3A = tpu.sem_alloc : memref<!tpu.dma_semaphore, #tpu.memory_space<semaphore_mem>>
      %dma_start3A = arith.constant 0 : i32
      %dma_start3A_89 = tpu.memref_slice %arg5[%select_n3A, %add3A_52, %dma_start3A] : memref<4x64x16384xf32, #tpu.memory_space<hbm>> -> memref<1x1x16384xf32, #tpu.memory_space<hbm>>
      %dma_start3A_90 = tpu.memref_squeeze %dma_start3A_89 : memref<1x1x16384xf32, #tpu.memory_space<hbm>> -> memref<16384xf32, #tpu.memory_space<hbm>>
      %dma_start3A_91 = arith.constant 0 : i32
      %dma_start3A_92 = tpu.memref_slice %arg5[%select_n3A, %add3A_52, %dma_start3A_91] : memref<4x64x16384xf32, #tpu.memory_space<hbm>> -> memref<1x1x16384xf32, #tpu.memory_space<hbm>>
      %dma_start3A_93 = tpu.memref_squeeze %dma_start3A_92 : memref<1x1x16384xf32, #tpu.memory_space<hbm>> -> memref<16384xf32, #tpu.memory_space<hbm>>
      tpu.enqueue_dma source(%dma_start3A_93 : memref<16384xf32, #tpu.memory_space<hbm>>) target(%arg8 : memref<16384xf32, #tpu.memory_space<vmem>>) target_semaphore(%run_scoped3A : memref<!tpu.dma_semaphore, #tpu.memory_space<semaphore_mem>>)
      %dma_wait3A = arith.constant 0 : i32
      %dma_wait3A_94 = tpu.memref_slice %arg5[%select_n3A, %add3A_52, %dma_wait3A] : memref<4x64x16384xf32, #tpu.memory_space<hbm>> -> memref<1x1x16384xf32, #tpu.memory_space<hbm>>
      %dma_wait3A_95 = tpu.memref_squeeze %dma_wait3A_94 : memref<1x1x16384xf32, #tpu.memory_space<hbm>> -> memref<16384xf32, #tpu.memory_space<hbm>>
      %dma_wait3A_96 = arith.constant 0 : i32
      %dma_wait3A_97 = tpu.memref_slice %arg5[%select_n3A, %add3A_52, %dma_wait3A_96] : memref<4x64x16384xf32, #tpu.memory_space<hbm>> -> memref<1x1x16384xf32, #tpu.memory_space<hbm>>
      %dma_wait3A_98 = tpu.memref_squeeze %dma_wait3A_97 : memref<1x1x16384xf32, #tpu.memory_space<hbm>> -> memref<16384xf32, #tpu.memory_space<hbm>>
      tpu.wait_dma2 semaphore(%run_scoped3A : memref<!tpu.dma_semaphore, #tpu.memory_space<semaphore_mem>>) src(%dma_wait3A_98 : memref<16384xf32, #tpu.memory_space<hbm>>) dst(%arg8 : memref<16384xf32, #tpu.memory_space<vmem>>)
      tpu.yield
    }) : () -> ()
    %parallel_loop3A_53 = arith.constant 0 : i32
    %parallel_loop3A_54 = arith.constant 2048 : i32
    %parallel_loop3A_55 = arith.constant 1 : i32
    scf.for %parallel_loop3A_89 = %parallel_loop3A_53 to %parallel_loop3A_54 step %parallel_loop3A_55  : i32 {
      %parallel_loop3A_90 = arith.constant 64 : i32
      %parallel_loop3A_91 = arith.divsi %parallel_loop3A_89, %parallel_loop3A_90 : i32
      %parallel_loop3A_92 = arith.constant 0 : i32
      %parallel_loop3A_93 = arith.cmpi sgt, %parallel_loop3A_89, %parallel_loop3A_92 : i32
      %parallel_loop3A_94 = arith.extui %parallel_loop3A_93 : i1 to i32
      %parallel_loop3A_95 = arith.constant 0 : i32
      %parallel_loop3A_96 = arith.cmpi slt, %parallel_loop3A_89, %parallel_loop3A_95 : i32
      %parallel_loop3A_97 = arith.extui %parallel_loop3A_96 : i1 to i32
      %parallel_loop3A_98 = arith.subi %parallel_loop3A_94, %parallel_loop3A_97 : i32
      %parallel_loop3A_99 = arith.constant 0 : i32
      %parallel_loop3A_100 = arith.cmpi sgt, %parallel_loop3A_90, %parallel_loop3A_99 : i32
      %parallel_loop3A_101 = arith.extui %parallel_loop3A_100 : i1 to i32
      %parallel_loop3A_102 = arith.constant 0 : i32
      %parallel_loop3A_103 = arith.cmpi slt, %parallel_loop3A_90, %parallel_loop3A_102 : i32
      %parallel_loop3A_104 = arith.extui %parallel_loop3A_103 : i1 to i32
      %parallel_loop3A_105 = arith.subi %parallel_loop3A_101, %parallel_loop3A_104 : i32
      %parallel_loop3A_106 = arith.cmpi ne, %parallel_loop3A_98, %parallel_loop3A_105 : i32
      %parallel_loop3A_107 = arith.remsi %parallel_loop3A_89, %parallel_loop3A_90 : i32
      %parallel_loop3A_108 = arith.constant 0 : i32
      %parallel_loop3A_109 = arith.cmpi ne, %parallel_loop3A_107, %parallel_loop3A_108 : i32
      %parallel_loop3A_110 = arith.andi %parallel_loop3A_106, %parallel_loop3A_109 : i1
      %parallel_loop3A_111 = arith.constant 1 : i32
      %parallel_loop3A_112 = arith.subi %parallel_loop3A_91, %parallel_loop3A_111 : i32
      %parallel_loop3A_113 = arith.select %parallel_loop3A_110, %parallel_loop3A_112, %parallel_loop3A_91 : i32
      %parallel_loop3A_114 = arith.constant 64 : i32
      %parallel_loop3A_115 = arith.constant 0 : i32
      %parallel_loop3A_116 = arith.cmpi eq, %parallel_loop3A_114, %parallel_loop3A_115 : i32
      %parallel_loop3A_117 = arith.constant 1 : i32
      %parallel_loop3A_118 = arith.select %parallel_loop3A_116, %parallel_loop3A_117, %parallel_loop3A_114 : i32
      %parallel_loop3A_119 = arith.remsi %parallel_loop3A_89, %parallel_loop3A_118 : i32
      %parallel_loop3A_120 = arith.constant 0 : i32
      %parallel_loop3A_121 = arith.cmpi ne, %parallel_loop3A_119, %parallel_loop3A_120 : i32
      %parallel_loop3A_122 = arith.constant 0 : i32
      %parallel_loop3A_123 = arith.cmpi slt, %parallel_loop3A_119, %parallel_loop3A_122 : i32
      %parallel_loop3A_124 = arith.constant 0 : i32
      %parallel_loop3A_125 = arith.cmpi slt, %parallel_loop3A_118, %parallel_loop3A_124 : i32
      %parallel_loop3A_126 = arith.xori %parallel_loop3A_123, %parallel_loop3A_125 : i1
      %parallel_loop3A_127 = arith.andi %parallel_loop3A_126, %parallel_loop3A_121 : i1
      %parallel_loop3A_128 = arith.addi %parallel_loop3A_119, %parallel_loop3A_118 : i32
      %parallel_loop3A_129 = arith.select %parallel_loop3A_127, %parallel_loop3A_128, %parallel_loop3A_119 : i32
      %parallel_loop3A_130 = arith.constant 16 : i32
      %parallel_loop3A_131 = arith.muli %parallel_loop3A_129, %parallel_loop3A_130 : i32
      %parallel_loop3A_132 = arith.index_cast %parallel_loop3A_113 : i32 to index
      %parallel_loop3A_133 = arith.index_cast %parallel_loop3A_131 : i32 to index
      %parallel_loop3A_134 = tpu.vector_load %arg7[%parallel_loop3A_132, %parallel_loop3A_133] {strides = array<i32>} : memref<32x1024xi32, #tpu.memory_space<vmem>>, vector<16xi32>,
      %parallel_loop3A_135 = tpu.vector_load_idx %arg8[%parallel_loop3A_134] : memref<16384xf32, #tpu.memory_space<vmem>>[vector<16xi32>], vector<16xf32>,
      %parallel_loop3A_136 = arith.constant 16 : i32
      %parallel_loop3A_137 = arith.muli %parallel_loop3A_129, %parallel_loop3A_136 : i32
      %parallel_loop3A_138 = arith.index_cast %parallel_loop3A_113 : i32 to index
      %parallel_loop3A_139 = arith.index_cast %parallel_loop3A_137 : i32 to index
      %parallel_loop3A_140 = tpu.vector_load %arg10[%parallel_loop3A_138, %parallel_loop3A_139] {strides = array<i32>} : memref<32x1024xf32, #tpu.memory_space<vmem>>, vector<16xf32>,
      tpu.vector_store %arg10[%parallel_loop3A_138, %parallel_loop3A_139], %parallel_loop3A_135 {strides = array<i32>} : memref<32x1024xf32, #tpu.memory_space<vmem>>, vector<16xf32>,
    } {sc.loop_unroll_factor = 8 : i64, sc.parallel_access}
    %add3A_56 = arith.constant 6 : i32
    %add3A_57 = arith.addi %add3A_56, %add3A_52 : i32
    "tpu.region"() ({
      %run_scoped3A = tpu.sem_alloc : memref<!tpu.dma_semaphore, #tpu.memory_space<semaphore_mem>>
      %dma_start3A = arith.constant 0 : i32
      %dma_start3A_89 = arith.constant 0 : i32
      %dma_start3A_90 = tpu.memref_slice %arg6[%select_n3A, %add3A_57, %dma_start3A, %dma_start3A_89] : memref<4x70x32x1024xf32, #tpu.memory_space<hbm>> -> memref<1x1x32x1024xf32, #tpu.memory_space<hbm>>
      %dma_start3A_91 = tpu.memref_squeeze %dma_start3A_90 : memref<1x1x32x1024xf32, #tpu.memory_space<hbm>> -> memref<32x1024xf32, #tpu.memory_space<hbm>>
      %dma_start3A_92 = arith.constant 0 : i32
      %dma_start3A_93 = arith.constant 0 : i32
      %dma_start3A_94 = tpu.memref_slice %arg6[%select_n3A, %add3A_57, %dma_start3A_92, %dma_start3A_93] : memref<4x70x32x1024xf32, #tpu.memory_space<hbm>> -> memref<1x1x32x1024xf32, #tpu.memory_space<hbm>>
      %dma_start3A_95 = tpu.memref_squeeze %dma_start3A_94 : memref<1x1x32x1024xf32, #tpu.memory_space<hbm>> -> memref<32x1024xf32, #tpu.memory_space<hbm>>
      tpu.enqueue_dma source(%arg10 : memref<32x1024xf32, #tpu.memory_space<vmem>>) target(%dma_start3A_95 : memref<32x1024xf32, #tpu.memory_space<hbm>>) target_semaphore(%run_scoped3A : memref<!tpu.dma_semaphore, #tpu.memory_space<semaphore_mem>>)
      %dma_wait3A = arith.constant 0 : i32
      %dma_wait3A_96 = arith.constant 0 : i32
      %dma_wait3A_97 = tpu.memref_slice %arg6[%select_n3A, %add3A_57, %dma_wait3A, %dma_wait3A_96] : memref<4x70x32x1024xf32, #tpu.memory_space<hbm>> -> memref<1x1x32x1024xf32, #tpu.memory_space<hbm>>
      %dma_wait3A_98 = tpu.memref_squeeze %dma_wait3A_97 : memref<1x1x32x1024xf32, #tpu.memory_space<hbm>> -> memref<32x1024xf32, #tpu.memory_space<hbm>>
      %dma_wait3A_99 = arith.constant 0 : i32
      %dma_wait3A_100 = arith.constant 0 : i32
      %dma_wait3A_101 = tpu.memref_slice %arg6[%select_n3A, %add3A_57, %dma_wait3A_99, %dma_wait3A_100] : memref<4x70x32x1024xf32, #tpu.memory_space<hbm>> -> memref<1x1x32x1024xf32, #tpu.memory_space<hbm>>
      %dma_wait3A_102 = tpu.memref_squeeze %dma_wait3A_101 : memref<1x1x32x1024xf32, #tpu.memory_space<hbm>> -> memref<32x1024xf32, #tpu.memory_space<hbm>>
      tpu.wait_dma2 semaphore(%run_scoped3A : memref<!tpu.dma_semaphore, #tpu.memory_space<semaphore_mem>>) src(%arg10 : memref<32x1024xf32, #tpu.memory_space<vmem>>) dst(%dma_wait3A_102 : memref<32x1024xf32, #tpu.memory_space<hbm>>)
      tpu.yield
    }) : () -> ()
    %add3A_58 = arith.constant 32 : i32
    %add3A_59 = arith.addi %select_n3A_30, %add3A_58 : i32
    "tpu.region"() ({
      %run_scoped3A = tpu.sem_alloc : memref<!tpu.dma_semaphore, #tpu.memory_space<semaphore_mem>>
      %dma_start3A = arith.constant 0 : i32
      %dma_start3A_89 = tpu.memref_slice %arg5[%select_n3A, %add3A_59, %dma_start3A] : memref<4x64x16384xf32, #tpu.memory_space<hbm>> -> memref<1x1x16384xf32, #tpu.memory_space<hbm>>
      %dma_start3A_90 = tpu.memref_squeeze %dma_start3A_89 : memref<1x1x16384xf32, #tpu.memory_space<hbm>> -> memref<16384xf32, #tpu.memory_space<hbm>>
      %dma_start3A_91 = arith.constant 0 : i32
      %dma_start3A_92 = tpu.memref_slice %arg5[%select_n3A, %add3A_59, %dma_start3A_91] : memref<4x64x16384xf32, #tpu.memory_space<hbm>> -> memref<1x1x16384xf32, #tpu.memory_space<hbm>>
      %dma_start3A_93 = tpu.memref_squeeze %dma_start3A_92 : memref<1x1x16384xf32, #tpu.memory_space<hbm>> -> memref<16384xf32, #tpu.memory_space<hbm>>
      tpu.enqueue_dma source(%dma_start3A_93 : memref<16384xf32, #tpu.memory_space<hbm>>) target(%arg8 : memref<16384xf32, #tpu.memory_space<vmem>>) target_semaphore(%run_scoped3A : memref<!tpu.dma_semaphore, #tpu.memory_space<semaphore_mem>>)
      %dma_wait3A = arith.constant 0 : i32
      %dma_wait3A_94 = tpu.memref_slice %arg5[%select_n3A, %add3A_59, %dma_wait3A] : memref<4x64x16384xf32, #tpu.memory_space<hbm>> -> memref<1x1x16384xf32, #tpu.memory_space<hbm>>
      %dma_wait3A_95 = tpu.memref_squeeze %dma_wait3A_94 : memref<1x1x16384xf32, #tpu.memory_space<hbm>> -> memref<16384xf32, #tpu.memory_space<hbm>>
      %dma_wait3A_96 = arith.constant 0 : i32
      %dma_wait3A_97 = tpu.memref_slice %arg5[%select_n3A, %add3A_59, %dma_wait3A_96] : memref<4x64x16384xf32, #tpu.memory_space<hbm>> -> memref<1x1x16384xf32, #tpu.memory_space<hbm>>
      %dma_wait3A_98 = tpu.memref_squeeze %dma_wait3A_97 : memref<1x1x16384xf32, #tpu.memory_space<hbm>> -> memref<16384xf32, #tpu.memory_space<hbm>>
      tpu.wait_dma2 semaphore(%run_scoped3A : memref<!tpu.dma_semaphore, #tpu.memory_space<semaphore_mem>>) src(%dma_wait3A_98 : memref<16384xf32, #tpu.memory_space<hbm>>) dst(%arg8 : memref<16384xf32, #tpu.memory_space<vmem>>)
      tpu.yield
    }) : () -> ()
    %parallel_loop3A_60 = arith.constant 0 : i32
    %parallel_loop3A_61 = arith.constant 2048 : i32
    %parallel_loop3A_62 = arith.constant 1 : i32
    scf.for %parallel_loop3A_89 = %parallel_loop3A_60 to %parallel_loop3A_61 step %parallel_loop3A_62  : i32 {
      %parallel_loop3A_90 = arith.constant 64 : i32
      %parallel_loop3A_91 = arith.divsi %parallel_loop3A_89, %parallel_loop3A_90 : i32
      %parallel_loop3A_92 = arith.constant 0 : i32
      %parallel_loop3A_93 = arith.cmpi sgt, %parallel_loop3A_89, %parallel_loop3A_92 : i32
      %parallel_loop3A_94 = arith.extui %parallel_loop3A_93 : i1 to i32
      %parallel_loop3A_95 = arith.constant 0 : i32
      %parallel_loop3A_96 = arith.cmpi slt, %parallel_loop3A_89, %parallel_loop3A_95 : i32
      %parallel_loop3A_97 = arith.extui %parallel_loop3A_96 : i1 to i32
      %parallel_loop3A_98 = arith.subi %parallel_loop3A_94, %parallel_loop3A_97 : i32
      %parallel_loop3A_99 = arith.constant 0 : i32
      %parallel_loop3A_100 = arith.cmpi sgt, %parallel_loop3A_90, %parallel_loop3A_99 : i32
      %parallel_loop3A_101 = arith.extui %parallel_loop3A_100 : i1 to i32
      %parallel_loop3A_102 = arith.constant 0 : i32
      %parallel_loop3A_103 = arith.cmpi slt, %parallel_loop3A_90, %parallel_loop3A_102 : i32
      %parallel_loop3A_104 = arith.extui %parallel_loop3A_103 : i1 to i32
      %parallel_loop3A_105 = arith.subi %parallel_loop3A_101, %parallel_loop3A_104 : i32
      %parallel_loop3A_106 = arith.cmpi ne, %parallel_loop3A_98, %parallel_loop3A_105 : i32
      %parallel_loop3A_107 = arith.remsi %parallel_loop3A_89, %parallel_loop3A_90 : i32
      %parallel_loop3A_108 = arith.constant 0 : i32
      %parallel_loop3A_109 = arith.cmpi ne, %parallel_loop3A_107, %parallel_loop3A_108 : i32
      %parallel_loop3A_110 = arith.andi %parallel_loop3A_106, %parallel_loop3A_109 : i1
      %parallel_loop3A_111 = arith.constant 1 : i32
      %parallel_loop3A_112 = arith.subi %parallel_loop3A_91, %parallel_loop3A_111 : i32
      %parallel_loop3A_113 = arith.select %parallel_loop3A_110, %parallel_loop3A_112, %parallel_loop3A_91 : i32
      %parallel_loop3A_114 = arith.constant 64 : i32
      %parallel_loop3A_115 = arith.constant 0 : i32
      %parallel_loop3A_116 = arith.cmpi eq, %parallel_loop3A_114, %parallel_loop3A_115 : i32
      %parallel_loop3A_117 = arith.constant 1 : i32
      %parallel_loop3A_118 = arith.select %parallel_loop3A_116, %parallel_loop3A_117, %parallel_loop3A_114 : i32
      %parallel_loop3A_119 = arith.remsi %parallel_loop3A_89, %parallel_loop3A_118 : i32
      %parallel_loop3A_120 = arith.constant 0 : i32
      %parallel_loop3A_121 = arith.cmpi ne, %parallel_loop3A_119, %parallel_loop3A_120 : i32
      %parallel_loop3A_122 = arith.constant 0 : i32
      %parallel_loop3A_123 = arith.cmpi slt, %parallel_loop3A_119, %parallel_loop3A_122 : i32
      %parallel_loop3A_124 = arith.constant 0 : i32
      %parallel_loop3A_125 = arith.cmpi slt, %parallel_loop3A_118, %parallel_loop3A_124 : i32
      %parallel_loop3A_126 = arith.xori %parallel_loop3A_123, %parallel_loop3A_125 : i1
      %parallel_loop3A_127 = arith.andi %parallel_loop3A_126, %parallel_loop3A_121 : i1
      %parallel_loop3A_128 = arith.addi %parallel_loop3A_119, %parallel_loop3A_118 : i32
      %parallel_loop3A_129 = arith.select %parallel_loop3A_127, %parallel_loop3A_128, %parallel_loop3A_119 : i32
      %parallel_loop3A_130 = arith.constant 16 : i32
      %parallel_loop3A_131 = arith.muli %parallel_loop3A_129, %parallel_loop3A_130 : i32
      %parallel_loop3A_132 = arith.index_cast %parallel_loop3A_113 : i32 to index
      %parallel_loop3A_133 = arith.index_cast %parallel_loop3A_131 : i32 to index
      %parallel_loop3A_134 = tpu.vector_load %arg7[%parallel_loop3A_132, %parallel_loop3A_133] {strides = array<i32>} : memref<32x1024xi32, #tpu.memory_space<vmem>>, vector<16xi32>,
      %parallel_loop3A_135 = tpu.vector_load_idx %arg8[%parallel_loop3A_134] : memref<16384xf32, #tpu.memory_space<vmem>>[vector<16xi32>], vector<16xf32>,
      %parallel_loop3A_136 = arith.constant 16 : i32
      %parallel_loop3A_137 = arith.muli %parallel_loop3A_129, %parallel_loop3A_136 : i32
      %parallel_loop3A_138 = arith.index_cast %parallel_loop3A_113 : i32 to index
      %parallel_loop3A_139 = arith.index_cast %parallel_loop3A_137 : i32 to index
      %parallel_loop3A_140 = tpu.vector_load %arg10[%parallel_loop3A_138, %parallel_loop3A_139] {strides = array<i32>} : memref<32x1024xf32, #tpu.memory_space<vmem>>, vector<16xf32>,
      tpu.vector_store %arg10[%parallel_loop3A_138, %parallel_loop3A_139], %parallel_loop3A_135 {strides = array<i32>} : memref<32x1024xf32, #tpu.memory_space<vmem>>, vector<16xf32>,
    } {sc.loop_unroll_factor = 8 : i64, sc.parallel_access}
    %add3A_63 = arith.constant 6 : i32
    %add3A_64 = arith.addi %add3A_63, %add3A_59 : i32
    "tpu.region"() ({
      %run_scoped3A = tpu.sem_alloc : memref<!tpu.dma_semaphore, #tpu.memory_space<semaphore_mem>>
      %dma_start3A = arith.constant 0 : i32
      %dma_start3A_89 = arith.constant 0 : i32
      %dma_start3A_90 = tpu.memref_slice %arg6[%select_n3A, %add3A_64, %dma_start3A, %dma_start3A_89] : memref<4x70x32x1024xf32, #tpu.memory_space<hbm>> -> memref<1x1x32x1024xf32, #tpu.memory_space<hbm>>
      %dma_start3A_91 = tpu.memref_squeeze %dma_start3A_90 : memref<1x1x32x1024xf32, #tpu.memory_space<hbm>> -> memref<32x1024xf32, #tpu.memory_space<hbm>>
      %dma_start3A_92 = arith.constant 0 : i32
      %dma_start3A_93 = arith.constant 0 : i32
      %dma_start3A_94 = tpu.memref_slice %arg6[%select_n3A, %add3A_64, %dma_start3A_92, %dma_start3A_93] : memref<4x70x32x1024xf32, #tpu.memory_space<hbm>> -> memref<1x1x32x1024xf32, #tpu.memory_space<hbm>>
      %dma_start3A_95 = tpu.memref_squeeze %dma_start3A_94 : memref<1x1x32x1024xf32, #tpu.memory_space<hbm>> -> memref<32x1024xf32, #tpu.memory_space<hbm>>
      tpu.enqueue_dma source(%arg10 : memref<32x1024xf32, #tpu.memory_space<vmem>>) target(%dma_start3A_95 : memref<32x1024xf32, #tpu.memory_space<hbm>>) target_semaphore(%run_scoped3A : memref<!tpu.dma_semaphore, #tpu.memory_space<semaphore_mem>>)
      %dma_wait3A = arith.constant 0 : i32
      %dma_wait3A_96 = arith.constant 0 : i32
      %dma_wait3A_97 = tpu.memref_slice %arg6[%select_n3A, %add3A_64, %dma_wait3A, %dma_wait3A_96] : memref<4x70x32x1024xf32, #tpu.memory_space<hbm>> -> memref<1x1x32x1024xf32, #tpu.memory_space<hbm>>
      %dma_wait3A_98 = tpu.memref_squeeze %dma_wait3A_97 : memref<1x1x32x1024xf32, #tpu.memory_space<hbm>> -> memref<32x1024xf32, #tpu.memory_space<hbm>>
      %dma_wait3A_99 = arith.constant 0 : i32
      %dma_wait3A_100 = arith.constant 0 : i32
      %dma_wait3A_101 = tpu.memref_slice %arg6[%select_n3A, %add3A_64, %dma_wait3A_99, %dma_wait3A_100] : memref<4x70x32x1024xf32, #tpu.memory_space<hbm>> -> memref<1x1x32x1024xf32, #tpu.memory_space<hbm>>
      %dma_wait3A_102 = tpu.memref_squeeze %dma_wait3A_101 : memref<1x1x32x1024xf32, #tpu.memory_space<hbm>> -> memref<32x1024xf32, #tpu.memory_space<hbm>>
      tpu.wait_dma2 semaphore(%run_scoped3A : memref<!tpu.dma_semaphore, #tpu.memory_space<semaphore_mem>>) src(%arg10 : memref<32x1024xf32, #tpu.memory_space<vmem>>) dst(%dma_wait3A_102 : memref<32x1024xf32, #tpu.memory_space<hbm>>)
      tpu.yield
    }) : () -> ()
    %add3A_65 = arith.constant 40 : i32
    %add3A_66 = arith.addi %select_n3A_30, %add3A_65 : i32
    "tpu.region"() ({
      %run_scoped3A = tpu.sem_alloc : memref<!tpu.dma_semaphore, #tpu.memory_space<semaphore_mem>>
      %dma_start3A = arith.constant 0 : i32
      %dma_start3A_89 = tpu.memref_slice %arg5[%select_n3A, %add3A_66, %dma_start3A] : memref<4x64x16384xf32, #tpu.memory_space<hbm>> -> memref<1x1x16384xf32, #tpu.memory_space<hbm>>
      %dma_start3A_90 = tpu.memref_squeeze %dma_start3A_89 : memref<1x1x16384xf32, #tpu.memory_space<hbm>> -> memref<16384xf32, #tpu.memory_space<hbm>>
      %dma_start3A_91 = arith.constant 0 : i32
      %dma_start3A_92 = tpu.memref_slice %arg5[%select_n3A, %add3A_66, %dma_start3A_91] : memref<4x64x16384xf32, #tpu.memory_space<hbm>> -> memref<1x1x16384xf32, #tpu.memory_space<hbm>>
      %dma_start3A_93 = tpu.memref_squeeze %dma_start3A_92 : memref<1x1x16384xf32, #tpu.memory_space<hbm>> -> memref<16384xf32, #tpu.memory_space<hbm>>
      tpu.enqueue_dma source(%dma_start3A_93 : memref<16384xf32, #tpu.memory_space<hbm>>) target(%arg8 : memref<16384xf32, #tpu.memory_space<vmem>>) target_semaphore(%run_scoped3A : memref<!tpu.dma_semaphore, #tpu.memory_space<semaphore_mem>>)
      %dma_wait3A = arith.constant 0 : i32
      %dma_wait3A_94 = tpu.memref_slice %arg5[%select_n3A, %add3A_66, %dma_wait3A] : memref<4x64x16384xf32, #tpu.memory_space<hbm>> -> memref<1x1x16384xf32, #tpu.memory_space<hbm>>
      %dma_wait3A_95 = tpu.memref_squeeze %dma_wait3A_94 : memref<1x1x16384xf32, #tpu.memory_space<hbm>> -> memref<16384xf32, #tpu.memory_space<hbm>>
      %dma_wait3A_96 = arith.constant 0 : i32
      %dma_wait3A_97 = tpu.memref_slice %arg5[%select_n3A, %add3A_66, %dma_wait3A_96] : memref<4x64x16384xf32, #tpu.memory_space<hbm>> -> memref<1x1x16384xf32, #tpu.memory_space<hbm>>
      %dma_wait3A_98 = tpu.memref_squeeze %dma_wait3A_97 : memref<1x1x16384xf32, #tpu.memory_space<hbm>> -> memref<16384xf32, #tpu.memory_space<hbm>>
      tpu.wait_dma2 semaphore(%run_scoped3A : memref<!tpu.dma_semaphore, #tpu.memory_space<semaphore_mem>>) src(%dma_wait3A_98 : memref<16384xf32, #tpu.memory_space<hbm>>) dst(%arg8 : memref<16384xf32, #tpu.memory_space<vmem>>)
      tpu.yield
    }) : () -> ()
    %parallel_loop3A_67 = arith.constant 0 : i32
    %parallel_loop3A_68 = arith.constant 2048 : i32
    %parallel_loop3A_69 = arith.constant 1 : i32
    scf.for %parallel_loop3A_89 = %parallel_loop3A_67 to %parallel_loop3A_68 step %parallel_loop3A_69  : i32 {
      %parallel_loop3A_90 = arith.constant 64 : i32
      %parallel_loop3A_91 = arith.divsi %parallel_loop3A_89, %parallel_loop3A_90 : i32
      %parallel_loop3A_92 = arith.constant 0 : i32
      %parallel_loop3A_93 = arith.cmpi sgt, %parallel_loop3A_89, %parallel_loop3A_92 : i32
      %parallel_loop3A_94 = arith.extui %parallel_loop3A_93 : i1 to i32
      %parallel_loop3A_95 = arith.constant 0 : i32
      %parallel_loop3A_96 = arith.cmpi slt, %parallel_loop3A_89, %parallel_loop3A_95 : i32
      %parallel_loop3A_97 = arith.extui %parallel_loop3A_96 : i1 to i32
      %parallel_loop3A_98 = arith.subi %parallel_loop3A_94, %parallel_loop3A_97 : i32
      %parallel_loop3A_99 = arith.constant 0 : i32
      %parallel_loop3A_100 = arith.cmpi sgt, %parallel_loop3A_90, %parallel_loop3A_99 : i32
      %parallel_loop3A_101 = arith.extui %parallel_loop3A_100 : i1 to i32
      %parallel_loop3A_102 = arith.constant 0 : i32
      %parallel_loop3A_103 = arith.cmpi slt, %parallel_loop3A_90, %parallel_loop3A_102 : i32
      %parallel_loop3A_104 = arith.extui %parallel_loop3A_103 : i1 to i32
      %parallel_loop3A_105 = arith.subi %parallel_loop3A_101, %parallel_loop3A_104 : i32
      %parallel_loop3A_106 = arith.cmpi ne, %parallel_loop3A_98, %parallel_loop3A_105 : i32
      %parallel_loop3A_107 = arith.remsi %parallel_loop3A_89, %parallel_loop3A_90 : i32
      %parallel_loop3A_108 = arith.constant 0 : i32
      %parallel_loop3A_109 = arith.cmpi ne, %parallel_loop3A_107, %parallel_loop3A_108 : i32
      %parallel_loop3A_110 = arith.andi %parallel_loop3A_106, %parallel_loop3A_109 : i1
      %parallel_loop3A_111 = arith.constant 1 : i32
      %parallel_loop3A_112 = arith.subi %parallel_loop3A_91, %parallel_loop3A_111 : i32
      %parallel_loop3A_113 = arith.select %parallel_loop3A_110, %parallel_loop3A_112, %parallel_loop3A_91 : i32
      %parallel_loop3A_114 = arith.constant 64 : i32
      %parallel_loop3A_115 = arith.constant 0 : i32
      %parallel_loop3A_116 = arith.cmpi eq, %parallel_loop3A_114, %parallel_loop3A_115 : i32
      %parallel_loop3A_117 = arith.constant 1 : i32
      %parallel_loop3A_118 = arith.select %parallel_loop3A_116, %parallel_loop3A_117, %parallel_loop3A_114 : i32
      %parallel_loop3A_119 = arith.remsi %parallel_loop3A_89, %parallel_loop3A_118 : i32
      %parallel_loop3A_120 = arith.constant 0 : i32
      %parallel_loop3A_121 = arith.cmpi ne, %parallel_loop3A_119, %parallel_loop3A_120 : i32
      %parallel_loop3A_122 = arith.constant 0 : i32
      %parallel_loop3A_123 = arith.cmpi slt, %parallel_loop3A_119, %parallel_loop3A_122 : i32
      %parallel_loop3A_124 = arith.constant 0 : i32
      %parallel_loop3A_125 = arith.cmpi slt, %parallel_loop3A_118, %parallel_loop3A_124 : i32
      %parallel_loop3A_126 = arith.xori %parallel_loop3A_123, %parallel_loop3A_125 : i1
      %parallel_loop3A_127 = arith.andi %parallel_loop3A_126, %parallel_loop3A_121 : i1
      %parallel_loop3A_128 = arith.addi %parallel_loop3A_119, %parallel_loop3A_118 : i32
      %parallel_loop3A_129 = arith.select %parallel_loop3A_127, %parallel_loop3A_128, %parallel_loop3A_119 : i32
      %parallel_loop3A_130 = arith.constant 16 : i32
      %parallel_loop3A_131 = arith.muli %parallel_loop3A_129, %parallel_loop3A_130 : i32
      %parallel_loop3A_132 = arith.index_cast %parallel_loop3A_113 : i32 to index
      %parallel_loop3A_133 = arith.index_cast %parallel_loop3A_131 : i32 to index
      %parallel_loop3A_134 = tpu.vector_load %arg7[%parallel_loop3A_132, %parallel_loop3A_133] {strides = array<i32>} : memref<32x1024xi32, #tpu.memory_space<vmem>>, vector<16xi32>,
      %parallel_loop3A_135 = tpu.vector_load_idx %arg8[%parallel_loop3A_134] : memref<16384xf32, #tpu.memory_space<vmem>>[vector<16xi32>], vector<16xf32>,
      %parallel_loop3A_136 = arith.constant 16 : i32
      %parallel_loop3A_137 = arith.muli %parallel_loop3A_129, %parallel_loop3A_136 : i32
      %parallel_loop3A_138 = arith.index_cast %parallel_loop3A_113 : i32 to index
      %parallel_loop3A_139 = arith.index_cast %parallel_loop3A_137 : i32 to index
      %parallel_loop3A_140 = tpu.vector_load %arg10[%parallel_loop3A_138, %parallel_loop3A_139] {strides = array<i32>} : memref<32x1024xf32, #tpu.memory_space<vmem>>, vector<16xf32>,
      tpu.vector_store %arg10[%parallel_loop3A_138, %parallel_loop3A_139], %parallel_loop3A_135 {strides = array<i32>} : memref<32x1024xf32, #tpu.memory_space<vmem>>, vector<16xf32>,
    } {sc.loop_unroll_factor = 8 : i64, sc.parallel_access}
    %add3A_70 = arith.constant 6 : i32
    %add3A_71 = arith.addi %add3A_70, %add3A_66 : i32
    "tpu.region"() ({
      %run_scoped3A = tpu.sem_alloc : memref<!tpu.dma_semaphore, #tpu.memory_space<semaphore_mem>>
      %dma_start3A = arith.constant 0 : i32
      %dma_start3A_89 = arith.constant 0 : i32
      %dma_start3A_90 = tpu.memref_slice %arg6[%select_n3A, %add3A_71, %dma_start3A, %dma_start3A_89] : memref<4x70x32x1024xf32, #tpu.memory_space<hbm>> -> memref<1x1x32x1024xf32, #tpu.memory_space<hbm>>
      %dma_start3A_91 = tpu.memref_squeeze %dma_start3A_90 : memref<1x1x32x1024xf32, #tpu.memory_space<hbm>> -> memref<32x1024xf32, #tpu.memory_space<hbm>>
      %dma_start3A_92 = arith.constant 0 : i32
      %dma_start3A_93 = arith.constant 0 : i32
      %dma_start3A_94 = tpu.memref_slice %arg6[%select_n3A, %add3A_71, %dma_start3A_92, %dma_start3A_93] : memref<4x70x32x1024xf32, #tpu.memory_space<hbm>> -> memref<1x1x32x1024xf32, #tpu.memory_space<hbm>>
      %dma_start3A_95 = tpu.memref_squeeze %dma_start3A_94 : memref<1x1x32x1024xf32, #tpu.memory_space<hbm>> -> memref<32x1024xf32, #tpu.memory_space<hbm>>
      tpu.enqueue_dma source(%arg10 : memref<32x1024xf32, #tpu.memory_space<vmem>>) target(%dma_start3A_95 : memref<32x1024xf32, #tpu.memory_space<hbm>>) target_semaphore(%run_scoped3A : memref<!tpu.dma_semaphore, #tpu.memory_space<semaphore_mem>>)
      %dma_wait3A = arith.constant 0 : i32
      %dma_wait3A_96 = arith.constant 0 : i32
      %dma_wait3A_97 = tpu.memref_slice %arg6[%select_n3A, %add3A_71, %dma_wait3A, %dma_wait3A_96] : memref<4x70x32x1024xf32, #tpu.memory_space<hbm>> -> memref<1x1x32x1024xf32, #tpu.memory_space<hbm>>
      %dma_wait3A_98 = tpu.memref_squeeze %dma_wait3A_97 : memref<1x1x32x1024xf32, #tpu.memory_space<hbm>> -> memref<32x1024xf32, #tpu.memory_space<hbm>>
      %dma_wait3A_99 = arith.constant 0 : i32
      %dma_wait3A_100 = arith.constant 0 : i32
      %dma_wait3A_101 = tpu.memref_slice %arg6[%select_n3A, %add3A_71, %dma_wait3A_99, %dma_wait3A_100] : memref<4x70x32x1024xf32, #tpu.memory_space<hbm>> -> memref<1x1x32x1024xf32, #tpu.memory_space<hbm>>
      %dma_wait3A_102 = tpu.memref_squeeze %dma_wait3A_101 : memref<1x1x32x1024xf32, #tpu.memory_space<hbm>> -> memref<32x1024xf32, #tpu.memory_space<hbm>>
      tpu.wait_dma2 semaphore(%run_scoped3A : memref<!tpu.dma_semaphore, #tpu.memory_space<semaphore_mem>>) src(%arg10 : memref<32x1024xf32, #tpu.memory_space<vmem>>) dst(%dma_wait3A_102 : memref<32x1024xf32, #tpu.memory_space<hbm>>)
      tpu.yield
    }) : () -> ()
    %add3A_72 = arith.constant 48 : i32
    %add3A_73 = arith.addi %select_n3A_30, %add3A_72 : i32
    "tpu.region"() ({
      %run_scoped3A = tpu.sem_alloc : memref<!tpu.dma_semaphore, #tpu.memory_space<semaphore_mem>>
      %dma_start3A = arith.constant 0 : i32
      %dma_start3A_89 = tpu.memref_slice %arg5[%select_n3A, %add3A_73, %dma_start3A] : memref<4x64x16384xf32, #tpu.memory_space<hbm>> -> memref<1x1x16384xf32, #tpu.memory_space<hbm>>
      %dma_start3A_90 = tpu.memref_squeeze %dma_start3A_89 : memref<1x1x16384xf32, #tpu.memory_space<hbm>> -> memref<16384xf32, #tpu.memory_space<hbm>>
      %dma_start3A_91 = arith.constant 0 : i32
      %dma_start3A_92 = tpu.memref_slice %arg5[%select_n3A, %add3A_73, %dma_start3A_91] : memref<4x64x16384xf32, #tpu.memory_space<hbm>> -> memref<1x1x16384xf32, #tpu.memory_space<hbm>>
      %dma_start3A_93 = tpu.memref_squeeze %dma_start3A_92 : memref<1x1x16384xf32, #tpu.memory_space<hbm>> -> memref<16384xf32, #tpu.memory_space<hbm>>
      tpu.enqueue_dma source(%dma_start3A_93 : memref<16384xf32, #tpu.memory_space<hbm>>) target(%arg8 : memref<16384xf32, #tpu.memory_space<vmem>>) target_semaphore(%run_scoped3A : memref<!tpu.dma_semaphore, #tpu.memory_space<semaphore_mem>>)
      %dma_wait3A = arith.constant 0 : i32
      %dma_wait3A_94 = tpu.memref_slice %arg5[%select_n3A, %add3A_73, %dma_wait3A] : memref<4x64x16384xf32, #tpu.memory_space<hbm>> -> memref<1x1x16384xf32, #tpu.memory_space<hbm>>
      %dma_wait3A_95 = tpu.memref_squeeze %dma_wait3A_94 : memref<1x1x16384xf32, #tpu.memory_space<hbm>> -> memref<16384xf32, #tpu.memory_space<hbm>>
      %dma_wait3A_96 = arith.constant 0 : i32
      %dma_wait3A_97 = tpu.memref_slice %arg5[%select_n3A, %add3A_73, %dma_wait3A_96] : memref<4x64x16384xf32, #tpu.memory_space<hbm>> -> memref<1x1x16384xf32, #tpu.memory_space<hbm>>
      %dma_wait3A_98 = tpu.memref_squeeze %dma_wait3A_97 : memref<1x1x16384xf32, #tpu.memory_space<hbm>> -> memref<16384xf32, #tpu.memory_space<hbm>>
      tpu.wait_dma2 semaphore(%run_scoped3A : memref<!tpu.dma_semaphore, #tpu.memory_space<semaphore_mem>>) src(%dma_wait3A_98 : memref<16384xf32, #tpu.memory_space<hbm>>) dst(%arg8 : memref<16384xf32, #tpu.memory_space<vmem>>)
      tpu.yield
    }) : () -> ()
    %parallel_loop3A_74 = arith.constant 0 : i32
    %parallel_loop3A_75 = arith.constant 2048 : i32
    %parallel_loop3A_76 = arith.constant 1 : i32
    scf.for %parallel_loop3A_89 = %parallel_loop3A_74 to %parallel_loop3A_75 step %parallel_loop3A_76  : i32 {
      %parallel_loop3A_90 = arith.constant 64 : i32
      %parallel_loop3A_91 = arith.divsi %parallel_loop3A_89, %parallel_loop3A_90 : i32
      %parallel_loop3A_92 = arith.constant 0 : i32
      %parallel_loop3A_93 = arith.cmpi sgt, %parallel_loop3A_89, %parallel_loop3A_92 : i32
      %parallel_loop3A_94 = arith.extui %parallel_loop3A_93 : i1 to i32
      %parallel_loop3A_95 = arith.constant 0 : i32
      %parallel_loop3A_96 = arith.cmpi slt, %parallel_loop3A_89, %parallel_loop3A_95 : i32
      %parallel_loop3A_97 = arith.extui %parallel_loop3A_96 : i1 to i32
      %parallel_loop3A_98 = arith.subi %parallel_loop3A_94, %parallel_loop3A_97 : i32
      %parallel_loop3A_99 = arith.constant 0 : i32
      %parallel_loop3A_100 = arith.cmpi sgt, %parallel_loop3A_90, %parallel_loop3A_99 : i32
      %parallel_loop3A_101 = arith.extui %parallel_loop3A_100 : i1 to i32
      %parallel_loop3A_102 = arith.constant 0 : i32
      %parallel_loop3A_103 = arith.cmpi slt, %parallel_loop3A_90, %parallel_loop3A_102 : i32
      %parallel_loop3A_104 = arith.extui %parallel_loop3A_103 : i1 to i32
      %parallel_loop3A_105 = arith.subi %parallel_loop3A_101, %parallel_loop3A_104 : i32
      %parallel_loop3A_106 = arith.cmpi ne, %parallel_loop3A_98, %parallel_loop3A_105 : i32
      %parallel_loop3A_107 = arith.remsi %parallel_loop3A_89, %parallel_loop3A_90 : i32
      %parallel_loop3A_108 = arith.constant 0 : i32
      %parallel_loop3A_109 = arith.cmpi ne, %parallel_loop3A_107, %parallel_loop3A_108 : i32
      %parallel_loop3A_110 = arith.andi %parallel_loop3A_106, %parallel_loop3A_109 : i1
      %parallel_loop3A_111 = arith.constant 1 : i32
      %parallel_loop3A_112 = arith.subi %parallel_loop3A_91, %parallel_loop3A_111 : i32
      %parallel_loop3A_113 = arith.select %parallel_loop3A_110, %parallel_loop3A_112, %parallel_loop3A_91 : i32
      %parallel_loop3A_114 = arith.constant 64 : i32
      %parallel_loop3A_115 = arith.constant 0 : i32
      %parallel_loop3A_116 = arith.cmpi eq, %parallel_loop3A_114, %parallel_loop3A_115 : i32
      %parallel_loop3A_117 = arith.constant 1 : i32
      %parallel_loop3A_118 = arith.select %parallel_loop3A_116, %parallel_loop3A_117, %parallel_loop3A_114 : i32
      %parallel_loop3A_119 = arith.remsi %parallel_loop3A_89, %parallel_loop3A_118 : i32
      %parallel_loop3A_120 = arith.constant 0 : i32
      %parallel_loop3A_121 = arith.cmpi ne, %parallel_loop3A_119, %parallel_loop3A_120 : i32
      %parallel_loop3A_122 = arith.constant 0 : i32
      %parallel_loop3A_123 = arith.cmpi slt, %parallel_loop3A_119, %parallel_loop3A_122 : i32
      %parallel_loop3A_124 = arith.constant 0 : i32
      %parallel_loop3A_125 = arith.cmpi slt, %parallel_loop3A_118, %parallel_loop3A_124 : i32
      %parallel_loop3A_126 = arith.xori %parallel_loop3A_123, %parallel_loop3A_125 : i1
      %parallel_loop3A_127 = arith.andi %parallel_loop3A_126, %parallel_loop3A_121 : i1
      %parallel_loop3A_128 = arith.addi %parallel_loop3A_119, %parallel_loop3A_118 : i32
      %parallel_loop3A_129 = arith.select %parallel_loop3A_127, %parallel_loop3A_128, %parallel_loop3A_119 : i32
      %parallel_loop3A_130 = arith.constant 16 : i32
      %parallel_loop3A_131 = arith.muli %parallel_loop3A_129, %parallel_loop3A_130 : i32
      %parallel_loop3A_132 = arith.index_cast %parallel_loop3A_113 : i32 to index
      %parallel_loop3A_133 = arith.index_cast %parallel_loop3A_131 : i32 to index
      %parallel_loop3A_134 = tpu.vector_load %arg7[%parallel_loop3A_132, %parallel_loop3A_133] {strides = array<i32>} : memref<32x1024xi32, #tpu.memory_space<vmem>>, vector<16xi32>,
      %parallel_loop3A_135 = tpu.vector_load_idx %arg8[%parallel_loop3A_134] : memref<16384xf32, #tpu.memory_space<vmem>>[vector<16xi32>], vector<16xf32>,
      %parallel_loop3A_136 = arith.constant 16 : i32
      %parallel_loop3A_137 = arith.muli %parallel_loop3A_129, %parallel_loop3A_136 : i32
      %parallel_loop3A_138 = arith.index_cast %parallel_loop3A_113 : i32 to index
      %parallel_loop3A_139 = arith.index_cast %parallel_loop3A_137 : i32 to index
      %parallel_loop3A_140 = tpu.vector_load %arg10[%parallel_loop3A_138, %parallel_loop3A_139] {strides = array<i32>} : memref<32x1024xf32, #tpu.memory_space<vmem>>, vector<16xf32>,
      tpu.vector_store %arg10[%parallel_loop3A_138, %parallel_loop3A_139], %parallel_loop3A_135 {strides = array<i32>} : memref<32x1024xf32, #tpu.memory_space<vmem>>, vector<16xf32>,
    } {sc.loop_unroll_factor = 8 : i64, sc.parallel_access}
    %add3A_77 = arith.constant 6 : i32
    %add3A_78 = arith.addi %add3A_77, %add3A_73 : i32
    "tpu.region"() ({
      %run_scoped3A = tpu.sem_alloc : memref<!tpu.dma_semaphore, #tpu.memory_space<semaphore_mem>>
      %dma_start3A = arith.constant 0 : i32
      %dma_start3A_89 = arith.constant 0 : i32
      %dma_start3A_90 = tpu.memref_slice %arg6[%select_n3A, %add3A_78, %dma_start3A, %dma_start3A_89] : memref<4x70x32x1024xf32, #tpu.memory_space<hbm>> -> memref<1x1x32x1024xf32, #tpu.memory_space<hbm>>
      %dma_start3A_91 = tpu.memref_squeeze %dma_start3A_90 : memref<1x1x32x1024xf32, #tpu.memory_space<hbm>> -> memref<32x1024xf32, #tpu.memory_space<hbm>>
      %dma_start3A_92 = arith.constant 0 : i32
      %dma_start3A_93 = arith.constant 0 : i32
      %dma_start3A_94 = tpu.memref_slice %arg6[%select_n3A, %add3A_78, %dma_start3A_92, %dma_start3A_93] : memref<4x70x32x1024xf32, #tpu.memory_space<hbm>> -> memref<1x1x32x1024xf32, #tpu.memory_space<hbm>>
      %dma_start3A_95 = tpu.memref_squeeze %dma_start3A_94 : memref<1x1x32x1024xf32, #tpu.memory_space<hbm>> -> memref<32x1024xf32, #tpu.memory_space<hbm>>
      tpu.enqueue_dma source(%arg10 : memref<32x1024xf32, #tpu.memory_space<vmem>>) target(%dma_start3A_95 : memref<32x1024xf32, #tpu.memory_space<hbm>>) target_semaphore(%run_scoped3A : memref<!tpu.dma_semaphore, #tpu.memory_space<semaphore_mem>>)
      %dma_wait3A = arith.constant 0 : i32
      %dma_wait3A_96 = arith.constant 0 : i32
      %dma_wait3A_97 = tpu.memref_slice %arg6[%select_n3A, %add3A_78, %dma_wait3A, %dma_wait3A_96] : memref<4x70x32x1024xf32, #tpu.memory_space<hbm>> -> memref<1x1x32x1024xf32, #tpu.memory_space<hbm>>
      %dma_wait3A_98 = tpu.memref_squeeze %dma_wait3A_97 : memref<1x1x32x1024xf32, #tpu.memory_space<hbm>> -> memref<32x1024xf32, #tpu.memory_space<hbm>>
      %dma_wait3A_99 = arith.constant 0 : i32
      %dma_wait3A_100 = arith.constant 0 : i32
      %dma_wait3A_101 = tpu.memref_slice %arg6[%select_n3A, %add3A_78, %dma_wait3A_99, %dma_wait3A_100] : memref<4x70x32x1024xf32, #tpu.memory_space<hbm>> -> memref<1x1x32x1024xf32, #tpu.memory_space<hbm>>
      %dma_wait3A_102 = tpu.memref_squeeze %dma_wait3A_101 : memref<1x1x32x1024xf32, #tpu.memory_space<hbm>> -> memref<32x1024xf32, #tpu.memory_space<hbm>>
      tpu.wait_dma2 semaphore(%run_scoped3A : memref<!tpu.dma_semaphore, #tpu.memory_space<semaphore_mem>>) src(%arg10 : memref<32x1024xf32, #tpu.memory_space<vmem>>) dst(%dma_wait3A_102 : memref<32x1024xf32, #tpu.memory_space<hbm>>)
      tpu.yield
    }) : () -> ()
    %add3A_79 = arith.constant 56 : i32
    %add3A_80 = arith.addi %select_n3A_30, %add3A_79 : i32
    "tpu.region"() ({
      %run_scoped3A = tpu.sem_alloc : memref<!tpu.dma_semaphore, #tpu.memory_space<semaphore_mem>>
      %dma_start3A = arith.constant 0 : i32
      %dma_start3A_89 = tpu.memref_slice %arg5[%select_n3A, %add3A_80, %dma_start3A] : memref<4x64x16384xf32, #tpu.memory_space<hbm>> -> memref<1x1x16384xf32, #tpu.memory_space<hbm>>
      %dma_start3A_90 = tpu.memref_squeeze %dma_start3A_89 : memref<1x1x16384xf32, #tpu.memory_space<hbm>> -> memref<16384xf32, #tpu.memory_space<hbm>>
      %dma_start3A_91 = arith.constant 0 : i32
      %dma_start3A_92 = tpu.memref_slice %arg5[%select_n3A, %add3A_80, %dma_start3A_91] : memref<4x64x16384xf32, #tpu.memory_space<hbm>> -> memref<1x1x16384xf32, #tpu.memory_space<hbm>>
      %dma_start3A_93 = tpu.memref_squeeze %dma_start3A_92 : memref<1x1x16384xf32, #tpu.memory_space<hbm>> -> memref<16384xf32, #tpu.memory_space<hbm>>
      tpu.enqueue_dma source(%dma_start3A_93 : memref<16384xf32, #tpu.memory_space<hbm>>) target(%arg8 : memref<16384xf32, #tpu.memory_space<vmem>>) target_semaphore(%run_scoped3A : memref<!tpu.dma_semaphore, #tpu.memory_space<semaphore_mem>>)
      %dma_wait3A = arith.constant 0 : i32
      %dma_wait3A_94 = tpu.memref_slice %arg5[%select_n3A, %add3A_80, %dma_wait3A] : memref<4x64x16384xf32, #tpu.memory_space<hbm>> -> memref<1x1x16384xf32, #tpu.memory_space<hbm>>
      %dma_wait3A_95 = tpu.memref_squeeze %dma_wait3A_94 : memref<1x1x16384xf32, #tpu.memory_space<hbm>> -> memref<16384xf32, #tpu.memory_space<hbm>>
      %dma_wait3A_96 = arith.constant 0 : i32
      %dma_wait3A_97 = tpu.memref_slice %arg5[%select_n3A, %add3A_80, %dma_wait3A_96] : memref<4x64x16384xf32, #tpu.memory_space<hbm>> -> memref<1x1x16384xf32, #tpu.memory_space<hbm>>
      %dma_wait3A_98 = tpu.memref_squeeze %dma_wait3A_97 : memref<1x1x16384xf32, #tpu.memory_space<hbm>> -> memref<16384xf32, #tpu.memory_space<hbm>>
      tpu.wait_dma2 semaphore(%run_scoped3A : memref<!tpu.dma_semaphore, #tpu.memory_space<semaphore_mem>>) src(%dma_wait3A_98 : memref<16384xf32, #tpu.memory_space<hbm>>) dst(%arg8 : memref<16384xf32, #tpu.memory_space<vmem>>)
      tpu.yield
    }) : () -> ()
    %parallel_loop3A_81 = arith.constant 0 : i32
    %parallel_loop3A_82 = arith.constant 2048 : i32
    %parallel_loop3A_83 = arith.constant 1 : i32
    scf.for %parallel_loop3A_89 = %parallel_loop3A_81 to %parallel_loop3A_82 step %parallel_loop3A_83  : i32 {
      %parallel_loop3A_90 = arith.constant 64 : i32
      %parallel_loop3A_91 = arith.divsi %parallel_loop3A_89, %parallel_loop3A_90 : i32
      %parallel_loop3A_92 = arith.constant 0 : i32
      %parallel_loop3A_93 = arith.cmpi sgt, %parallel_loop3A_89, %parallel_loop3A_92 : i32
      %parallel_loop3A_94 = arith.extui %parallel_loop3A_93 : i1 to i32
      %parallel_loop3A_95 = arith.constant 0 : i32
      %parallel_loop3A_96 = arith.cmpi slt, %parallel_loop3A_89, %parallel_loop3A_95 : i32
      %parallel_loop3A_97 = arith.extui %parallel_loop3A_96 : i1 to i32
      %parallel_loop3A_98 = arith.subi %parallel_loop3A_94, %parallel_loop3A_97 : i32
      %parallel_loop3A_99 = arith.constant 0 : i32
      %parallel_loop3A_100 = arith.cmpi sgt, %parallel_loop3A_90, %parallel_loop3A_99 : i32
      %parallel_loop3A_101 = arith.extui %parallel_loop3A_100 : i1 to i32
      %parallel_loop3A_102 = arith.constant 0 : i32
      %parallel_loop3A_103 = arith.cmpi slt, %parallel_loop3A_90, %parallel_loop3A_102 : i32
      %parallel_loop3A_104 = arith.extui %parallel_loop3A_103 : i1 to i32
      %parallel_loop3A_105 = arith.subi %parallel_loop3A_101, %parallel_loop3A_104 : i32
      %parallel_loop3A_106 = arith.cmpi ne, %parallel_loop3A_98, %parallel_loop3A_105 : i32
      %parallel_loop3A_107 = arith.remsi %parallel_loop3A_89, %parallel_loop3A_90 : i32
      %parallel_loop3A_108 = arith.constant 0 : i32
      %parallel_loop3A_109 = arith.cmpi ne, %parallel_loop3A_107, %parallel_loop3A_108 : i32
      %parallel_loop3A_110 = arith.andi %parallel_loop3A_106, %parallel_loop3A_109 : i1
      %parallel_loop3A_111 = arith.constant 1 : i32
      %parallel_loop3A_112 = arith.subi %parallel_loop3A_91, %parallel_loop3A_111 : i32
      %parallel_loop3A_113 = arith.select %parallel_loop3A_110, %parallel_loop3A_112, %parallel_loop3A_91 : i32
      %parallel_loop3A_114 = arith.constant 64 : i32
      %parallel_loop3A_115 = arith.constant 0 : i32
      %parallel_loop3A_116 = arith.cmpi eq, %parallel_loop3A_114, %parallel_loop3A_115 : i32
      %parallel_loop3A_117 = arith.constant 1 : i32
      %parallel_loop3A_118 = arith.select %parallel_loop3A_116, %parallel_loop3A_117, %parallel_loop3A_114 : i32
      %parallel_loop3A_119 = arith.remsi %parallel_loop3A_89, %parallel_loop3A_118 : i32
      %parallel_loop3A_120 = arith.constant 0 : i32
      %parallel_loop3A_121 = arith.cmpi ne, %parallel_loop3A_119, %parallel_loop3A_120 : i32
      %parallel_loop3A_122 = arith.constant 0 : i32
      %parallel_loop3A_123 = arith.cmpi slt, %parallel_loop3A_119, %parallel_loop3A_122 : i32
      %parallel_loop3A_124 = arith.constant 0 : i32
      %parallel_loop3A_125 = arith.cmpi slt, %parallel_loop3A_118, %parallel_loop3A_124 : i32
      %parallel_loop3A_126 = arith.xori %parallel_loop3A_123, %parallel_loop3A_125 : i1
      %parallel_loop3A_127 = arith.andi %parallel_loop3A_126, %parallel_loop3A_121 : i1
      %parallel_loop3A_128 = arith.addi %parallel_loop3A_119, %parallel_loop3A_118 : i32
      %parallel_loop3A_129 = arith.select %parallel_loop3A_127, %parallel_loop3A_128, %parallel_loop3A_119 : i32
      %parallel_loop3A_130 = arith.constant 16 : i32
      %parallel_loop3A_131 = arith.muli %parallel_loop3A_129, %parallel_loop3A_130 : i32
      %parallel_loop3A_132 = arith.index_cast %parallel_loop3A_113 : i32 to index
      %parallel_loop3A_133 = arith.index_cast %parallel_loop3A_131 : i32 to index
      %parallel_loop3A_134 = tpu.vector_load %arg7[%parallel_loop3A_132, %parallel_loop3A_133] {strides = array<i32>} : memref<32x1024xi32, #tpu.memory_space<vmem>>, vector<16xi32>,
      %parallel_loop3A_135 = tpu.vector_load_idx %arg8[%parallel_loop3A_134] : memref<16384xf32, #tpu.memory_space<vmem>>[vector<16xi32>], vector<16xf32>,
      %parallel_loop3A_136 = arith.constant 16 : i32
      %parallel_loop3A_137 = arith.muli %parallel_loop3A_129, %parallel_loop3A_136 : i32
      %parallel_loop3A_138 = arith.index_cast %parallel_loop3A_113 : i32 to index
      %parallel_loop3A_139 = arith.index_cast %parallel_loop3A_137 : i32 to index
      %parallel_loop3A_140 = tpu.vector_load %arg10[%parallel_loop3A_138, %parallel_loop3A_139] {strides = array<i32>} : memref<32x1024xf32, #tpu.memory_space<vmem>>, vector<16xf32>,
      tpu.vector_store %arg10[%parallel_loop3A_138, %parallel_loop3A_139], %parallel_loop3A_135 {strides = array<i32>} : memref<32x1024xf32, #tpu.memory_space<vmem>>, vector<16xf32>,
    } {sc.loop_unroll_factor = 8 : i64, sc.parallel_access}
    %add3A_84 = arith.constant 6 : i32
    %add3A_85 = arith.addi %add3A_84, %add3A_80 : i32
    "tpu.region"() ({
      %run_scoped3A = tpu.sem_alloc : memref<!tpu.dma_semaphore, #tpu.memory_space<semaphore_mem>>
      %dma_start3A = arith.constant 0 : i32
      %dma_start3A_89 = arith.constant 0 : i32
      %dma_start3A_90 = tpu.memref_slice %arg6[%select_n3A, %add3A_85, %dma_start3A, %dma_start3A_89] : memref<4x70x32x1024xf32, #tpu.memory_space<hbm>> -> memref<1x1x32x1024xf32, #tpu.memory_space<hbm>>
      %dma_start3A_91 = tpu.memref_squeeze %dma_start3A_90 : memref<1x1x32x1024xf32, #tpu.memory_space<hbm>> -> memref<32x1024xf32, #tpu.memory_space<hbm>>
      %dma_start3A_92 = arith.constant 0 : i32
      %dma_start3A_93 = arith.constant 0 : i32
      %dma_start3A_94 = tpu.memref_slice %arg6[%select_n3A, %add3A_85, %dma_start3A_92, %dma_start3A_93] : memref<4x70x32x1024xf32, #tpu.memory_space<hbm>> -> memref<1x1x32x1024xf32, #tpu.memory_space<hbm>>
      %dma_start3A_95 = tpu.memref_squeeze %dma_start3A_94 : memref<1x1x32x1024xf32, #tpu.memory_space<hbm>> -> memref<32x1024xf32, #tpu.memory_space<hbm>>
      tpu.enqueue_dma source(%arg10 : memref<32x1024xf32, #tpu.memory_space<vmem>>) target(%dma_start3A_95 : memref<32x1024xf32, #tpu.memory_space<hbm>>) target_semaphore(%run_scoped3A : memref<!tpu.dma_semaphore, #tpu.memory_space<semaphore_mem>>)
      %dma_wait3A = arith.constant 0 : i32
      %dma_wait3A_96 = arith.constant 0 : i32
      %dma_wait3A_97 = tpu.memref_slice %arg6[%select_n3A, %add3A_85, %dma_wait3A, %dma_wait3A_96] : memref<4x70x32x1024xf32, #tpu.memory_space<hbm>> -> memref<1x1x32x1024xf32, #tpu.memory_space<hbm>>
      %dma_wait3A_98 = tpu.memref_squeeze %dma_wait3A_97 : memref<1x1x32x1024xf32, #tpu.memory_space<hbm>> -> memref<32x1024xf32, #tpu.memory_space<hbm>>
      %dma_wait3A_99 = arith.constant 0 : i32
      %dma_wait3A_100 = arith.constant 0 : i32
      %dma_wait3A_101 = tpu.memref_slice %arg6[%select_n3A, %add3A_85, %dma_wait3A_99, %dma_wait3A_100] : memref<4x70x32x1024xf32, #tpu.memory_space<hbm>> -> memref<1x1x32x1024xf32, #tpu.memory_space<hbm>>
      %dma_wait3A_102 = tpu.memref_squeeze %dma_wait3A_101 : memref<1x1x32x1024xf32, #tpu.memory_space<hbm>> -> memref<32x1024xf32, #tpu.memory_space<hbm>>
      tpu.wait_dma2 semaphore(%run_scoped3A : memref<!tpu.dma_semaphore, #tpu.memory_space<semaphore_mem>>) src(%arg10 : memref<32x1024xf32, #tpu.memory_space<vmem>>) dst(%dma_wait3A_102 : memref<32x1024xf32, #tpu.memory_space<hbm>>)
      tpu.yield
    }) : () -> ()
    %lt3A_86 = arith.constant 3 : i32
    %lt3A_87 = arith.cmpi slt, %select_n3A_30, %lt3A_86 : i32
    %convert_element_type3A = arith.extui %lt3A_87 : i1 to i32
    %cond3A = arith.constant 0 : i32
    %cond3A_88 = arith.cmpi ne, %convert_element_type3A, %cond3A : i32
    scf.if %cond3A_88 {
      "tpu.region"() ({
        %run_scoped3A = tpu.sem_alloc : memref<!tpu.dma_semaphore, #tpu.memory_space<semaphore_mem>>
        %dma_start3A = arith.constant 0 : i32
        %dma_start3A_94 = tpu.memref_slice %arg3[%select_n3A, %select_n3A_30, %dma_start3A] : memref<4x3x16384xf32, #tpu.memory_space<hbm>> -> memref<1x1x16384xf32, #tpu.memory_space<hbm>>
        %dma_start3A_95 = tpu.memref_squeeze %dma_start3A_94 : memref<1x1x16384xf32, #tpu.memory_space<hbm>> -> memref<16384xf32, #tpu.memory_space<hbm>>
        %dma_start3A_96 = arith.constant 0 : i32
        %dma_start3A_97 = tpu.memref_slice %arg3[%select_n3A, %select_n3A_30, %dma_start3A_96] : memref<4x3x16384xf32, #tpu.memory_space<hbm>> -> memref<1x1x16384xf32, #tpu.memory_space<hbm>>
        %dma_start3A_98 = tpu.memref_squeeze %dma_start3A_97 : memref<1x1x16384xf32, #tpu.memory_space<hbm>> -> memref<16384xf32, #tpu.memory_space<hbm>>
        tpu.enqueue_dma source(%dma_start3A_98 : memref<16384xf32, #tpu.memory_space<hbm>>) target(%arg8 : memref<16384xf32, #tpu.memory_space<vmem>>) target_semaphore(%run_scoped3A : memref<!tpu.dma_semaphore, #tpu.memory_space<semaphore_mem>>)
        %dma_wait3A = arith.constant 0 : i32
        %dma_wait3A_99 = tpu.memref_slice %arg3[%select_n3A, %select_n3A_30, %dma_wait3A] : memref<4x3x16384xf32, #tpu.memory_space<hbm>> -> memref<1x1x16384xf32, #tpu.memory_space<hbm>>
        %dma_wait3A_100 = tpu.memref_squeeze %dma_wait3A_99 : memref<1x1x16384xf32, #tpu.memory_space<hbm>> -> memref<16384xf32, #tpu.memory_space<hbm>>
        %dma_wait3A_101 = arith.constant 0 : i32
        %dma_wait3A_102 = tpu.memref_slice %arg3[%select_n3A, %select_n3A_30, %dma_wait3A_101] : memref<4x3x16384xf32, #tpu.memory_space<hbm>> -> memref<1x1x16384xf32, #tpu.memory_space<hbm>>
        %dma_wait3A_103 = tpu.memref_squeeze %dma_wait3A_102 : memref<1x1x16384xf32, #tpu.memory_space<hbm>> -> memref<16384xf32, #tpu.memory_space<hbm>>
        tpu.wait_dma2 semaphore(%run_scoped3A : memref<!tpu.dma_semaphore, #tpu.memory_space<semaphore_mem>>) src(%dma_wait3A_103 : memref<16384xf32, #tpu.memory_space<hbm>>) dst(%arg8 : memref<16384xf32, #tpu.memory_space<vmem>>)
        tpu.yield
      }) : () -> ()
      "tpu.region"() ({
        %run_scoped3A = tpu.sem_alloc : memref<!tpu.dma_semaphore, #tpu.memory_space<semaphore_mem>>
        %dma_start3A = arith.constant 0 : i32
        %dma_start3A_94 = tpu.memref_slice %arg4[%select_n3A, %select_n3A_30, %dma_start3A] : memref<4x3x1024xf32, #tpu.memory_space<hbm>> -> memref<1x1x1024xf32, #tpu.memory_space<hbm>>
        %dma_start3A_95 = tpu.memref_squeeze %dma_start3A_94 : memref<1x1x1024xf32, #tpu.memory_space<hbm>> -> memref<1024xf32, #tpu.memory_space<hbm>>
        %dma_start3A_96 = arith.constant 0 : i32
        %dma_start3A_97 = tpu.memref_slice %arg4[%select_n3A, %select_n3A_30, %dma_start3A_96] : memref<4x3x1024xf32, #tpu.memory_space<hbm>> -> memref<1x1x1024xf32, #tpu.memory_space<hbm>>
        %dma_start3A_98 = tpu.memref_squeeze %dma_start3A_97 : memref<1x1x1024xf32, #tpu.memory_space<hbm>> -> memref<1024xf32, #tpu.memory_space<hbm>>
        tpu.enqueue_dma source(%dma_start3A_98 : memref<1024xf32, #tpu.memory_space<hbm>>) target(%arg9 : memref<1024xf32, #tpu.memory_space<vmem>>) target_semaphore(%run_scoped3A : memref<!tpu.dma_semaphore, #tpu.memory_space<semaphore_mem>>)
        %dma_wait3A = arith.constant 0 : i32
        %dma_wait3A_99 = tpu.memref_slice %arg4[%select_n3A, %select_n3A_30, %dma_wait3A] : memref<4x3x1024xf32, #tpu.memory_space<hbm>> -> memref<1x1x1024xf32, #tpu.memory_space<hbm>>
        %dma_wait3A_100 = tpu.memref_squeeze %dma_wait3A_99 : memref<1x1x1024xf32, #tpu.memory_space<hbm>> -> memref<1024xf32, #tpu.memory_space<hbm>>
        %dma_wait3A_101 = arith.constant 0 : i32
        %dma_wait3A_102 = tpu.memref_slice %arg4[%select_n3A, %select_n3A_30, %dma_wait3A_101] : memref<4x3x1024xf32, #tpu.memory_space<hbm>> -> memref<1x1x1024xf32, #tpu.memory_space<hbm>>
        %dma_wait3A_103 = tpu.memref_squeeze %dma_wait3A_102 : memref<1x1x1024xf32, #tpu.memory_space<hbm>> -> memref<1024xf32, #tpu.memory_space<hbm>>
        tpu.wait_dma2 semaphore(%run_scoped3A : memref<!tpu.dma_semaphore, #tpu.memory_space<semaphore_mem>>) src(%dma_wait3A_103 : memref<1024xf32, #tpu.memory_space<hbm>>) dst(%arg9 : memref<1024xf32, #tpu.memory_space<vmem>>)
        tpu.yield
      }) : () -> ()
      %parallel_loop3A_89 = arith.constant 0 : i32
      %parallel_loop3A_90 = arith.constant 2048 : i32
      %parallel_loop3A_91 = arith.constant 1 : i32
      scf.for %parallel_loop3A_94 = %parallel_loop3A_89 to %parallel_loop3A_90 step %parallel_loop3A_91  : i32 {
        %parallel_loop3A_95 = arith.constant 64 : i32
        %parallel_loop3A_96 = arith.divsi %parallel_loop3A_94, %parallel_loop3A_95 : i32
        %parallel_loop3A_97 = arith.constant 0 : i32
        %parallel_loop3A_98 = arith.cmpi sgt, %parallel_loop3A_94, %parallel_loop3A_97 : i32
        %parallel_loop3A_99 = arith.extui %parallel_loop3A_98 : i1 to i32
        %parallel_loop3A_100 = arith.constant 0 : i32
        %parallel_loop3A_101 = arith.cmpi slt, %parallel_loop3A_94, %parallel_loop3A_100 : i32
        %parallel_loop3A_102 = arith.extui %parallel_loop3A_101 : i1 to i32
        %parallel_loop3A_103 = arith.subi %parallel_loop3A_99, %parallel_loop3A_102 : i32
        %parallel_loop3A_104 = arith.constant 0 : i32
        %parallel_loop3A_105 = arith.cmpi sgt, %parallel_loop3A_95, %parallel_loop3A_104 : i32
        %parallel_loop3A_106 = arith.extui %parallel_loop3A_105 : i1 to i32
        %parallel_loop3A_107 = arith.constant 0 : i32
        %parallel_loop3A_108 = arith.cmpi slt, %parallel_loop3A_95, %parallel_loop3A_107 : i32
        %parallel_loop3A_109 = arith.extui %parallel_loop3A_108 : i1 to i32
        %parallel_loop3A_110 = arith.subi %parallel_loop3A_106, %parallel_loop3A_109 : i32
        %parallel_loop3A_111 = arith.cmpi ne, %parallel_loop3A_103, %parallel_loop3A_110 : i32
        %parallel_loop3A_112 = arith.remsi %parallel_loop3A_94, %parallel_loop3A_95 : i32
        %parallel_loop3A_113 = arith.constant 0 : i32
        %parallel_loop3A_114 = arith.cmpi ne, %parallel_loop3A_112, %parallel_loop3A_113 : i32
        %parallel_loop3A_115 = arith.andi %parallel_loop3A_111, %parallel_loop3A_114 : i1
        %parallel_loop3A_116 = arith.constant 1 : i32
        %parallel_loop3A_117 = arith.subi %parallel_loop3A_96, %parallel_loop3A_116 : i32
        %parallel_loop3A_118 = arith.select %parallel_loop3A_115, %parallel_loop3A_117, %parallel_loop3A_96 : i32
        %parallel_loop3A_119 = arith.constant 64 : i32
        %parallel_loop3A_120 = arith.constant 0 : i32
        %parallel_loop3A_121 = arith.cmpi eq, %parallel_loop3A_119, %parallel_loop3A_120 : i32
        %parallel_loop3A_122 = arith.constant 1 : i32
        %parallel_loop3A_123 = arith.select %parallel_loop3A_121, %parallel_loop3A_122, %parallel_loop3A_119 : i32
        %parallel_loop3A_124 = arith.remsi %parallel_loop3A_94, %parallel_loop3A_123 : i32
        %parallel_loop3A_125 = arith.constant 0 : i32
        %parallel_loop3A_126 = arith.cmpi ne, %parallel_loop3A_124, %parallel_loop3A_125 : i32
        %parallel_loop3A_127 = arith.constant 0 : i32
        %parallel_loop3A_128 = arith.cmpi slt, %parallel_loop3A_124, %parallel_loop3A_127 : i32
        %parallel_loop3A_129 = arith.constant 0 : i32
        %parallel_loop3A_130 = arith.cmpi slt, %parallel_loop3A_123, %parallel_loop3A_129 : i32
        %parallel_loop3A_131 = arith.xori %parallel_loop3A_128, %parallel_loop3A_130 : i1
        %parallel_loop3A_132 = arith.andi %parallel_loop3A_131, %parallel_loop3A_126 : i1
        %parallel_loop3A_133 = arith.addi %parallel_loop3A_124, %parallel_loop3A_123 : i32
        %parallel_loop3A_134 = arith.select %parallel_loop3A_132, %parallel_loop3A_133, %parallel_loop3A_124 : i32
        %parallel_loop3A_135 = arith.constant 16 : i32
        %parallel_loop3A_136 = arith.muli %parallel_loop3A_134, %parallel_loop3A_135 : i32
        %parallel_loop3A_137 = arith.index_cast %parallel_loop3A_118 : i32 to index
        %parallel_loop3A_138 = arith.index_cast %parallel_loop3A_136 : i32 to index
        %parallel_loop3A_139 = tpu.vector_load %arg7[%parallel_loop3A_137, %parallel_loop3A_138] {strides = array<i32>} : memref<32x1024xi32, #tpu.memory_space<vmem>>, vector<16xi32>,
        %parallel_loop3A_140 = arith.constant 16 : i32
        %parallel_loop3A_141 = arith.muli %parallel_loop3A_134, %parallel_loop3A_140 : i32
        %parallel_loop3A_142 = vector.broadcast %parallel_loop3A_141 : i32 to vector<16xi32>
        %parallel_loop3A_143 = arith.addi %parallel_loop3A_142, %iota3A : vector<16xi32>
        %parallel_loop3A_144 = tpu.vector_load_idx %arg9[%parallel_loop3A_143] : memref<1024xf32, #tpu.memory_space<vmem>>[vector<16xi32>], vector<16xf32>,
        %parallel_loop3A_145 = tpu.vector_load_idx %arg8[%parallel_loop3A_139] : memref<16384xf32, #tpu.memory_space<vmem>>[vector<16xi32>], vector<16xf32>,
        %parallel_loop3A_146 = arith.subf %parallel_loop3A_145, %parallel_loop3A_144 : vector<16xf32>
        %parallel_loop3A_147 = arith.constant 16 : i32
        %parallel_loop3A_148 = arith.muli %parallel_loop3A_134, %parallel_loop3A_147 : i32
        %parallel_loop3A_149 = arith.index_cast %parallel_loop3A_118 : i32 to index
        %parallel_loop3A_150 = arith.index_cast %parallel_loop3A_148 : i32 to index
        %parallel_loop3A_151 = tpu.vector_load %arg10[%parallel_loop3A_149, %parallel_loop3A_150] {strides = array<i32>} : memref<32x1024xf32, #tpu.memory_space<vmem>>, vector<16xf32>,
        tpu.vector_store %arg10[%parallel_loop3A_149, %parallel_loop3A_150], %parallel_loop3A_146 {strides = array<i32>} : memref<32x1024xf32, #tpu.memory_space<vmem>>, vector<16xf32>,
      } {sc.loop_unroll_factor = 8 : i64, sc.parallel_access}
      "tpu.region"() ({
        %run_scoped3A = tpu.sem_alloc : memref<!tpu.dma_semaphore, #tpu.memory_space<semaphore_mem>>
        %dma_start3A = arith.constant 0 : i32
        %dma_start3A_94 = arith.constant 0 : i32
        %dma_start3A_95 = tpu.memref_slice %arg6[%select_n3A, %select_n3A_30, %dma_start3A, %dma_start3A_94] : memref<4x70x32x1024xf32, #tpu.memory_space<hbm>> -> memref<1x1x32x1024xf32, #tpu.memory_space<hbm>>
        %dma_start3A_96 = tpu.memref_squeeze %dma_start3A_95 : memref<1x1x32x1024xf32, #tpu.memory_space<hbm>> -> memref<32x1024xf32, #tpu.memory_space<hbm>>
        %dma_start3A_97 = arith.constant 0 : i32
        %dma_start3A_98 = arith.constant 0 : i32
        %dma_start3A_99 = tpu.memref_slice %arg6[%select_n3A, %select_n3A_30, %dma_start3A_97, %dma_start3A_98] : memref<4x70x32x1024xf32, #tpu.memory_space<hbm>> -> memref<1x1x32x1024xf32, #tpu.memory_space<hbm>>
        %dma_start3A_100 = tpu.memref_squeeze %dma_start3A_99 : memref<1x1x32x1024xf32, #tpu.memory_space<hbm>> -> memref<32x1024xf32, #tpu.memory_space<hbm>>
        tpu.enqueue_dma source(%arg10 : memref<32x1024xf32, #tpu.memory_space<vmem>>) target(%dma_start3A_100 : memref<32x1024xf32, #tpu.memory_space<hbm>>) target_semaphore(%run_scoped3A : memref<!tpu.dma_semaphore, #tpu.memory_space<semaphore_mem>>)
        %dma_wait3A = arith.constant 0 : i32
        %dma_wait3A_101 = arith.constant 0 : i32
        %dma_wait3A_102 = tpu.memref_slice %arg6[%select_n3A, %select_n3A_30, %dma_wait3A, %dma_wait3A_101] : memref<4x70x32x1024xf32, #tpu.memory_space<hbm>> -> memref<1x1x32x1024xf32, #tpu.memory_space<hbm>>
        %dma_wait3A_103 = tpu.memref_squeeze %dma_wait3A_102 : memref<1x1x32x1024xf32, #tpu.memory_space<hbm>> -> memref<32x1024xf32, #tpu.memory_space<hbm>>
        %dma_wait3A_104 = arith.constant 0 : i32
        %dma_wait3A_105 = arith.constant 0 : i32
        %dma_wait3A_106 = tpu.memref_slice %arg6[%select_n3A, %select_n3A_30, %dma_wait3A_104, %dma_wait3A_105] : memref<4x70x32x1024xf32, #tpu.memory_space<hbm>> -> memref<1x1x32x1024xf32, #tpu.memory_space<hbm>>
        %dma_wait3A_107 = tpu.memref_squeeze %dma_wait3A_106 : memref<1x1x32x1024xf32, #tpu.memory_space<hbm>> -> memref<32x1024xf32, #tpu.memory_space<hbm>>
        tpu.wait_dma2 semaphore(%run_scoped3A : memref<!tpu.dma_semaphore, #tpu.memory_space<semaphore_mem>>) src(%arg10 : memref<32x1024xf32, #tpu.memory_space<vmem>>) dst(%dma_wait3A_107 : memref<32x1024xf32, #tpu.memory_space<hbm>>)
        tpu.yield
      }) : () -> ()
      %add3A_92 = arith.constant 3 : i32
      %add3A_93 = arith.addi %add3A_92, %select_n3A_30 : i32
      "tpu.region"() ({
        %run_scoped3A = tpu.sem_alloc : memref<!tpu.dma_semaphore, #tpu.memory_space<semaphore_mem>>
        %dma_start3A = arith.constant 0 : i32
        %dma_start3A_94 = arith.constant 0 : i32
        %dma_start3A_95 = tpu.memref_slice %arg6[%select_n3A, %add3A_93, %dma_start3A, %dma_start3A_94] : memref<4x70x32x1024xf32, #tpu.memory_space<hbm>> -> memref<1x1x32x1024xf32, #tpu.memory_space<hbm>>
        %dma_start3A_96 = tpu.memref_squeeze %dma_start3A_95 : memref<1x1x32x1024xf32, #tpu.memory_space<hbm>> -> memref<32x1024xf32, #tpu.memory_space<hbm>>
        %dma_start3A_97 = arith.constant 0 : i32
        %dma_start3A_98 = arith.constant 0 : i32
        %dma_start3A_99 = tpu.memref_slice %arg6[%select_n3A, %add3A_93, %dma_start3A_97, %dma_start3A_98] : memref<4x70x32x1024xf32, #tpu.memory_space<hbm>> -> memref<1x1x32x1024xf32, #tpu.memory_space<hbm>>
        %dma_start3A_100 = tpu.memref_squeeze %dma_start3A_99 : memref<1x1x32x1024xf32, #tpu.memory_space<hbm>> -> memref<32x1024xf32, #tpu.memory_space<hbm>>
        tpu.enqueue_dma source(%arg10 : memref<32x1024xf32, #tpu.memory_space<vmem>>) target(%dma_start3A_100 : memref<32x1024xf32, #tpu.memory_space<hbm>>) target_semaphore(%run_scoped3A : memref<!tpu.dma_semaphore, #tpu.memory_space<semaphore_mem>>)
        %dma_wait3A = arith.constant 0 : i32
        %dma_wait3A_101 = arith.constant 0 : i32
        %dma_wait3A_102 = tpu.memref_slice %arg6[%select_n3A, %add3A_93, %dma_wait3A, %dma_wait3A_101] : memref<4x70x32x1024xf32, #tpu.memory_space<hbm>> -> memref<1x1x32x1024xf32, #tpu.memory_space<hbm>>
        %dma_wait3A_103 = tpu.memref_squeeze %dma_wait3A_102 : memref<1x1x32x1024xf32, #tpu.memory_space<hbm>> -> memref<32x1024xf32, #tpu.memory_space<hbm>>
        %dma_wait3A_104 = arith.constant 0 : i32
        %dma_wait3A_105 = arith.constant 0 : i32
        %dma_wait3A_106 = tpu.memref_slice %arg6[%select_n3A, %add3A_93, %dma_wait3A_104, %dma_wait3A_105] : memref<4x70x32x1024xf32, #tpu.memory_space<hbm>> -> memref<1x1x32x1024xf32, #tpu.memory_space<hbm>>
        %dma_wait3A_107 = tpu.memref_squeeze %dma_wait3A_106 : memref<1x1x32x1024xf32, #tpu.memory_space<hbm>> -> memref<32x1024xf32, #tpu.memory_space<hbm>>
        tpu.wait_dma2 semaphore(%run_scoped3A : memref<!tpu.dma_semaphore, #tpu.memory_space<semaphore_mem>>) src(%arg10 : memref<32x1024xf32, #tpu.memory_space<vmem>>) dst(%dma_wait3A_107 : memref<32x1024xf32, #tpu.memory_space<hbm>>)
        tpu.yield
      }) : () -> ()
    } else {
    }
    return
  }
}

</mosaic_0001>

<sc_bundles>
// kernel: kernel.4.cloned.1.call-start
scs
__scs_entry_jumppad:
0x0: {  	(pc) =	sbr.rel $0x88, $3  }
0x1: {  	(tag) =	ssettag $0x0;
	lr =	simm.s32 $0x1  }
0x2: {  	[smem:$0x3F9E] =	sst lr;
	_ =	strace $0xD0000000  }
0x3: {  	_ = 	snop  }
0x4: {  	_ = 	snop  }
0x5: {  	_ = 	snop  }
0x6: {  	_ = 	snop  }
0x7: {  	_ = 	snop  }
__scs_overlays_trampoline_lowered:
0x8: {  	[smem:$0x3FAD] =	sst s0  }
0x9: {  	[smem:$0x3FAE] =	sst s1  }
0xa: {  	[smem:$0x3FAF] =	sst s2  }
0xb: {  	[smem:$0x3FB0] =	sst s3  }
0xc: {  	[smem:$0x3FB1] =	sst s4  }
0xd: {  	[smem:$0x3FB2] =	sst s5  }
0xe: {  	[smem:$0x3FB3] =	sst s6  }
0xf: {  	[smem:$0x3FB4] =	sst s7  }
0x10: {  	[smem:$0x3FB5] =	sst s8  }
0x11: {  	[smem:$0x3FB6] =	sst s9;
	s0 =	simm.s32 @!p0 $0x0  }
0x12: {  	s1 =	sld [smem:$0x3F9C];
	s0 =	simm.s32 @p0 $0x1  }
0x13: {  	[smem:$0x3FB7] =	sst s0;
	s0 =	simm.s32 @!p1 $0x0  }
0x14: {  	s2 =	sld [smem:$0x3F9B];
	s0 =	simm.s32 @p1 $0x1  }
0x15: {  	[smem:$0x3FB8] =	sst s0;
	s0 =	simm.s32 @!p2 $0x0  }
0x16: {  	s3 =	sld [smem:$0x3FDB];
	s0 =	simm.s32 @p2 $0x1  }
0x17: {  	s4 =	simm.s32 $0x1BF5;
	[smem:$0x3FBA] =	sst s0  }
0x18: {  	s0 =	sld [smem:$0x3F9D];
	_ =	swait.ge [sflag:s4], $0x0  }
0x19: {  	s7 =	sld [smem:$0x3F9E]  }
0x1a: {  	s8 =	sadd.s32 $0xFFFFE003, lr  }
0x1b: {  	s9 =	sadd.s32 $0xFFFFFEF7, lr;
	s5 =	simm.s32 $0xFFFFFFFF;
	p2 =	slt.u32 s8, $0xFFFFF086  }
0x1c: {  	p1 =	slt.u32 s9, $0xF7A;
	s5 =	simm.s32 @!p2 $0x0  }
0x1d: {  	s5 =	simm.s32 @p1 $0x1;
	p0 =	seq.s32 s7, s2  }
0x1e: {  	s7 =	smul.u32 @!p0 $0xF7A, s2;
	p2 =	seq.s32 @!p0 s5, $0x0  }
0x1f: {  	s9 =	smul.u32 $0xF7A, s1;
	s8 =	simm.s32 @!p0 $0x1BF5;
	p2 =	por !p2, p0  }
0x20: {  	[sflag:s8] =	ssyncset.s32 @!p0 $0xFFFFF086;
	s6 =	sadd.s32 @!p0 s3, s7;
	s7 =	simm.s32 @!p0 $0x108  }
0x21: {  	s3 =	sadd.s32 s3, s9;
	s6 =	sadd.s32 @!p0 $0x88, s6;
	s7 =	simm.s32 @p2 $0x1082  }
0x22: {  	[simem:s7], [sflag:s8] =	dma.local @!p0 [hbm:s6], $0xF7A  }
0x23: {  	s9 =	sor.u32 $0xD0000000, s2;
	s6 =	simm.s32 $0x108;
	_ =	swait.ge @!p0 [sflag:s8], $0x0  }
0x24: {  	s3 =	sadd.s32 $0x88, s3;
	s6 =	simm.s32 @!p1 $0x1082;
	[sflag:s4] =	ssyncset.s32 $0xFFFFF086  }
0x25: {  	[simem:s6], [sflag:s4] =	dma.local [hbm:s3], $0xF7A  }
0x26: {  	[smem:$0x3F9E] =	sst s1;
	(tag) =	ssettag s2;
	_ =	strace s9  }
0x27: {  	s1 =	sld [smem:$0x3FAE]  }
0x28: {  	s2 =	sld [smem:$0x3FAF]  }
0x29: {  	s4 =	sld [smem:$0x3FB1]  }
0x2a: {  	p0 =	seq.s32 s5, $0x0;
	s5 =	sld [smem:$0x3FB2]  }
0x2b: {  	s6 =	sld [smem:$0x3FB3]  }
0x2c: {  	s7 =	sld [smem:$0x3FB4]  }
0x2d: {  	s3 =	simm.s32 $0x108;
	s8 =	sld [smem:$0x3FB5]  }
0x2e: {  	s3 =	simm.s32 @!p0 $0x1082;
	s9 =	sld [smem:$0x3FB6]  }
0x2f: {  	lr =	sadd.s32 s0, s3;
	s0 =	sld [smem:$0x3FAD]  }
0x30: {  	s3 =	sld [smem:$0x3FB0]  }
0x31: {  	[smem:$0x3FB9] =	sst s10  }
0x32: {  	s10 =	sld [smem:$0x3FB7];
	_ =	sdelay $0x3  }
0x33: {  	p0 =	seq.s32 s10, $0x1;
	s10 =	sld [smem:$0x3FB9];
	_ =	sdelay $0x3  }
0x34: {  	[smem:$0x3FB9] =	sst s10  }
0x35: {  	s10 =	sld [smem:$0x3FB8];
	_ =	sdelay $0x3  }
0x36: {  	p1 =	seq.s32 s10, $0x1;
	s10 =	sld [smem:$0x3FB9];
	_ =	sdelay $0x3  }
0x37: {  	[smem:$0x3FB9] =	sst s10  }
0x38: {  	s10 =	sld [smem:$0x3FBA]  }
0x39: {  	_ = 	snop;
	(pc) =	sbr.ind lr, $3  }
0x3a: {  	_ = 	snop  }
0x3b: {  	_ = 	snop  }
0x3c: {  	p2 =	seq.s32 s10, $0x1;
	s10 =	sld [smem:$0x3FB9]  }
0x3d: {  	_ =	shalt  }
0x3e: {  	_ =	shalt  }
0x3f: {  	_ =	shalt  }
0x40: {  	_ =	shalt  }
0x41: {  	_ =	shalt  }
0x42: {  	_ =	shalt  }
0x43: {  	_ =	shalt  }
0x44: {  	_ =	shalt  }
0x45: {  	_ =	shalt  }
0x46: {  	_ =	shalt  }
0x47: {  	_ =	shalt  }
0x48: {  	_ =	shalt  }
0x49: {  	_ =	shalt  }
0x4a: {  	_ =	shalt  }
0x4b: {  	_ =	shalt  }
0x4c: {  	_ =	shalt  }
0x4d: {  	_ =	shalt  }
0x4e: {  	_ =	shalt  }
0x4f: {  	_ =	shalt  }
0x50: {  	_ =	shalt  }
0x51: {  	_ =	shalt  }
0x52: {  	_ =	shalt  }
0x53: {  	_ =	shalt  }
0x54: {  	_ =	shalt  }
0x55: {  	_ =	shalt  }
0x56: {  	_ =	shalt  }
0x57: {  	_ =	shalt  }
0x58: {  	_ =	shalt  }
0x59: {  	_ =	shalt  }
0x5a: {  	_ =	shalt  }
0x5b: {  	_ =	shalt  }
0x5c: {  	_ =	shalt  }
0x5d: {  	_ =	shalt  }
0x5e: {  	_ =	shalt  }
0x5f: {  	_ =	shalt  }
0x60: {  	_ =	shalt  }
0x61: {  	_ =	shalt  }
0x62: {  	_ =	shalt  }
0x63: {  	_ =	shalt  }
0x64: {  	_ =	shalt  }
0x65: {  	_ =	shalt  }
0x66: {  	_ =	shalt  }
0x67: {  	_ =	shalt  }
0x68: {  	_ =	shalt  }
0x69: {  	_ =	shalt  }
0x6a: {  	_ =	shalt  }
0x6b: {  	_ =	shalt  }
0x6c: {  	_ =	shalt  }
0x6d: {  	_ =	shalt  }
0x6e: {  	_ =	shalt  }
0x6f: {  	_ =	shalt  }
0x70: {  	_ =	shalt  }
0x71: {  	_ =	shalt  }
0x72: {  	_ =	shalt  }
0x73: {  	_ =	shalt  }
0x74: {  	_ =	shalt  }
0x75: {  	_ =	shalt  }
0x76: {  	_ =	shalt  }
0x77: {  	_ =	shalt  }
0x78: {  	_ =	shalt  }
0x79: {  	_ =	shalt  }
0x7a: {  	_ =	shalt  }
0x7b: {  	_ =	shalt  }
0x7c: {  	_ =	shalt  }
0x7d: {  	_ =	shalt  }
0x7e: {  	_ =	shalt  }
0x7f: {  	_ =	shalt  }
0x80: {  	_ =	shalt  }
0x81: {  	_ =	shalt  }
0x82: {  	_ =	shalt  }
0x83: {  	_ =	shalt  }
0x84: {  	_ =	shalt  }
0x85: {  	_ =	shalt  }
0x86: {  	_ =	shalt  }
0x87: {  	_ =	shalt  }
.Lfunc_end0:
.L_simem_size_0:
called_computation_lowered:
.L_overlay_start_0:
0x88: {  	s2 =	sld [smem:$0x3FD9]  }
0x89: {  	s3 =	sld [smem:$0x3FFE];
	_ =	sdelay $0x1  }
0x8a: {  	s1 =	srdreg.scid  }
0x8b: {  	s0 =	sand.u32 $0x1, s1  }
0x8c: {  	s17 =	sshll.u32 s0, $0xA;
	s2 =	sadd.s32 s3, s2  }
0x8d: {  	s2 =	sadd.s32 s2, s17  }
0x8e: {  	[smem:$0x3FC5] =	sst s2  }
0x8f: {  	_ = 	snop  }
0x90: {  	s2 =	sld [smem:$0x3FD0];
	(tm) =	ssettm $0x1  }
0x91: {  	s18 =	sld [smem:$0x3FFB];
	_ =	sdelay $0x3  }
0x92: {  	_ =	strace s18  }
0x93: {  	s3 =	sld [smem:$0x3FFC];
	_ =	sdelay $0x3  }
0x94: {  	_ =	strace s3  }
0x95: {  	s3 =	sld [smem:$0x3FFD];
	_ =	sdelay $0x3  }
0x96: {  	_ =	strace s3  }
0x97: {  	_ =	strace $0x8FFFFFFF  }
0x98: {  	s19 =	sld [smem:$0x3FDB];
	_ =	sdelay $0x1  }
0x99: {  	s4 =	simm.s32 $_scs_section_size  }
0x9a: {  	s5 =	simm.s32 $_size__tile_overlayer_lowered;
	s6 =	simm.s32 $_tile_overlayer_lowered  }
0x9b: {  	s22 =	simm.s32 $0x1BFF;
	s21 =	sshll.u32 s6, $0x1;
	s3 =	sadd.s32 s4, s19  }
0x9c: {  	s7 =	simm.s32 $0x0;
	s20 =	sshll.u32 s5, $0x1;
	s5 =	sadd.s32 s21, s3  }
0x9d: {  	[timem:s7], [sflag:s22] =	dma.local [hbm:s5], s20  }
0x9e: {  	_ =	swait.ge [sflag:s22], s20  }
0x9f: {  	s4 =	ssub.s32 $0x0, s20;
	[sflag:s22] =	ssyncset.done $0x0  }
0xa0: {  	[sflag:s22] =	ssyncadd.s32 s4;
	_ =	sdelay $0x1  }
0xa1: {  	s23 =	simm.s32 $0x1B8B  }
0xa2: {  	_ =	swait.ge [sflag:s23], $0x1  }
0xa3: {  	[sflag:s23] =	ssyncset.done $0x0  }
0xa4: {  	s25 =	simm.s32 $0x1B8E;
	s24 =	sld [smem:$0x3FFE];
	[sflag:s23] =	ssyncadd.s32 $0xFFFFFFFF  }
0xa5: {  	s26 =	simm.s32 $execute0_lowered;
	[smem:$0x3FD2] =	sst s25  }
0xa6: {  	s5 =	sshll.u32 s26, $0x1;
	_ =	strace $0x80000046;
	[dreg:$0x1] =	wrdreg $0xFFFFFFFF  }
0xa7: {  	s28 =	simm.s32 $_size_execute0_lowered;
	s3 =	sadd.s32 s3, s5;
	[dreg:$0x0] =	wrdreg $0x0  }
0xa8: {  	s5 =	sshll.u32 s28, $0x1;
	[dreg:$0x2] =	wrdreg s3  }
0xa9: {  	[dreg:$0x3] =	wrdreg s5  }
0xaa: {  	[dreg:$0x4] =	wrdreg $0xC0  }
0xab: {  	_ =	task [dreg:s7], $0x5FFFF  }
0xac: {  	[dreg:$0x1] =	wrdreg $0xFFFFFFFF  }
0xad: {  	[dreg:$0x0] =	wrdreg $0x60  }
0xae: {  	[dreg:$0x2] =	wrdreg s24  }
0xaf: {  	[dreg:$0x3] =	wrdreg s2  }
0xb0: {  	[dreg:$0x4] =	wrdreg $0x9  }
0xb1: {  	_ =	task.clear_ibuf [dreg:s7], $0x5FFFF;
	_ =	strace $0x90000046  }
0xb2: {  	s29 =	simm.s32 $0x9;
	_ =	strace $0x80000048  }
0xb3: {  	_ =	swait.ge [sflag:s29], $0x1  }
0xb4: {  	[sflag:s29] =	ssyncadd.s32 $0xFFFFFFFF  }
0xb5: {  	_ =	strace $0x90000048  }
0xb6: {  	_ =	sfence  }
0xb7: {  	s30 =	sld [smem:$0x0];
	_ =	sdelay $0x2  }
0xb8: {  	s31 =	sshll.u32 s1, $0xD;
	s1 =	sshrl.u32 s1, $0x2  }
0xb9: {  	s3 =	sand.u32 $0x4000, s31;
	s1 =	sadd.s32 s1, s30  }
0xba: {  	s0 =	sor.u32 s3, s0;
	s1 =	sshll.u32 s1, $0x11  }
0xbb: {  	s0 =	sor.u32 s1, s0  }
0xbc: {  	s0 =	sadd.s32 $0x8F2B, s0  }
0xbd: {  	[sflag:s0] =	ssyncadd.remote.s32 $0x1  }
0xbe: {  	_ =	sfence.sel $0xFFFF  }
0xbf: {  	[dreg:$0x0] =	wrdreg $0xFFFFFFFF;
	(pc) =	sbr.abs _section_cstart, $3  }
0xc0: {  	[dreg:$0x1] =	wrdreg $0xFFFFFFFF  }
0xc1: {  	_ =	task.clear_ibuf [dreg:s7], $0x2FFFF;
	_ =	strace $0x9FFFFFFF  }
0xc2: {  	(tm) =	ssettm $0x7FFFFFFF  }
0xc3: {  	_ =	shalt  }
tec
execute0_lowered:
.L_overlay_start_1:
0x0: {  	(tag) =	ssettag $0x1  }
0x1: {  	s0 =	rddreg [dreg:$0x0]  }
0x2: {  	s1 =	rddreg [dreg:$0x1]  }
0x3: {  	s2 =	simm.s32 $0x0;
	s5 =	stileid.u32;
	s3 =	srdreg.scid  }
0x4: {  	s14 =	simm.s32 $0x200;
	s15 =	simm.s32 $0x1;
	s19 =	simm.s32 $0x10000  }
0x5: {  	s28 =	simm.s32 $0x10380;
	s31 =	simm.s32 $0x0;
	[smem:$0x7FF] =	sst s2  }
0x6: {  	s4 =	sshll.u32 s5, $0x1;
	s5 =	sshrl.u32 s5, $0x2;
	s3 =	sand.u32 $0x1, s3  }
0x7: {  	s4 =	sand.u32 $0x6, s4;
	_ =	strace $0x80000047;
	s6 =	sshll.u32 s5, $0x4  }
0x8: {  	s5 =	sshll.u32 s5, $0xC;
	s4 =	sor.u32 s3, s4;
	s7 =	sadd.s32 s6, s0  }
0x9: {  	s3 =	ssub.s32 $0x2, s3;
	s1 =	sadd.s32 s1, s6;
	s8 =	sshll.u32 s4, $0x6  }
0xa: {  	s9 =	sshrl.u32 s3, $0x1;
	s20 =	sadd.s32 $0x4E00, s7;
	[dreg:$0x6] =	wrdreg s1  }
0xb: {  	s21 =	sadd.s32 $0x2E00, s7;
	s22 =	sadd.s32 $0xE00, s7;
	[dreg:$0x3] =	wrdreg s20  }
0xc: {  	s24 =	sshll.u32 s4, $0x7;
	s8 =	sor.u32 s6, s8;
	[dreg:$0x4] =	wrdreg s21  }
0xd: {  	s3 =	ssub.s32 s3, s9;
	[dreg:$0x5] =	wrdreg s22;
	s20 =	simm.s32 $0x10080  }
0xe: {  	s21 =	simm.s32 $0x10100;
	s10 =	sadd.s32 s8, s0;
	s30 =	smax.u32 s3, $0x1  }
0xf: {  	s22 =	simm.s32 $0x10180;
	s23 =	sadd.s32 $0xC00, s10;
	[dreg:$0xc] =	wrdreg s30  }
0x10: {  	s0 =	sadd.s32 s5, s0;
	s25 =	sadd.s32 $0xA00, s10;
	[dreg:$0x7] =	wrdreg s23  }
0x11: {  	s26 =	sadd.s32 $0x800, s10;
	s0 =	sadd.s32 s24, s0;
	[dreg:$0x8] =	wrdreg s25  }
0x12: {  	s29 =	sadd.s32 $0x600, s10;
	s24 =	simm.s32 $0x10400;
	[dreg:$0x9] =	wrdreg s26  }
0x13: {  	v0 =	vlaneseq.u32;
	[dreg:$0xa] =	wrdreg s29;
	s0 =	sadd.s32 $0x6E00, s0;
	s23 =	simm.s32 $0x10200  }
0x14: {  	v1 =	vimm.f32 $3.999999910e-02;
	v2 =	vmul.u32 $0x80, v0;
	v3 =	vor.u32 $0x10, v0;
	s25 =	simm.s32 $0x10280;
	s26 =	simm.s32 $0x10300;
	[dreg:$0xb] =	wrdreg s0  }
.LBB2_1:
0x15: {  	s0 =	rddreg [dreg:$0x3];
	s1 =	simm.s32 $0x80  }
0x16: {  	[tilespmem:s2], [sflag:$0x1] =	stream.strided.gather [hbm4b:s0+s1], $0x4000, s14, s1, $0x38;
	[tilespmem:$0x11400] =	vst v63  }
0x17: {  	_ =	swait.ge [sflag:s15], $0x4000  }
0x18: {  	[sflag:s15] =	ssyncset.done $0x0  }
0x19: {  	s3 =	simm.s32 $0x4000;
	s10 =	rddreg [dreg:$0x4];
	[sflag:s15] =	ssyncadd.s32 $0xFFFFC000  }
0x1a: {  	[tilespmem:s3], [sflag:$0x1] =	stream.strided.gather [hbm4b:s10+s1], $0x4000, s14, s1, $0x38;
	[tilespmem:$0x11400] =	vst v63  }
0x1b: {  	_ =	swait.ge [sflag:s15], $0x4000  }
0x1c: {  	[sflag:s15] =	ssyncset.done $0x0  }
0x1d: {  	s12 =	simm.s32 $0x8000;
	s11 =	rddreg [dreg:$0x5];
	[sflag:s15] =	ssyncadd.s32 $0xFFFFC000  }
0x1e: {  	[tilespmem:s12], [sflag:$0x1] =	stream.strided.gather [hbm4b:s11+s1], $0x4000, s14, s1, $0x38;
	[tilespmem:$0x11400] =	vst v63  }
0x1f: {  	_ =	swait.ge [sflag:s15], $0x4000  }
0x20: {  	[sflag:s15] =	ssyncset.done $0x0  }
0x21: {  	s16 =	simm.s32 $0xC000;
	s13 =	rddreg [dreg:$0x6];
	[sflag:s15] =	ssyncadd.s32 $0xFFFFC000  }
0x22: {  	[tilespmem:s16], [sflag:$0x1] =	stream.strided.gather [hbm4b:s13+s1], $0x4000, s14, s1, $0x38;
	[tilespmem:$0x11400] =	vst v63  }
0x23: {  	_ =	swait.ge [sflag:s15], $0x4000  }
0x24: {  	[sflag:s15] =	ssyncset.done $0x0  }
0x25: {  	s17 =	rddreg [dreg:$0x7];
	[sflag:s15] =	ssyncadd.s32 $0xFFFFC000  }
0x26: {  	[tilespmem:s19], [sflag:$0x1] =	stream.linear.gather [hbm4b:s17+s2], $0x80, $0x38;
	[tilespmem:$0x11400] =	vst v63  }
0x27: {  	_ =	swait.ge [sflag:s15], $0x80  }
0x28: {  	[sflag:s15] =	ssyncset.done $0x0  }
0x29: {  	s18 =	rddreg [dreg:$0x8];
	[sflag:s15] =	ssyncadd.s32 $0xFFFFFF80  }
0x2a: {  	[tilespmem:s20], [sflag:$0x1] =	stream.linear.gather [hbm4b:s18+s2], $0x80, $0x38;
	[tilespmem:$0x11400] =	vst v63  }
0x2b: {  	_ =	swait.ge [sflag:s15], $0x80  }
0x2c: {  	[sflag:s15] =	ssyncset.done $0x0  }
0x2d: {  	s29 =	rddreg [dreg:$0x9];
	[sflag:s15] =	ssyncadd.s32 $0xFFFFFF80  }
0x2e: {  	[tilespmem:s21], [sflag:$0x1] =	stream.linear.gather [hbm4b:s29+s2], $0x80, $0x38;
	[tilespmem:$0x11400] =	vst v63  }
0x2f: {  	_ =	swait.ge [sflag:s15], $0x80  }
0x30: {  	[sflag:s15] =	ssyncset.done $0x0  }
0x31: {  	s30 =	rddreg [dreg:$0xa];
	[sflag:s15] =	ssyncadd.s32 $0xFFFFFF80  }
0x32: {  	[tilespmem:s22], [sflag:$0x1] =	stream.linear.gather [hbm4b:s30+s2], $0x80, $0x38;
	[tilespmem:$0x11400] =	vst v63  }
0x33: {  	_ =	swait.ge [sflag:s15], $0x80  }
0x34: {  	[sflag:s15] =	ssyncset.done $0x0  }
0x35: {  	s0 =	simm.s32 $0x0;
	[sflag:s15] =	ssyncadd.s32 $0xFFFFFF80  }
.LBB2_2:
0x36: {  	s1 =	sshll.u32 s0, $0x2  }
0x37: {  	v7 =	vmov s1;
	_ =	sdelay $0x2  }
0x38: {  	s18 =	sshllo.u32 s0, $0x2  }
0x39: {  	v4 =	vmov s18  }
0x3a: {  	v8 =	vld.idx.msk [tilespmem:v7+s19+$0x0], $0xffff  }
0x3b: {  	v9 =	vld.idx.msk [tilespmem:v7+s20+$0x0], $0xffff  }
0x3c: {  	s3 =	sor.u32 $0x1, s1;
	v10 =	vld.idx.msk [tilespmem:v7+s21+$0x0], $0xffff  }
0x3d: {  	v6 =	vmov s3;
	v11 =	vld.idx.msk [tilespmem:v7+s22+$0x0], $0xffff  }
0x3e: {  	v20 =	vld.idx.msk [tilespmem:v4+s19+$0x0], $0xffff  }
0x3f: {  	v21 =	vld.idx.msk [tilespmem:v4+s20+$0x0], $0xffff  }
0x40: {  	s1 =	sor.u32 $0x2, s1;
	v22 =	vld.idx.msk [tilespmem:v4+s21+$0x0], $0xffff  }
0x41: {  	v5 =	vmov s1;
	v23 =	vld.idx.msk [tilespmem:v4+s22+$0x0], $0xffff  }
0x42: {  	v12 =	vld.idx.msk [tilespmem:v6+s19+$0x0], $0xffff  }
0x43: {  	v13 =	vld.idx.msk [tilespmem:v6+s20+$0x0], $0xffff  }
0x44: {  	v14 =	vld.idx.msk [tilespmem:v6+s21+$0x0], $0xffff  }
0x45: {  	p0 =	por $0x1, $0x1;
	s30 =	simm.s32 $0x0;
	v15 =	vld.idx.msk [tilespmem:v6+s22+$0x0], $0xffff  }
0x46: {  	s16 =	simm.s32 $0x20;
	s17 =	simm.s32 $0x4020;
	s29 =	simm.s32 $0x0;
	v16 =	vld.idx.msk [tilespmem:v5+s19+$0x0], $0xffff  }
0x47: {  	p1 =	por $0x1, $0x1;
	p2 =	por $0x1, $0x1;
	p3 =	por $0x1, $0x1;
	v17 =	vld.idx.msk [tilespmem:v5+s20+$0x0], $0xffff  }
0x48: {  	s4 =	simm.s32 $0x0;
	s5 =	simm.s32 $0x0;
	s6 =	simm.s32 $0x0;
	v18 =	vld.idx.msk [tilespmem:v5+s21+$0x0], $0xffff  }
0x49: {  	s18 =	simm.s32 $0x8020;
	s1 =	simm.s32 $0xC020;
	s3 =	simm.s32 $0x0;
	v19 =	vld.idx.msk [tilespmem:v5+s22+$0x0], $0xffff  }
.LBB2_3:
0x4a: {  	v24 =	vld [tilespmem:s16+$0xFFFFFFE0]  }
0x4b: {  	v25 =	vld [tilespmem:s17+$0xFFFFFFE0]  }
0x4c: {  	v26 =	vld [tilespmem:s18+$0xFFFFFFE0]  }
0x4d: {  	v28 =	vld [tilespmem:s1+$0xFFFFFFE0];
	_ =	sdelay $0x2  }
0x4e: {  	v27 =	vmul.f32 v24, v8;
	v29 =	vmul.f32 v25, v9  }
0x4f: {  	v60 =	vmul.f32 v26, v10;
	v30 =	vmul.f32 v24, v12  }
0x50: {  	v31 =	vmul.f32 v25, v13;
	v61 =	vadd.f32 v28, v11;
	v62 =	vmul.f32 v26, v14  }
0x51: {  	v32 =	vmul.f32 v24, v16;
	v33 =	vmul.f32 v25, v17;
	v63 =	vadd.f32 v28, v15  }
0x52: {  	v24 =	vmul.f32 v24, v20;
	v40 =	vadd.f32 v28, v19;
	v27 =	vadd.f32 v29, v27  }
0x53: {  	v25 =	vmul.f32 v25, v21;
	v28 =	vadd.f32 v28, v23;
	v30 =	vadd.f32 v31, v30  }
0x54: {  	v36 =	vmul.f32 v26, v18;
	v32 =	vadd.f32 v33, v32;
	v27 =	vadd.f32 v60, v27  }
0x55: {  	v37 =	vmul.f32 v26, v22;
	v24 =	vadd.f32 v25, v24;
	v30 =	vadd.f32 v62, v30  }
0x56: {  	v39 =	vadd.f32 v36, v32;
	v27 =	vadd.f32 v27, v27  }
0x57: {  	v24 =	vadd.f32 v37, v24;
	v30 =	vadd.f32 v30, v30  }
0x58: {  	v41 =	vor.u32 s29, v0;
	v29 =	vadd.f32 v39, v39;
	v38 =	vsub.f32 v61, v27  }
0x59: {  	v24 =	vadd.f32 v24, v24;
	v30 =	vsub.f32 v63, v30;
	v27 =	vpsel !p3, $0xF149F2CA, v1  }
0x5a: {  	v25 =	vpsel !p2, $0xF149F2CA, v1;
	v29 =	vsub.f32 v40, v29;
	vm0 =	vle.f32 v38, v27  }
0x5b: {  	v26 =	vpsel !p1, $0xF149F2CA, v1;
	v28 =	vsub.f32 v28, v24;
	vm1 =	vle.f32 v30, v25;
	[tilespmem:s6+$0x10200] =	vst.msk vm0, v41  }
0x5c: {  	v24 =	vpsel !p0, $0xF149F2CA, v1;
	vm2 =	vle.f32 v29, v26;
	[tilespmem:s5+$0x10280] =	vst.msk vm1, v41  }
0x5d: {  	vm3 =	vle.f32 v28, v24;
	[tilespmem:s4+$0x10300] =	vst.msk vm2, v41  }
0x5e: {  	[tilespmem:s3+$0x10380] =	vst.msk vm3, v41  }
0x5f: {  	v44 =	vmpcnt.ones.xlane vm0;
	v42 =	vld [tilespmem:s16+$0xFFFFFFF0]  }
0x60: {  	v45 =	vmpcnt.ones.xlane vm1;
	v43 =	vld [tilespmem:s17+$0xFFFFFFF0]  }
0x61: {  	v46 =	vmpcnt.ones.xlane vm2;
	(v2sf) =	vpush v44, $0x0;
	v32 =	vld [tilespmem:s18+$0xFFFFFFF0]  }
0x62: {  	v47 =	vmpcnt.ones.xlane vm3;
	(v2sf) =	vpush v45, $0x0;
	v48 =	vld [tilespmem:s1+$0xFFFFFFF0]  }
0x63: {  	(v2sf) =	vpush v46, $0x0  }
0x64: {  	(v2sf) =	vpush v47, $0x0  }
0x65: {  	v49 =	vmul.f32 v42, v8;
	v34 =	vmul.f32 v43, v9  }
0x66: {  	v51 =	vmul.f32 v32, v10;
	v52 =	vmul.f32 v42, v12  }
0x67: {  	v35 =	vmul.f32 v43, v13;
	v53 =	vadd.f32 v48, v11;
	v54 =	vmul.f32 v32, v14  }
0x68: {  	v36 =	vmul.f32 v42, v16;
	v37 =	vmul.f32 v43, v17;
	v55 =	vadd.f32 v48, v15  }
0x69: {  	v28 =	vmul.f32 v42, v20;
	v60 =	vadd.f32 v48, v19;
	v50 =	vadd.f32 v34, v49  }
0x6a: {  	v29 =	vmul.f32 v43, v21;
	v30 =	vadd.f32 v48, v23;
	v34 =	vadd.f32 v35, v52  }
0x6b: {  	v56 =	vmul.f32 v32, v18;
	v36 =	vadd.f32 v37, v36;
	v31 =	vadd.f32 v51, v50  }
0x6c: {  	v57 =	vmul.f32 v32, v22;
	v28 =	vadd.f32 v29, v28;
	v34 =	vadd.f32 v54, v34  }
0x6d: {  	v58 =	vadd.f32 v56, v36;
	v31 =	vadd.f32 v31, v31  }
0x6e: {  	v28 =	vadd.f32 v57, v28;
	v34 =	vadd.f32 v34, v34  }
0x6f: {  	v32 =	vadd.f32 v58, v58;
	v31 =	vsub.f32 v53, v31  }
0x70: {  	s8 =	sadd.s32 $0x10, s29;
	v28 =	vadd.f32 v28, v28;
	v59 =	vsub.f32 v55, v34;
	s7 =	spop (v2sf)  }
0x71: {  	v61 =	vor.u32 s8, v0;
	v29 =	vsub.f32 v60, v32;
	s6 =	sadd.s32 s6, s7;
	s13 =	spop (v2sf);
	vm14 =	vle.f32 v31, v27  }
0x72: {  	v28 =	vsub.f32 v30, v28;
	s5 =	sadd.s32 s5, s13;
	s8 =	spop (v2sf);
	vm15 =	vle.f32 v59, v25;
	[tilespmem:s6+$0x10200] =	vst.msk vm14, v61  }
0x73: {  	vm6 =	vle.f32 v29, v26;
	s7 =	sadd.s32 s4, s8;
	s9 =	spop (v2sf);
	[tilespmem:s5+$0x10280] =	vst.msk vm15, v61  }
0x74: {  	vm7 =	vle.f32 v28, v24;
	s10 =	sadd.s32 s3, s9;
	[tilespmem:s7+$0x10300] =	vst.msk vm6, v61  }
0x75: {  	[tilespmem:s10+$0x10380] =	vst.msk vm7, v61  }
0x76: {  	v39 =	vmpcnt.ones.xlane vm14;
	v62 =	vld [tilespmem:s16+$0x0]  }
0x77: {  	v40 =	vmpcnt.ones.xlane vm15;
	v63 =	vld [tilespmem:s17+$0x0]  }
0x78: {  	v42 =	vmpcnt.ones.xlane vm6;
	(v2sf) =	vpush v39, $0x0;
	v41 =	vld [tilespmem:s18+$0x0]  }
0x79: {  	v43 =	vmpcnt.ones.xlane vm7;
	(v2sf) =	vpush v40, $0x0;
	v44 =	vld [tilespmem:s1+$0x0]  }
0x7a: {  	(v2sf) =	vpush v42, $0x0  }
0x7b: {  	(v2sf) =	vpush v43, $0x0  }
0x7c: {  	v45 =	vmul.f32 v62, v8;
	v46 =	vmul.f32 v63, v9  }
0x7d: {  	v48 =	vmul.f32 v41, v10;
	v49 =	vmul.f32 v62, v12  }
0x7e: {  	v50 =	vmul.f32 v63, v13;
	v51 =	vadd.f32 v44, v11;
	v52 =	vmul.f32 v41, v14  }
0x7f: {  	v53 =	vmul.f32 v62, v16;
	v54 =	vmul.f32 v63, v17;
	v55 =	vadd.f32 v44, v15  }
0x80: {  	v28 =	vmul.f32 v62, v20;
	v60 =	vadd.f32 v44, v19;
	v47 =	vadd.f32 v46, v45  }
0x81: {  	v29 =	vmul.f32 v63, v21;
	v30 =	vadd.f32 v44, v23;
	v34 =	vadd.f32 v50, v49  }
0x82: {  	v56 =	vmul.f32 v41, v18;
	v36 =	vadd.f32 v54, v53;
	v31 =	vadd.f32 v48, v47  }
0x83: {  	v57 =	vmul.f32 v41, v22;
	v28 =	vadd.f32 v29, v28;
	v34 =	vadd.f32 v52, v34  }
0x84: {  	v58 =	vadd.f32 v56, v36;
	v31 =	vadd.f32 v31, v31  }
0x85: {  	v28 =	vadd.f32 v57, v28;
	v34 =	vadd.f32 v34, v34  }
0x86: {  	v32 =	vadd.f32 v58, v58;
	v31 =	vsub.f32 v51, v31  }
0x87: {  	s12 =	sadd.s32 $0x20, s29;
	v28 =	vadd.f32 v28, v28;
	v59 =	vsub.f32 v55, v34;
	s11 =	spop (v2sf)  }
0x88: {  	v61 =	vor.u32 s12, v0;
	v29 =	vsub.f32 v60, v32;
	s3 =	sadd.s32 s6, s11;
	s13 =	spop (v2sf);
	vm8 =	vle.f32 v31, v27  }
0x89: {  	v28 =	vsub.f32 v30, v28;
	s4 =	sadd.s32 s5, s13;
	s6 =	spop (v2sf);
	vm9 =	vle.f32 v59, v25;
	[tilespmem:s3+$0x10200] =	vst.msk vm8, v61  }
0x8a: {  	vm10 =	vle.f32 v29, v26;
	s5 =	sadd.s32 s7, s6;
	s7 =	spop (v2sf);
	[tilespmem:s4+$0x10280] =	vst.msk vm9, v61  }
0x8b: {  	vm11 =	vle.f32 v28, v24;
	s6 =	sadd.s32 s10, s7;
	[tilespmem:s5+$0x10300] =	vst.msk vm10, v61  }
0x8c: {  	[tilespmem:s6+$0x10380] =	vst.msk vm11, v61  }
0x8d: {  	v62 =	vld [tilespmem:s16+$0x10]  }
0x8e: {  	v63 =	vld [tilespmem:s17+$0x10]  }
0x8f: {  	v40 =	vld [tilespmem:s18+$0x10]  }
0x90: {  	v31 =	vld [tilespmem:s1+$0x10]  }
0x91: {  	v43 =	vmpcnt.ones.xlane vm8  }
0x92: {  	v44 =	vmpcnt.ones.xlane vm9  }
0x93: {  	(v2sf) =	vpush v43, $0x0;
	v41 =	vmul.f32 v62, v8;
	v42 =	vmul.f32 v63, v9  }
0x94: {  	(v2sf) =	vpush v44, $0x0;
	v45 =	vmul.f32 v40, v10;
	v48 =	vmul.f32 v62, v12  }
0x95: {  	v47 =	vadd.f32 v31, v11;
	v49 =	vmul.f32 v63, v13;
	v50 =	vmul.f32 v62, v16  }
0x96: {  	v38 =	vmul.f32 v63, v17;
	v52 =	vmul.f32 v40, v14;
	v55 =	vadd.f32 v31, v15  }
0x97: {  	v28 =	vmul.f32 v62, v20;
	v57 =	vadd.f32 v31, v19;
	v32 =	vadd.f32 v42, v41  }
0x98: {  	v29 =	vmul.f32 v63, v21;
	v60 =	vadd.f32 v31, v23;
	v51 =	vadd.f32 v49, v48  }
0x99: {  	v54 =	vmul.f32 v40, v18;
	v53 =	vadd.f32 v38, v50;
	v32 =	vadd.f32 v45, v32  }
0x9a: {  	v56 =	vmul.f32 v40, v22;
	v28 =	vadd.f32 v29, v28;
	v34 =	vadd.f32 v52, v51  }
0x9b: {  	v33 =	vadd.f32 v54, v53;
	v32 =	vadd.f32 v32, v32  }
0x9c: {  	v28 =	vadd.f32 v56, v28;
	v34 =	vadd.f32 v34, v34  }
0x9d: {  	v46 =	vmpcnt.ones.xlane vm10;
	v33 =	vadd.f32 v33, v33;
	v32 =	vsub.f32 v47, v32  }
0x9e: {  	v59 =	vmpcnt.ones.xlane vm11;
	v61 =	vadd.f32 v28, v28;
	v58 =	vsub.f32 v55, v34  }
0x9f: {  	(v2sf) =	vpush v46, $0x0;
	v30 =	vsub.f32 v57, v33;
	vm12 =	vle.f32 v32, v27  }
0xa0: {  	vm13 =	vle.f32 v58, v25;
	v25 =	vsub.f32 v60, v61;
	v32 =	vmpcnt.ones.xlane vm12  }
0xa1: {  	(v2sf) =	vpush v59, $0x0;
	vm14 =	vle.f32 v30, v26;
	v62 =	vmpcnt.ones.xlane vm13  }
0xa2: {  	v26 =	vmpcnt.ones.xlane vm14;
	vm15 =	vle.f32 v25, v24;
	(v2sf) =	vpush v32, $0x0  }
0xa3: {  	v24 =	vmpcnt.ones.xlane vm15;
	(v2sf) =	vpush v62, $0x0  }
0xa4: {  	(v2sf) =	vpush v26, $0x0  }
0xa5: {  	(v2sf) =	vpush v24, $0x0;
	_ =	sdelay $0x7  }
0xa6: {  	s8 =	spop (v2sf)  }
0xa7: {  	s13 =	spop (v2sf)  }
0xa8: {  	s9 =	spop (v2sf)  }
0xa9: {  	s7 =	sadd.s32 s3, s8;
	s10 =	spop (v2sf)  }
0xaa: {  	s8 =	sadd.s32 s4, s13;
	s9 =	sadd.s32 s5, s9;
	s11 =	spop (v2sf)  }
0xab: {  	s10 =	sadd.s32 s6, s10;
	s12 =	spop (v2sf);
	s6 =	sadd.s32 s7, s11  }
0xac: {  	s4 =	spop (v2sf);
	s5 =	sadd.s32 s8, s12;
	p3 =	slt.s32 s6, $0x20  }
0xad: {  	s4 =	sadd.s32 s9, s4;
	s12 =	spop (v2sf);
	p2 =	slt.s32 s5, $0x20  }
0xae: {  	s3 =	sadd.s32 s10, s12;
	p6 =	por p3, p2;
	p1 =	slt.s32 s4, $0x20  }
0xaf: {  	p4 =	por p6, p1;
	p0 =	slt.s32 s3, $0x20  }
0xb0: {  	p5 =	sgt.u32 s30, $0xFE;
	p4 =	por p4, p0  }
0xb1: {  	s13 =	sadd.s32 $0x30, s29;
	p4 =	por p5, !p4  }
.Ltmp0:
0xb2: {  	v63 =	vor.u32 s13, v0;
	(pc) =	sbr.rel @!p4 .LBB2_3-.Ltmp0, $4  }
0xb3: {  	[tilespmem:s7+$0x10200] =	vst.msk vm12, v63  }
0xb4: {  	[tilespmem:s8+$0x10280] =	vst.msk vm13, v63  }
0xb5: {  	s30 =	sadd.s32 $0x1, s30;
	s1 =	sadd.s32 $0x40, s1;
	s16 =	sadd.s32 $0x40, s16;
	[tilespmem:s9+$0x10300] =	vst.msk vm14, v63  }
0xb6: {  	s17 =	sadd.s32 $0x40, s17;
	s18 =	sadd.s32 $0x40, s18;
	s29 =	sadd.s32 $0x40, s29;
	[tilespmem:s10+$0x10380] =	vst.msk vm15, v63  }
0xb7: {  	v8 =	vld.msk [tilespmem:s23+$0x0], $0xffff  }
0xb8: {  	v9 =	vld [tilespmem:$0x10200]  }
0xb9: {  	v10 =	vld [tilespmem:$0x10210];
	v11 =	vor.u32 v2, v7;
	v12 =	vor.u32 $0x800, v2  }
0xba: {  	v56 =	vor.u32 v12, v7  }
0xbb: {  	v13 =	vmov s6  }
0xbc: {  	vm0 =	vgt.s32 v13, v0  }
0xbd: {  	vm9 =	vgt.s32 v13, v3;
	v9 =	vsel vm0, v9, v8  }
0xbe: {  	v8 =	vsel vm9, v10, v8;
	[tilespmem:v11+s24+$0x0] =	vst.idx.msk $0xffff, v9  }
0xbf: {  	[tilespmem:v56+s24+$0x0] =	vst.idx.msk $0xffff, v8  }
0xc0: {  	v7 =	vld.msk [tilespmem:s25+$0x0], $0xffff  }
0xc1: {  	v8 =	vld [tilespmem:$0x10280]  }
0xc2: {  	v57 =	vor.u32 v2, v6;
	v9 =	vld [tilespmem:$0x10290]  }
0xc3: {  	v58 =	vor.u32 v12, v6  }
0xc4: {  	v59 =	vmov s5  }
0xc5: {  	vm10 =	vgt.s32 v59, v0  }
0xc6: {  	vm11 =	vgt.s32 v59, v3;
	v8 =	vsel vm10, v8, v7  }
0xc7: {  	v7 =	vsel vm11, v9, v7;
	[tilespmem:v57+s24+$0x0] =	vst.idx.msk $0xffff, v8  }
0xc8: {  	[tilespmem:v58+s24+$0x0] =	vst.idx.msk $0xffff, v7  }
0xc9: {  	v6 =	vld.msk [tilespmem:s26+$0x0], $0xffff  }
0xca: {  	v7 =	vld [tilespmem:$0x10300]  }
0xcb: {  	v60 =	vor.u32 v2, v5;
	v8 =	vld [tilespmem:$0x10310]  }
0xcc: {  	v5 =	vor.u32 v12, v5  }
0xcd: {  	v61 =	vmov s4  }
0xce: {  	vm12 =	vgt.s32 v61, v0  }
0xcf: {  	vm13 =	vgt.s32 v61, v3;
	v7 =	vsel vm12, v7, v6  }
0xd0: {  	v6 =	vsel vm13, v8, v6;
	[tilespmem:v60+s24+$0x0] =	vst.idx.msk $0xffff, v7  }
0xd1: {  	[tilespmem:v5+s24+$0x0] =	vst.idx.msk $0xffff, v6  }
0xd2: {  	v5 =	vld.msk [tilespmem:s28+$0x0], $0xffff  }
0xd3: {  	v6 =	vld [tilespmem:$0x10380]  }
0xd4: {  	v62 =	vor.u32 v2, v4;
	s0 =	sadd.s32 $0x1, s0;
	v7 =	vld [tilespmem:$0x10390]  }
0xd5: {  	v4 =	vor.u32 v12, v4;
	p0 =	sne.s32 s0, $0x20  }
.Ltmp1:
0xd6: {  	v63 =	vmov s3;
	(pc) =	sbr.rel @p0 .LBB2_2-.Ltmp1, $4  }
0xd7: {  	vm14 =	vgt.s32 v63, v0  }
0xd8: {  	vm15 =	vgt.s32 v63, v3;
	v6 =	vsel vm14, v6, v5  }
0xd9: {  	v5 =	vsel vm15, v7, v5;
	[tilespmem:v62+s24+$0x0] =	vst.idx.msk $0xffff, v6  }
0xda: {  	[tilespmem:v4+s24+$0x0] =	vst.idx.msk $0xffff, v5  }
0xdb: {  	s0 =	rddreg [dreg:$0xb];
	s1 =	simm.s32 $0x400;
	s3 =	simm.s32 $0x2000  }
0xdc: {  	[hbm4b:s0+s1] =	stream.strided.scatter [tilespmem:s24], [sflag:$0x1], $0x1000, s3, s1, $0x38;
	[tilespmem:$0x11400] =	vst v63  }
0xdd: {  	_ =	swait.ge [sflag:s15], $0x1000  }
0xde: {  	s31 =	sadd.s32 $0x1, s31;
	s30 =	rddreg [dreg:$0xc]  }
0xdf: {  	p0 =	sne.s32 s31, s30  }
.Ltmp2:
0xe0: {  	_ = 	snop;
	(pc) =	sbr.rel @p0 .LBB2_1-.Ltmp2, $3  }
0xe1: {  	_ =	sdelay $0x1  }
0xe2: {  	[sflag:s15] =	ssyncset.done $0x0  }
0xe3: {  	[sflag:s15] =	ssyncadd.s32 $0xFFFFF000  }
0xe4: {  	_ =	sfence.sel $0x180000  }
0xe5: {  	[bflag:$0x0] =	sbarrier.arrive $0xFFFF  }
0xe6: {  	_ =	strace $0x90000047  }
0xe7: {  	s0 =	stileid.u32;
	[bflag:$0x2] =	sbarrier.arrive $0xFFFF  }
0xe8: {  	p0 =	sne.s32 s0, $0x0;
	s0 =	rddreg [dreg:$0x2]  }
0xe9: {  	s0 =	sadd.s32 @!p0 $0x100000, s0  }
0xea: {  	[sflag:s0] =	ssyncadd.tile.s32 @!p0 $0x1;
	_ =	shalt  }
.Lfunc_end2:
_tile_overlayer_lowered:
.L_overlay_start_2:
0xeb: {  	(tag) =	ssettag $0x2  }
0xec: {  	s0 =	rddreg [dreg:$0x0];
	s2 =	stileid.u32  }
0xed: {  	s1 =	rddreg [dreg:$0x1];
	p0 =	sne.s32 s2, $0x0  }
0xee: {  	s3 =	rddreg [dreg:$0x2];
	[bflag:$0x3] =	sbarrier.arrive $0xFFFF;
	s2 =	simm.s32 @!p0 $0x1C01  }
0xef: {  	[timem:s3], [sflag:s2] =	dma.local @!p0 [hbm:s0], s1  }
0xf0: {  	s0 =	simm.s32 @!p0 $0x1  }
0xf1: {  	_ =	swait.ge @!p0 [sflag:s0], s1  }
0xf2: {  	s1 =	ssub.s32 @!p0 $0x0, s1;
	[sflag:s0] =	ssyncset.done @!p0 $0x0  }
0xf3: {  	[sflag:s0] =	ssyncadd.s32 @!p0 s1  }
0xf4: {  	[bflag:$0x3] =	sbarrier.arrive $0xFFFF  }
0xf5: {  	_ =	shalt  }

// kernel: kernel.7.cloned.1.call-start
scs
__scs_entry_jumppad:
0x0: {  	(pc) =	sbr.rel $0x88, $3  }
0x1: {  	(tag) =	ssettag $0x0;
	lr =	simm.s32 $0x1  }
0x2: {  	[smem:$0x3F9E] =	sst lr;
	_ =	strace $0xD0000000  }
0x3: {  	_ = 	snop  }
0x4: {  	_ = 	snop  }
0x5: {  	_ = 	snop  }
0x6: {  	_ = 	snop  }
0x7: {  	_ = 	snop  }
__scs_overlays_trampoline_lowered:
0x8: {  	[smem:$0x3FAD] =	sst s0  }
0x9: {  	[smem:$0x3FAE] =	sst s1  }
0xa: {  	[smem:$0x3FAF] =	sst s2  }
0xb: {  	[smem:$0x3FB0] =	sst s3  }
0xc: {  	[smem:$0x3FB1] =	sst s4  }
0xd: {  	[smem:$0x3FB2] =	sst s5  }
0xe: {  	[smem:$0x3FB3] =	sst s6  }
0xf: {  	[smem:$0x3FB4] =	sst s7  }
0x10: {  	[smem:$0x3FB5] =	sst s8  }
0x11: {  	[smem:$0x3FB6] =	sst s9;
	s0 =	simm.s32 @!p0 $0x0  }
0x12: {  	s1 =	sld [smem:$0x3F9C];
	s0 =	simm.s32 @p0 $0x1  }
0x13: {  	[smem:$0x3FB7] =	sst s0;
	s0 =	simm.s32 @!p1 $0x0  }
0x14: {  	s2 =	sld [smem:$0x3F9B];
	s0 =	simm.s32 @p1 $0x1  }
0x15: {  	[smem:$0x3FB8] =	sst s0;
	s0 =	simm.s32 @!p2 $0x0  }
0x16: {  	s3 =	sld [smem:$0x3FDB];
	s0 =	simm.s32 @p2 $0x1  }
0x17: {  	s4 =	simm.s32 $0x1BF5;
	[smem:$0x3FBA] =	sst s0  }
0x18: {  	s0 =	sld [smem:$0x3F9D];
	_ =	swait.ge [sflag:s4], $0x0  }
0x19: {  	s7 =	sld [smem:$0x3F9E]  }
0x1a: {  	s8 =	sadd.s32 $0xFFFFE003, lr  }
0x1b: {  	s9 =	sadd.s32 $0xFFFFFEF7, lr;
	s5 =	simm.s32 $0xFFFFFFFF;
	p2 =	slt.u32 s8, $0xFFFFF086  }
0x1c: {  	p1 =	slt.u32 s9, $0xF7A;
	s5 =	simm.s32 @!p2 $0x0  }
0x1d: {  	s5 =	simm.s32 @p1 $0x1;
	p0 =	seq.s32 s7, s2  }
0x1e: {  	s7 =	smul.u32 @!p0 $0xF7A, s2;
	p2 =	seq.s32 @!p0 s5, $0x0  }
0x1f: {  	s9 =	smul.u32 $0xF7A, s1;
	s8 =	simm.s32 @!p0 $0x1BF5;
	p2 =	por !p2, p0  }
0x20: {  	[sflag:s8] =	ssyncset.s32 @!p0 $0xFFFFF086;
	s6 =	sadd.s32 @!p0 s3, s7;
	s7 =	simm.s32 @!p0 $0x108  }
0x21: {  	s3 =	sadd.s32 s3, s9;
	s6 =	sadd.s32 @!p0 $0x88, s6;
	s7 =	simm.s32 @p2 $0x1082  }
0x22: {  	[simem:s7], [sflag:s8] =	dma.local @!p0 [hbm:s6], $0xF7A  }
0x23: {  	s9 =	sor.u32 $0xD0000000, s2;
	s6 =	simm.s32 $0x108;
	_ =	swait.ge @!p0 [sflag:s8], $0x0  }
0x24: {  	s3 =	sadd.s32 $0x88, s3;
	s6 =	simm.s32 @!p1 $0x1082;
	[sflag:s4] =	ssyncset.s32 $0xFFFFF086  }
0x25: {  	[simem:s6], [sflag:s4] =	dma.local [hbm:s3], $0xF7A  }
0x26: {  	[smem:$0x3F9E] =	sst s1;
	(tag) =	ssettag s2;
	_ =	strace s9  }
0x27: {  	s1 =	sld [smem:$0x3FAE]  }
0x28: {  	s2 =	sld [smem:$0x3FAF]  }
0x29: {  	s4 =	sld [smem:$0x3FB1]  }
0x2a: {  	p0 =	seq.s32 s5, $0x0;
	s5 =	sld [smem:$0x3FB2]  }
0x2b: {  	s6 =	sld [smem:$0x3FB3]  }
0x2c: {  	s7 =	sld [smem:$0x3FB4]  }
0x2d: {  	s3 =	simm.s32 $0x108;
	s8 =	sld [smem:$0x3FB5]  }
0x2e: {  	s3 =	simm.s32 @!p0 $0x1082;
	s9 =	sld [smem:$0x3FB6]  }
0x2f: {  	lr =	sadd.s32 s0, s3;
	s0 =	sld [smem:$0x3FAD]  }
0x30: {  	s3 =	sld [smem:$0x3FB0]  }
0x31: {  	[smem:$0x3FB9] =	sst s10  }
0x32: {  	s10 =	sld [smem:$0x3FB7];
	_ =	sdelay $0x3  }
0x33: {  	p0 =	seq.s32 s10, $0x1;
	s10 =	sld [smem:$0x3FB9];
	_ =	sdelay $0x3  }
0x34: {  	[smem:$0x3FB9] =	sst s10  }
0x35: {  	s10 =	sld [smem:$0x3FB8];
	_ =	sdelay $0x3  }
0x36: {  	p1 =	seq.s32 s10, $0x1;
	s10 =	sld [smem:$0x3FB9];
	_ =	sdelay $0x3  }
0x37: {  	[smem:$0x3FB9] =	sst s10  }
0x38: {  	s10 =	sld [smem:$0x3FBA]  }
0x39: {  	_ = 	snop;
	(pc) =	sbr.ind lr, $3  }
0x3a: {  	_ = 	snop  }
0x3b: {  	_ = 	snop  }
0x3c: {  	p2 =	seq.s32 s10, $0x1;
	s10 =	sld [smem:$0x3FB9]  }
0x3d: {  	_ =	shalt  }
0x3e: {  	_ =	shalt  }
0x3f: {  	_ =	shalt  }
0x40: {  	_ =	shalt  }
0x41: {  	_ =	shalt  }
0x42: {  	_ =	shalt  }
0x43: {  	_ =	shalt  }
0x44: {  	_ =	shalt  }
0x45: {  	_ =	shalt  }
0x46: {  	_ =	shalt  }
0x47: {  	_ =	shalt  }
0x48: {  	_ =	shalt  }
0x49: {  	_ =	shalt  }
0x4a: {  	_ =	shalt  }
0x4b: {  	_ =	shalt  }
0x4c: {  	_ =	shalt  }
0x4d: {  	_ =	shalt  }
0x4e: {  	_ =	shalt  }
0x4f: {  	_ =	shalt  }
0x50: {  	_ =	shalt  }
0x51: {  	_ =	shalt  }
0x52: {  	_ =	shalt  }
0x53: {  	_ =	shalt  }
0x54: {  	_ =	shalt  }
0x55: {  	_ =	shalt  }
0x56: {  	_ =	shalt  }
0x57: {  	_ =	shalt  }
0x58: {  	_ =	shalt  }
0x59: {  	_ =	shalt  }
0x5a: {  	_ =	shalt  }
0x5b: {  	_ =	shalt  }
0x5c: {  	_ =	shalt  }
0x5d: {  	_ =	shalt  }
0x5e: {  	_ =	shalt  }
0x5f: {  	_ =	shalt  }
0x60: {  	_ =	shalt  }
0x61: {  	_ =	shalt  }
0x62: {  	_ =	shalt  }
0x63: {  	_ =	shalt  }
0x64: {  	_ =	shalt  }
0x65: {  	_ =	shalt  }
0x66: {  	_ =	shalt  }
0x67: {  	_ =	shalt  }
0x68: {  	_ =	shalt  }
0x69: {  	_ =	shalt  }
0x6a: {  	_ =	shalt  }
0x6b: {  	_ =	shalt  }
0x6c: {  	_ =	shalt  }
0x6d: {  	_ =	shalt  }
0x6e: {  	_ =	shalt  }
0x6f: {  	_ =	shalt  }
0x70: {  	_ =	shalt  }
0x71: {  	_ =	shalt  }
0x72: {  	_ =	shalt  }
0x73: {  	_ =	shalt  }
0x74: {  	_ =	shalt  }
0x75: {  	_ =	shalt  }
0x76: {  	_ =	shalt  }
0x77: {  	_ =	shalt  }
0x78: {  	_ =	shalt  }
0x79: {  	_ =	shalt  }
0x7a: {  	_ =	shalt  }
0x7b: {  	_ =	shalt  }
0x7c: {  	_ =	shalt  }
0x7d: {  	_ =	shalt  }
0x7e: {  	_ =	shalt  }
0x7f: {  	_ =	shalt  }
0x80: {  	_ =	shalt  }
0x81: {  	_ =	shalt  }
0x82: {  	_ =	shalt  }
0x83: {  	_ =	shalt  }
0x84: {  	_ =	shalt  }
0x85: {  	_ =	shalt  }
0x86: {  	_ =	shalt  }
0x87: {  	_ =	shalt  }
.Lfunc_end0:
.L_simem_size_0:
called_computation.1_lowered:
.L_overlay_start_0:
0x88: {  	s2 =	sld [smem:$0x3FD9]  }
0x89: {  	s3 =	sld [smem:$0x3FFE];
	_ =	sdelay $0x1  }
0x8a: {  	s1 =	srdreg.scid  }
0x8b: {  	s0 =	sand.u32 $0x1, s1  }
0x8c: {  	s17 =	sshll.u32 s0, $0xA;
	s2 =	sadd.s32 s3, s2  }
0x8d: {  	s2 =	sadd.s32 s2, s17  }
0x8e: {  	[smem:$0x3FC5] =	sst s2  }
0x8f: {  	_ = 	snop  }
0x90: {  	s2 =	sld [smem:$0x3FC7]  }
0x91: {  	s18 =	sld [smem:$0x3FD0];
	(tm) =	ssettm $0x1  }
0x92: {  	s4 =	sld [smem:$0x3FFB];
	_ =	sdelay $0x3  }
0x93: {  	_ =	strace s4  }
0x94: {  	s4 =	sld [smem:$0x3FFC];
	_ =	sdelay $0x3  }
0x95: {  	_ =	strace s4  }
0x96: {  	s4 =	sld [smem:$0x3FFD];
	_ =	sdelay $0x3  }
0x97: {  	_ =	strace s4  }
0x98: {  	_ =	strace $0x8FFFFFFF  }
0x99: {  	s19 =	sld [smem:$0x3FDB];
	_ =	sdelay $0x1  }
0x9a: {  	s5 =	simm.s32 $_scs_section_size  }
0x9b: {  	s6 =	simm.s32 $_size__tile_overlayer_lowered;
	s7 =	simm.s32 $_tile_overlayer_lowered  }
0x9c: {  	s22 =	simm.s32 $0x1BFF;
	s21 =	sshll.u32 s7, $0x1;
	s4 =	sadd.s32 s5, s19  }
0x9d: {  	s8 =	simm.s32 $0x0;
	s20 =	sshll.u32 s6, $0x1;
	s6 =	sadd.s32 s21, s4  }
0x9e: {  	[timem:s8], [sflag:s22] =	dma.local [hbm:s6], s20  }
0x9f: {  	_ =	swait.ge [sflag:s22], s20  }
0xa0: {  	s5 =	ssub.s32 $0x0, s20;
	[sflag:s22] =	ssyncset.done $0x0  }
0xa1: {  	[sflag:s22] =	ssyncadd.s32 s5;
	_ =	sdelay $0x1  }
0xa2: {  	s23 =	simm.s32 $0x1B8B  }
0xa3: {  	_ =	swait.ge [sflag:s23], $0x1  }
0xa4: {  	[sflag:s23] =	ssyncset.done $0x0  }
0xa5: {  	s25 =	simm.s32 $0x1B8E;
	s24 =	sld [smem:$0x3FFE];
	[sflag:s23] =	ssyncadd.s32 $0xFFFFFFFF  }
0xa6: {  	s26 =	simm.s32 $execute0_lowered;
	[smem:$0x3FD2] =	sst s25  }
0xa7: {  	s6 =	sshll.u32 s26, $0x1;
	_ =	strace $0x80000049;
	[dreg:$0x1] =	wrdreg $0xFFFFFFFF  }
0xa8: {  	s28 =	simm.s32 $_size_execute0_lowered;
	s4 =	sadd.s32 s4, s6;
	[dreg:$0x0] =	wrdreg $0x0  }
0xa9: {  	s6 =	sshll.u32 s28, $0x1;
	[dreg:$0x2] =	wrdreg s4  }
0xaa: {  	[dreg:$0x3] =	wrdreg s6  }
0xab: {  	[dreg:$0x4] =	wrdreg $0xC0  }
0xac: {  	_ =	task [dreg:s8], $0x5FFFF  }
0xad: {  	[dreg:$0x1] =	wrdreg $0xFFFFFFFF  }
0xae: {  	[dreg:$0x0] =	wrdreg $0x60  }
0xaf: {  	[dreg:$0x2] =	wrdreg s24  }
0xb0: {  	[dreg:$0x3] =	wrdreg s2  }
0xb1: {  	[dreg:$0x4] =	wrdreg s18  }
0xb2: {  	[dreg:$0x5] =	wrdreg $0x9  }
0xb3: {  	_ =	task.clear_ibuf [dreg:s8], $0x6FFFF;
	_ =	strace $0x90000049  }
0xb4: {  	s29 =	simm.s32 $0x9;
	_ =	strace $0x8000004B  }
0xb5: {  	_ =	swait.ge [sflag:s29], $0x1  }
0xb6: {  	[sflag:s29] =	ssyncadd.s32 $0xFFFFFFFF  }
0xb7: {  	_ =	strace $0x9000004B  }
0xb8: {  	_ =	sfence  }
0xb9: {  	s30 =	sld [smem:$0x0];
	_ =	sdelay $0x2  }
0xba: {  	s31 =	sshll.u32 s1, $0xD;
	s1 =	sshrl.u32 s1, $0x2  }
0xbb: {  	s3 =	sand.u32 $0x4000, s31;
	s1 =	sadd.s32 s1, s30  }
0xbc: {  	s0 =	sor.u32 s3, s0;
	s1 =	sshll.u32 s1, $0x11  }
0xbd: {  	s0 =	sor.u32 s1, s0  }
0xbe: {  	s0 =	sadd.s32 $0x8F2B, s0  }
0xbf: {  	[sflag:s0] =	ssyncadd.remote.s32 $0x1  }
0xc0: {  	_ =	sfence.sel $0xFFFF  }
0xc1: {  	[dreg:$0x0] =	wrdreg $0xFFFFFFFF;
	(pc) =	sbr.abs _section_cstart, $3  }
0xc2: {  	[dreg:$0x1] =	wrdreg $0xFFFFFFFF  }
0xc3: {  	_ =	task.clear_ibuf [dreg:s8], $0x2FFFF;
	_ =	strace $0x9FFFFFFF  }
0xc4: {  	(tm) =	ssettm $0x7FFFFFFF  }
0xc5: {  	_ =	shalt  }
tec
execute0_lowered:
.L_overlay_start_1:
0x0: {  	(tag) =	ssettag $0x1  }
0x1: {  	s0 =	rddreg [dreg:$0x0]  }
0x2: {  	s1 =	rddreg [dreg:$0x1]  }
0x3: {  	s3 =	rddreg [dreg:$0x2]  }
0x4: {  	s6 =	stileid.u32;
	s2 =	simm.s32 $0x0;
	s4 =	srdreg.scid  }
0x5: {  	s28 =	simm.s32 $0x80;
	s30 =	simm.s32 $0x400;
	s29 =	simm.s32 $0x8000  }
0x6: {  	s5 =	sshll.u32 s6, $0x1;
	[smem:$0x7FF] =	sst s2;
	s4 =	sand.u32 $0x1, s4  }
0x7: {  	s6 =	sshrl.u32 s6, $0x2;
	s5 =	sand.u32 $0x6, s5;
	_ =	strace $0x8000004A  }
0x8: {  	s19 =	sshll.u32 s6, $0xC;
	s8 =	sshll.u32 s6, $0x10;
	s10 =	smul.u32 $0x230000, s6  }
0x9: {  	s6 =	sshll.u32 s6, $0x14;
	s21 =	sor.u32 s4, s5;
	s9 =	sadd.s32 s19, s0  }
0xa: {  	s4 =	ssub.s32 $0x2, s4;
	s7 =	sshll.u32 s21, $0x7;
	s20 =	sshll.u32 s21, $0xF  }
0xb: {  	s23 =	sshrl.u32 s4, $0x1;
	s31 =	sadd.s32 $0x6E00, s9;
	p0 =	sgt.u32 s21, $0x2  }
0xc: {  	s8 =	sor.u32 s8, s7;
	s5 =	sor.u32 s19, s7;
	s6 =	sor.u32 s6, s7  }
0xd: {  	s23 =	ssub.s32 s4, s23;
	s7 =	simm.s32 $0xC400;
	s8 =	sshrl.u32 s8, $0x3  }
0xe: {  	s5 =	sshrl.u32 s5, $0x3;
	s6 =	sshrl.u32 s6, $0x3;
	s22 =	sadd.s32 s8, s0  }
0xf: {  	s0 =	sadd.s32 s5, s0;
	s5 =	sadd.s32 s10, s20;
	s25 =	sadd.s32 $0xB600, s22  }
0x10: {  	s5 =	sshrl.u32 s5, $0x3;
	s0 =	sadd.s32 $0xAE00, s0;
	[dreg:$0x5] =	wrdreg s25  }
0x11: {  	s3 =	sadd.s32 s3, s5;
	s5 =	sadd.s32 s1, s6;
	[dreg:$0x6] =	wrdreg s0  }
0x12: {  	s25 =	simm.s32 $0x1;
	s0 =	simm.s32 $0xC000;
	s1 =	simm.s32 $0x0  }
0x13: {  	s24 =	sadd.s32 $0x6000, s3;
	s8 =	sadd.s32 $0x4000, s5;
	s9 =	sadd.s32 $0xE000, s3  }
0x14: {  	s10 =	sadd.s32 $0x8000, s5;
	s11 =	sadd.s32 $0x16000, s3;
	s12 =	sadd.s32 $0xC000, s5  }
.Ltmp0:
0x15: {  	s13 =	sadd.s32 $0x1E000, s3;
	s14 =	sadd.s32 $0x10000, s5;
	(pc) =	sbr.rel .LBB2_1-.Ltmp0, $4  }
0x16: {  	v0 =	vlaneseq.u32;
	s15 =	sadd.s32 $0x26000, s3;
	s16 =	sadd.s32 $0x14000, s5;
	s17 =	sadd.s32 $0x2E000, s3  }
0x17: {  	v1 =	vor.u32 $0x10, v0;
	s18 =	sadd.s32 $0x18000, s5;
	s19 =	sadd.s32 $0x36000, s3;
	[dreg:$0x4] =	wrdreg s3  }
0x18: {  	v2 =	vor.u32 $0x20, v0;
	v3 =	vor.u32 $0x30, v0;
	v4 =	vor.u32 $0x40, v0;
	s20 =	sadd.s32 $0x1C000, s5;
	s26 =	sadd.s32 $0x3000, s3;
	[dreg:$0x8] =	wrdreg s24  }
0x19: {  	v5 =	vor.u32 $0x50, v0;
	v6 =	vor.u32 $0x60, v0;
	v7 =	vor.u32 $0x70, v0;
	s24 =	sadd.s32 $0x3E000, s3;
	[dreg:$0x7] =	wrdreg s26;
	s26 =	smax.u32 s23, $0x1  }
.LBB2_20:
0x1a: {  	_ =	sdelay $0x3  }
0x1b: {  	v19 =	vld.idx.msk [tilespmem:v19+s0+$0x0], $0xffff  }
0x1c: {  	v17 =	vld.idx.msk [tilespmem:v17+s0+$0x0], $0xffff  }
0x1d: {  	v16 =	vld.idx.msk [tilespmem:v16+s0+$0x0], $0xffff  }
0x1e: {  	v18 =	vsub.f32 v18, v21;
	v15 =	vld.idx.msk [tilespmem:v15+s0+$0x0], $0xffff  }
0x1f: {  	v12 =	vld.idx.msk [tilespmem:v12+s0+$0x0], $0xffff;
	v14 =	vsub.f32 v14, v20  }
0x20: {  	[tilespmem:s22+$0xC400] =	vst v18;
	v13 =	vsub.f32 v13, v19  }
0x21: {  	[tilespmem:s31+$0xC410] =	vst v14;
	v9 =	vsub.f32 v9, v17  }
0x22: {  	v8 =	vsub.f32 v8, v16;
	[tilespmem:s31+$0xC420] =	vst v13  }
0x23: {  	s4 =	simm.s32 $0x0;
	v10 =	vsub.f32 v10, v15;
	[tilespmem:s31+$0xC430] =	vst v9  }
0x24: {  	s6 =	simm.s32 $0xC400;
	s7 =	simm.s32 $0xC400;
	s8 =	smov.u32 s11;
	v63 =	vsub.f32 v11, v12;
	[tilespmem:s31+$0xC440] =	vst v8  }
0x25: {  	s10 =	smov.u32 s13;
	s11 =	smov.u32 s14;
	s13 =	smov.u32 s16;
	[tilespmem:s31+$0xC450] =	vst v10  }
0x26: {  	s14 =	smov.u32 s17;
	s16 =	smov.u32 s19;
	s17 =	smov.u32 s20;
	[tilespmem:s31+$0xC460] =	vst v63  }
0x27: {  	s19 =	smov.u32 s5;
	s5 =	smov.u32 s2;
	s3 =	rddreg [dreg:$0x4]  }
0x28: {  	[hbm4b:s3+s4] =	stream.linear.scatter [tilespmem:s6], [sflag:$0x1], $0x8000, $0x38;
	[tilespmem:$0x14400] =	vst v63  }
0x29: {  	s2 =	simm.s32 $0x0;
	s20 =	smov.u32 s28;
	_ =	swait.ge [sflag:s25], $0x8000  }
0x2a: {  	s28 =	simm.s32 $0x80;
	s31 =	smov.u32 s9;
	[sflag:s25] =	ssyncset.done $0x0  }
0x2b: {  	s9 =	smov.u32 s12;
	s23 =	rddreg [dreg:$0x7];
	[sflag:s25] =	ssyncadd.s32 $0xFFFF8000  }
0x2c: {  	[hbm4b:s23+s4] =	stream.linear.scatter [tilespmem:s6], [sflag:$0x1], $0x8000, $0x38;
	[tilespmem:$0x14400] =	vst v63  }
0x2d: {  	s12 =	smov.u32 s15;
	s15 =	smov.u32 s18;
	_ =	swait.ge [sflag:s25], $0x8000  }
0x2e: {  	s18 =	smov.u32 s24;
	s24 =	smov.u32 s26;
	[sflag:s25] =	ssyncset.done $0x0  }
0x2f: {  	s26 =	smov.u32 s30;
	s30 =	simm.s32 $0x400;
	[sflag:s25] =	ssyncadd.s32 $0xFFFF8000  }
.LBB2_21:
0x30: {  	s1 =	sadd.s32 $0x1, s1  }
0x31: {  	p1 =	sne.s32 s1, s26  }
.Ltmp1:
0x32: {  	_ = 	snop;
	(pc) =	sbr.rel @!p1 .LBB2_22-.Ltmp1, $1  }
0x33: {  	_ =	sdelay $0x3  }
.LBB2_1:
0x34: {  	[tilespmem:s2], [sflag:$0x1] =	stream.linear.gather [hbm4b:s31+s2], $0x8000, $0x38;
	[tilespmem:$0x14400] =	vst v63  }
0x35: {  	_ =	swait.ge [sflag:s25], $0x8000  }
0x36: {  	s6 =	smov.u32 s31;
	[sflag:s25] =	ssyncset.done $0x0  }
0x37: {  	s3 =	simm.s32 $0x0;
	s21 =	sand.u32 $0x1C00, s2;
	[sflag:s25] =	ssyncadd.s32 $0xFFFF8000  }
0x38: {  	[tilespmem:s29], [sflag:$0x1] =	stream.strided.gather [hbm4b:s5+s28], $0x4000, s30, s28, $0x38;
	[tilespmem:$0x14400] =	vst v63  }
0x39: {  	s22 =	simm.s32 $0x0;
	s3 =	sand.u32 $0x6000, s3;
	_ =	swait.ge [sflag:s25], $0x4000  }
0x3a: {  	s31 =	sand.u32 $0x380, s22;
	s3 =	sor.u32 s21, s3;
	[sflag:s25] =	ssyncset.done $0x0  }
0x3b: {  	s3 =	sor.u32 s31, s3;
	[sflag:s25] =	ssyncadd.s32 $0xFFFFC000  }
0x3c: {  	v11 =	vld [tilespmem:s3+$0x70]  }
0x3d: {  	v13 =	vld [tilespmem:s3+$0x0]  }
0x3e: {  	v16 =	vld [tilespmem:s3+$0x10]  }
0x3f: {  	v14 =	vld [tilespmem:s3+$0x20]  }
0x40: {  	v12 =	vld [tilespmem:s3+$0x30]  }
0x41: {  	v10 =	vld [tilespmem:s3+$0x40]  }
0x42: {  	v9 =	vld [tilespmem:s3+$0x50]  }
0x43: {  	v8 =	vld [tilespmem:s3+$0x60]  }
0x44: {  	v15 =	vld.idx.msk [tilespmem:v11+s29+$0x0], $0xffff  }
0x45: {  	v13 =	vld.idx.msk [tilespmem:v13+s29+$0x0], $0xffff  }
0x46: {  	s22 =	simm.s32 $0x0;
	s21 =	simm.s32 $0x0;
	v11 =	vld.idx.msk [tilespmem:v16+s29+$0x0], $0xffff  }
.LBB2_2:
0x47: {  	s21 =	sadd.s32 $0x8, s21;
	v14 =	vld.idx.msk [tilespmem:v14+s29+$0x0], $0xffff  }
0x48: {  	s22 =	sadd.s32 $0x400, s22;
	s23 =	sshll.u32 s21, $0x4;
	p1 =	slt.u32 s21, $0x7F8;
	v12 =	vld.idx.msk [tilespmem:v12+s29+$0x0], $0xffff  }
0x49: {  	s31 =	sand.u32 $0x1C00, s22;
	s4 =	sshll.u32 s21, $0x1;
	s23 =	sand.u32 $0x6000, s23;
	v10 =	vld.idx.msk [tilespmem:v10+s29+$0x0], $0xffff  }
0x4a: {  	s4 =	sand.u32 $0x380, s4;
	s23 =	sor.u32 s31, s23;
	v9 =	vld.idx.msk [tilespmem:v9+s29+$0x0], $0xffff;
	[tilespmem:s3+$0xC470] =	vst v15  }
0x4b: {  	s4 =	sor.u32 s4, s23;
	[tilespmem:s3+$0xC400] =	vst v13;
	v8 =	vld.idx.msk [tilespmem:v8+s29+$0x0], $0xffff  }
0x4c: {  	v13 =	vld [tilespmem:s4+$0x70];
	[tilespmem:s3+$0xC410] =	vst v11  }
0x4d: {  	v11 =	vld [tilespmem:s4+$0x0];
	[tilespmem:s3+$0xC420] =	vst v14  }
0x4e: {  	v16 =	vld [tilespmem:s4+$0x10];
	[tilespmem:s3+$0xC430] =	vst v12  }
0x4f: {  	v14 =	vld [tilespmem:s4+$0x20];
	[tilespmem:s3+$0xC440] =	vst v10  }
0x50: {  	v12 =	vld [tilespmem:s4+$0x30];
	[tilespmem:s3+$0xC450] =	vst v9  }
0x51: {  	v10 =	vld [tilespmem:s4+$0x40];
	[tilespmem:s3+$0xC460] =	vst v8;
	s3 =	smov.u32 s4  }
.Ltmp2:
0x52: {  	v9 =	vld [tilespmem:s3+$0x50];
	(pc) =	sbr.rel @p1 .LBB2_2-.Ltmp2, $4  }
0x53: {  	v8 =	vld [tilespmem:s3+$0x60]  }
0x54: {  	v15 =	vld.idx.msk [tilespmem:v13+s29+$0x0], $0xffff  }
0x55: {  	v13 =	vld.idx.msk [tilespmem:v11+s29+$0x0], $0xffff  }
0x56: {  	v11 =	vld.idx.msk [tilespmem:v16+s29+$0x0], $0xffff  }
0x57: {  	_ =	sdelay $0x3  }
0x58: {  	v14 =	vld.idx.msk [tilespmem:v14+s29+$0x0], $0xffff  }
0x59: {  	v12 =	vld.idx.msk [tilespmem:v12+s29+$0x0], $0xffff  }
0x5a: {  	v10 =	vld.idx.msk [tilespmem:v10+s29+$0x0], $0xffff;
	[tilespmem:s3+$0xC470] =	vst v15  }
0x5b: {  	v9 =	vld.idx.msk [tilespmem:v9+s29+$0x0], $0xffff;
	[tilespmem:s3+$0xC400] =	vst v13  }
0x5c: {  	v8 =	vld.idx.msk [tilespmem:v8+s29+$0x0], $0xffff;
	[tilespmem:s3+$0xC410] =	vst v11  }
0x5d: {  	[tilespmem:s3+$0xC420] =	vst v14  }
0x5e: {  	[tilespmem:s3+$0xC430] =	vst v12  }
0x5f: {  	[tilespmem:s3+$0xC440] =	vst v10  }
0x60: {  	[tilespmem:s3+$0xC450] =	vst v9  }
0x61: {  	[tilespmem:s3+$0xC460] =	vst v8  }
0x62: {  	s3 =	simm.s32 $0x0;
	s4 =	rddreg [dreg:$0x8]  }
0x63: {  	[hbm4b:s4+s3] =	stream.linear.scatter [tilespmem:s7], [sflag:$0x1], $0x8000, $0x38;
	[tilespmem:$0x14400] =	vst v63  }
0x64: {  	_ =	swait.ge [sflag:s25], $0x8000  }
0x65: {  	[sflag:s25] =	ssyncset.done $0x0  }
0x66: {  	s23 =	simm.s32 $0x0;
	s22 =	simm.s32 $0x0;
	[sflag:s25] =	ssyncadd.s32 $0xFFFF8000  }
0x67: {  	[tilespmem:s29], [sflag:$0x1] =	stream.strided.gather [hbm4b:s8+s28], $0x4000, s30, s28, $0x38;
	[tilespmem:$0x14400] =	vst v63  }
0x68: {  	s21 =	sand.u32 $0x1C00, s3;
	s4 =	sand.u32 $0x6000, s23;
	_ =	swait.ge [sflag:s25], $0x4000  }
0x69: {  	s31 =	sand.u32 $0x380, s22;
	s4 =	sor.u32 s21, s4;
	[sflag:s25] =	ssyncset.done $0x0  }
0x6a: {  	s21 =	sor.u32 s31, s4;
	[sflag:s25] =	ssyncadd.s32 $0xFFFFC000  }
0x6b: {  	v11 =	vld [tilespmem:s21+$0x70]  }
0x6c: {  	v13 =	vld [tilespmem:s21+$0x0]  }
0x6d: {  	v16 =	vld [tilespmem:s21+$0x10]  }
0x6e: {  	v14 =	vld [tilespmem:s21+$0x20]  }
0x6f: {  	v12 =	vld [tilespmem:s21+$0x30]  }
0x70: {  	v10 =	vld [tilespmem:s21+$0x40]  }
0x71: {  	v9 =	vld [tilespmem:s21+$0x50]  }
0x72: {  	v8 =	vld [tilespmem:s21+$0x60]  }
0x73: {  	v15 =	vld.idx.msk [tilespmem:v11+s29+$0x0], $0xffff  }
0x74: {  	v13 =	vld.idx.msk [tilespmem:v13+s29+$0x0], $0xffff  }
0x75: {  	s22 =	simm.s32 $0x0;
	v11 =	vld.idx.msk [tilespmem:v16+s29+$0x0], $0xffff  }
.LBB2_4:
0x76: {  	s22 =	sadd.s32 $0x8, s22;
	v14 =	vld.idx.msk [tilespmem:v14+s29+$0x0], $0xffff  }
0x77: {  	s3 =	sadd.s32 $0x400, s3;
	s4 =	sshll.u32 s22, $0x4;
	p1 =	slt.u32 s22, $0x7F8;
	v12 =	vld.idx.msk [tilespmem:v12+s29+$0x0], $0xffff  }
0x78: {  	s23 =	sand.u32 $0x1C00, s3;
	s31 =	sshll.u32 s22, $0x1;
	s4 =	sand.u32 $0x6000, s4;
	v10 =	vld.idx.msk [tilespmem:v10+s29+$0x0], $0xffff  }
0x79: {  	s4 =	sor.u32 s23, s4;
	s23 =	sand.u32 $0x380, s31;
	v9 =	vld.idx.msk [tilespmem:v9+s29+$0x0], $0xffff;
	[tilespmem:s21+$0xC470] =	vst v15  }
0x7a: {  	s4 =	sor.u32 s23, s4;
	[tilespmem:s21+$0xC400] =	vst v13;
	v8 =	vld.idx.msk [tilespmem:v8+s29+$0x0], $0xffff  }
0x7b: {  	v13 =	vld [tilespmem:s4+$0x70];
	[tilespmem:s21+$0xC410] =	vst v11  }
0x7c: {  	v11 =	vld [tilespmem:s4+$0x0];
	[tilespmem:s21+$0xC420] =	vst v14  }
0x7d: {  	v16 =	vld [tilespmem:s4+$0x10];
	[tilespmem:s21+$0xC430] =	vst v12  }
0x7e: {  	v14 =	vld [tilespmem:s4+$0x20];
	[tilespmem:s21+$0xC440] =	vst v10  }
0x7f: {  	v12 =	vld [tilespmem:s4+$0x30];
	[tilespmem:s21+$0xC450] =	vst v9  }
0x80: {  	v10 =	vld [tilespmem:s4+$0x40];
	[tilespmem:s21+$0xC460] =	vst v8;
	s21 =	smov.u32 s4  }
.Ltmp3:
0x81: {  	v9 =	vld [tilespmem:s21+$0x50];
	(pc) =	sbr.rel @p1 .LBB2_4-.Ltmp3, $4  }
0x82: {  	v8 =	vld [tilespmem:s21+$0x60]  }
0x83: {  	v15 =	vld.idx.msk [tilespmem:v13+s29+$0x0], $0xffff  }
0x84: {  	v13 =	vld.idx.msk [tilespmem:v11+s29+$0x0], $0xffff  }
0x85: {  	v11 =	vld.idx.msk [tilespmem:v16+s29+$0x0], $0xffff  }
0x86: {  	_ =	sdelay $0x3  }
0x87: {  	v14 =	vld.idx.msk [tilespmem:v14+s29+$0x0], $0xffff  }
0x88: {  	v12 =	vld.idx.msk [tilespmem:v12+s29+$0x0], $0xffff  }
0x89: {  	v10 =	vld.idx.msk [tilespmem:v10+s29+$0x0], $0xffff;
	[tilespmem:s21+$0xC470] =	vst v15  }
0x8a: {  	v9 =	vld.idx.msk [tilespmem:v9+s29+$0x0], $0xffff;
	[tilespmem:s21+$0xC400] =	vst v13  }
0x8b: {  	v8 =	vld.idx.msk [tilespmem:v8+s29+$0x0], $0xffff;
	[tilespmem:s21+$0xC410] =	vst v11  }
0x8c: {  	[tilespmem:s21+$0xC420] =	vst v14  }
0x8d: {  	[tilespmem:s21+$0xC430] =	vst v12  }
0x8e: {  	[tilespmem:s21+$0xC440] =	vst v10  }
0x8f: {  	[tilespmem:s21+$0xC450] =	vst v9  }
0x90: {  	s3 =	simm.s32 $0x0;
	[tilespmem:s21+$0xC460] =	vst v8  }
0x91: {  	[hbm4b:s9+s3] =	stream.linear.scatter [tilespmem:s7], [sflag:$0x1], $0x8000, $0x38;
	[tilespmem:$0x14400] =	vst v63  }
0x92: {  	_ =	swait.ge [sflag:s25], $0x8000  }
0x93: {  	[sflag:s25] =	ssyncset.done $0x0  }
0x94: {  	s4 =	simm.s32 $0x0;
	s22 =	simm.s32 $0x0;
	[sflag:s25] =	ssyncadd.s32 $0xFFFF8000  }
0x95: {  	[tilespmem:s29], [sflag:$0x1] =	stream.strided.gather [hbm4b:s10+s28], $0x4000, s30, s28, $0x38;
	[tilespmem:$0x14400] =	vst v63  }
0x96: {  	s4 =	sand.u32 $0x6000, s4;
	s23 =	sand.u32 $0x1C00, s3;
	_ =	swait.ge [sflag:s25], $0x4000  }
0x97: {  	s31 =	sand.u32 $0x380, s22;
	s4 =	sor.u32 s23, s4;
	[sflag:s25] =	ssyncset.done $0x0  }
0x98: {  	s21 =	sor.u32 s31, s4;
	[sflag:s25] =	ssyncadd.s32 $0xFFFFC000  }
0x99: {  	v11 =	vld [tilespmem:s21+$0x70]  }
0x9a: {  	v13 =	vld [tilespmem:s21+$0x0]  }
0x9b: {  	v16 =	vld [tilespmem:s21+$0x10]  }
0x9c: {  	v14 =	vld [tilespmem:s21+$0x20]  }
0x9d: {  	v12 =	vld [tilespmem:s21+$0x30]  }
0x9e: {  	v10 =	vld [tilespmem:s21+$0x40]  }
0x9f: {  	v9 =	vld [tilespmem:s21+$0x50]  }
0xa0: {  	v8 =	vld [tilespmem:s21+$0x60]  }
0xa1: {  	v15 =	vld.idx.msk [tilespmem:v11+s29+$0x0], $0xffff  }
0xa2: {  	v13 =	vld.idx.msk [tilespmem:v13+s29+$0x0], $0xffff  }
0xa3: {  	s22 =	simm.s32 $0x0;
	v11 =	vld.idx.msk [tilespmem:v16+s29+$0x0], $0xffff  }
.LBB2_6:
0xa4: {  	s22 =	sadd.s32 $0x8, s22;
	v14 =	vld.idx.msk [tilespmem:v14+s29+$0x0], $0xffff  }
0xa5: {  	s3 =	sadd.s32 $0x400, s3;
	s4 =	sshll.u32 s22, $0x4;
	p1 =	slt.u32 s22, $0x7F8;
	v12 =	vld.idx.msk [tilespmem:v12+s29+$0x0], $0xffff  }
0xa6: {  	s23 =	sand.u32 $0x1C00, s3;
	s31 =	sshll.u32 s22, $0x1;
	s4 =	sand.u32 $0x6000, s4;
	v10 =	vld.idx.msk [tilespmem:v10+s29+$0x0], $0xffff  }
0xa7: {  	s4 =	sor.u32 s23, s4;
	s23 =	sand.u32 $0x380, s31;
	v9 =	vld.idx.msk [tilespmem:v9+s29+$0x0], $0xffff;
	[tilespmem:s21+$0xC470] =	vst v15  }
0xa8: {  	s4 =	sor.u32 s23, s4;
	[tilespmem:s21+$0xC400] =	vst v13;
	v8 =	vld.idx.msk [tilespmem:v8+s29+$0x0], $0xffff  }
0xa9: {  	v13 =	vld [tilespmem:s4+$0x70];
	[tilespmem:s21+$0xC410] =	vst v11  }
0xaa: {  	v11 =	vld [tilespmem:s4+$0x0];
	[tilespmem:s21+$0xC420] =	vst v14  }
0xab: {  	v16 =	vld [tilespmem:s4+$0x10];
	[tilespmem:s21+$0xC430] =	vst v12  }
0xac: {  	v14 =	vld [tilespmem:s4+$0x20];
	[tilespmem:s21+$0xC440] =	vst v10  }
0xad: {  	v12 =	vld [tilespmem:s4+$0x30];
	[tilespmem:s21+$0xC450] =	vst v9  }
0xae: {  	v10 =	vld [tilespmem:s4+$0x40];
	[tilespmem:s21+$0xC460] =	vst v8;
	s21 =	smov.u32 s4  }
.Ltmp4:
0xaf: {  	v9 =	vld [tilespmem:s21+$0x50];
	(pc) =	sbr.rel @p1 .LBB2_6-.Ltmp4, $4  }
0xb0: {  	v8 =	vld [tilespmem:s21+$0x60]  }
0xb1: {  	v15 =	vld.idx.msk [tilespmem:v13+s29+$0x0], $0xffff  }
0xb2: {  	v13 =	vld.idx.msk [tilespmem:v11+s29+$0x0], $0xffff  }
0xb3: {  	v11 =	vld.idx.msk [tilespmem:v16+s29+$0x0], $0xffff  }
0xb4: {  	_ =	sdelay $0x3  }
0xb5: {  	v14 =	vld.idx.msk [tilespmem:v14+s29+$0x0], $0xffff  }
0xb6: {  	v12 =	vld.idx.msk [tilespmem:v12+s29+$0x0], $0xffff  }
0xb7: {  	v10 =	vld.idx.msk [tilespmem:v10+s29+$0x0], $0xffff;
	[tilespmem:s21+$0xC470] =	vst v15  }
0xb8: {  	v9 =	vld.idx.msk [tilespmem:v9+s29+$0x0], $0xffff;
	[tilespmem:s21+$0xC400] =	vst v13  }
0xb9: {  	v8 =	vld.idx.msk [tilespmem:v8+s29+$0x0], $0xffff;
	[tilespmem:s21+$0xC410] =	vst v11  }
0xba: {  	[tilespmem:s21+$0xC420] =	vst v14  }
0xbb: {  	[tilespmem:s21+$0xC430] =	vst v12  }
0xbc: {  	[tilespmem:s21+$0xC440] =	vst v10  }
0xbd: {  	[tilespmem:s21+$0xC450] =	vst v9  }
0xbe: {  	s3 =	simm.s32 $0x0;
	[tilespmem:s21+$0xC460] =	vst v8  }
0xbf: {  	[hbm4b:s11+s3] =	stream.linear.scatter [tilespmem:s7], [sflag:$0x1], $0x8000, $0x38;
	[tilespmem:$0x14400] =	vst v63  }
0xc0: {  	_ =	swait.ge [sflag:s25], $0x8000  }
0xc1: {  	[sflag:s25] =	ssyncset.done $0x0  }
0xc2: {  	s4 =	simm.s32 $0x0;
	s22 =	simm.s32 $0x0;
	[sflag:s25] =	ssyncadd.s32 $0xFFFF8000  }
0xc3: {  	[tilespmem:s29], [sflag:$0x1] =	stream.strided.gather [hbm4b:s12+s28], $0x4000, s30, s28, $0x38;
	[tilespmem:$0x14400] =	vst v63  }
0xc4: {  	s4 =	sand.u32 $0x6000, s4;
	s23 =	sand.u32 $0x1C00, s3;
	_ =	swait.ge [sflag:s25], $0x4000  }
0xc5: {  	s31 =	sand.u32 $0x380, s22;
	s4 =	sor.u32 s23, s4;
	[sflag:s25] =	ssyncset.done $0x0  }
0xc6: {  	s21 =	sor.u32 s31, s4;
	[sflag:s25] =	ssyncadd.s32 $0xFFFFC000  }
0xc7: {  	v11 =	vld [tilespmem:s21+$0x70]  }
0xc8: {  	v13 =	vld [tilespmem:s21+$0x0]  }
0xc9: {  	v16 =	vld [tilespmem:s21+$0x10]  }
0xca: {  	v14 =	vld [tilespmem:s21+$0x20]  }
0xcb: {  	v12 =	vld [tilespmem:s21+$0x30]  }
0xcc: {  	v10 =	vld [tilespmem:s21+$0x40]  }
0xcd: {  	v9 =	vld [tilespmem:s21+$0x50]  }
0xce: {  	v8 =	vld [tilespmem:s21+$0x60]  }
0xcf: {  	v15 =	vld.idx.msk [tilespmem:v11+s29+$0x0], $0xffff  }
0xd0: {  	v13 =	vld.idx.msk [tilespmem:v13+s29+$0x0], $0xffff  }
0xd1: {  	s22 =	simm.s32 $0x0;
	v11 =	vld.idx.msk [tilespmem:v16+s29+$0x0], $0xffff  }
.LBB2_8:
0xd2: {  	s22 =	sadd.s32 $0x8, s22;
	v14 =	vld.idx.msk [tilespmem:v14+s29+$0x0], $0xffff  }
0xd3: {  	s3 =	sadd.s32 $0x400, s3;
	s4 =	sshll.u32 s22, $0x4;
	p1 =	slt.u32 s22, $0x7F8;
	v12 =	vld.idx.msk [tilespmem:v12+s29+$0x0], $0xffff  }
0xd4: {  	s23 =	sand.u32 $0x1C00, s3;
	s31 =	sshll.u32 s22, $0x1;
	s4 =	sand.u32 $0x6000, s4;
	v10 =	vld.idx.msk [tilespmem:v10+s29+$0x0], $0xffff  }
0xd5: {  	s4 =	sor.u32 s23, s4;
	s23 =	sand.u32 $0x380, s31;
	v9 =	vld.idx.msk [tilespmem:v9+s29+$0x0], $0xffff;
	[tilespmem:s21+$0xC470] =	vst v15  }
0xd6: {  	s4 =	sor.u32 s23, s4;
	[tilespmem:s21+$0xC400] =	vst v13;
	v8 =	vld.idx.msk [tilespmem:v8+s29+$0x0], $0xffff  }
0xd7: {  	v13 =	vld [tilespmem:s4+$0x70];
	[tilespmem:s21+$0xC410] =	vst v11  }
0xd8: {  	v11 =	vld [tilespmem:s4+$0x0];
	[tilespmem:s21+$0xC420] =	vst v14  }
0xd9: {  	v16 =	vld [tilespmem:s4+$0x10];
	[tilespmem:s21+$0xC430] =	vst v12  }
0xda: {  	v14 =	vld [tilespmem:s4+$0x20];
	[tilespmem:s21+$0xC440] =	vst v10  }
0xdb: {  	v12 =	vld [tilespmem:s4+$0x30];
	[tilespmem:s21+$0xC450] =	vst v9  }
0xdc: {  	v10 =	vld [tilespmem:s4+$0x40];
	[tilespmem:s21+$0xC460] =	vst v8;
	s21 =	smov.u32 s4  }
.Ltmp5:
0xdd: {  	v9 =	vld [tilespmem:s21+$0x50];
	(pc) =	sbr.rel @p1 .LBB2_8-.Ltmp5, $4  }
0xde: {  	v8 =	vld [tilespmem:s21+$0x60]  }
0xdf: {  	v15 =	vld.idx.msk [tilespmem:v13+s29+$0x0], $0xffff  }
0xe0: {  	v13 =	vld.idx.msk [tilespmem:v11+s29+$0x0], $0xffff  }
0xe1: {  	v11 =	vld.idx.msk [tilespmem:v16+s29+$0x0], $0xffff  }
0xe2: {  	_ =	sdelay $0x3  }
0xe3: {  	v14 =	vld.idx.msk [tilespmem:v14+s29+$0x0], $0xffff  }
0xe4: {  	v12 =	vld.idx.msk [tilespmem:v12+s29+$0x0], $0xffff  }
0xe5: {  	v10 =	vld.idx.msk [tilespmem:v10+s29+$0x0], $0xffff;
	[tilespmem:s21+$0xC470] =	vst v15  }
0xe6: {  	v9 =	vld.idx.msk [tilespmem:v9+s29+$0x0], $0xffff;
	[tilespmem:s21+$0xC400] =	vst v13  }
0xe7: {  	v8 =	vld.idx.msk [tilespmem:v8+s29+$0x0], $0xffff;
	[tilespmem:s21+$0xC410] =	vst v11  }
0xe8: {  	[tilespmem:s21+$0xC420] =	vst v14  }
0xe9: {  	[tilespmem:s21+$0xC430] =	vst v12  }
0xea: {  	[tilespmem:s21+$0xC440] =	vst v10  }
0xeb: {  	[tilespmem:s21+$0xC450] =	vst v9  }
0xec: {  	s3 =	simm.s32 $0x0;
	[tilespmem:s21+$0xC460] =	vst v8  }
0xed: {  	[hbm4b:s13+s3] =	stream.linear.scatter [tilespmem:s7], [sflag:$0x1], $0x8000, $0x38;
	[tilespmem:$0x14400] =	vst v63  }
0xee: {  	_ =	swait.ge [sflag:s25], $0x8000  }
0xef: {  	[sflag:s25] =	ssyncset.done $0x0  }
0xf0: {  	s4 =	simm.s32 $0x0;
	s22 =	simm.s32 $0x0;
	[sflag:s25] =	ssyncadd.s32 $0xFFFF8000  }
0xf1: {  	[tilespmem:s29], [sflag:$0x1] =	stream.strided.gather [hbm4b:s14+s28], $0x4000, s30, s28, $0x38;
	[tilespmem:$0x14400] =	vst v63  }
0xf2: {  	s4 =	sand.u32 $0x6000, s4;
	s23 =	sand.u32 $0x1C00, s3;
	_ =	swait.ge [sflag:s25], $0x4000  }
0xf3: {  	s31 =	sand.u32 $0x380, s22;
	s4 =	sor.u32 s23, s4;
	[sflag:s25] =	ssyncset.done $0x0  }
0xf4: {  	s21 =	sor.u32 s31, s4;
	[sflag:s25] =	ssyncadd.s32 $0xFFFFC000  }
0xf5: {  	v11 =	vld [tilespmem:s21+$0x70]  }
0xf6: {  	v13 =	vld [tilespmem:s21+$0x0]  }
0xf7: {  	v16 =	vld [tilespmem:s21+$0x10]  }
0xf8: {  	v14 =	vld [tilespmem:s21+$0x20]  }
0xf9: {  	v12 =	vld [tilespmem:s21+$0x30]  }
0xfa: {  	v10 =	vld [tilespmem:s21+$0x40]  }
0xfb: {  	v9 =	vld [tilespmem:s21+$0x50]  }
0xfc: {  	v8 =	vld [tilespmem:s21+$0x60]  }
0xfd: {  	v15 =	vld.idx.msk [tilespmem:v11+s29+$0x0], $0xffff  }
0xfe: {  	v13 =	vld.idx.msk [tilespmem:v13+s29+$0x0], $0xffff  }
0xff: {  	s22 =	simm.s32 $0x0;
	v11 =	vld.idx.msk [tilespmem:v16+s29+$0x0], $0xffff  }
.LBB2_10:
0x100: {  	s22 =	sadd.s32 $0x8, s22;
	v14 =	vld.idx.msk [tilespmem:v14+s29+$0x0], $0xffff  }
0x101: {  	s3 =	sadd.s32 $0x400, s3;
	s4 =	sshll.u32 s22, $0x4;
	p1 =	slt.u32 s22, $0x7F8;
	v12 =	vld.idx.msk [tilespmem:v12+s29+$0x0], $0xffff  }
0x102: {  	s23 =	sand.u32 $0x1C00, s3;
	s31 =	sshll.u32 s22, $0x1;
	s4 =	sand.u32 $0x6000, s4;
	v10 =	vld.idx.msk [tilespmem:v10+s29+$0x0], $0xffff  }
0x103: {  	s4 =	sor.u32 s23, s4;
	s23 =	sand.u32 $0x380, s31;
	v9 =	vld.idx.msk [tilespmem:v9+s29+$0x0], $0xffff;
	[tilespmem:s21+$0xC470] =	vst v15  }
0x104: {  	s4 =	sor.u32 s23, s4;
	[tilespmem:s21+$0xC400] =	vst v13;
	v8 =	vld.idx.msk [tilespmem:v8+s29+$0x0], $0xffff  }
0x105: {  	v13 =	vld [tilespmem:s4+$0x70];
	[tilespmem:s21+$0xC410] =	vst v11  }
0x106: {  	v11 =	vld [tilespmem:s4+$0x0];
	[tilespmem:s21+$0xC420] =	vst v14  }
0x107: {  	v16 =	vld [tilespmem:s4+$0x10];
	[tilespmem:s21+$0xC430] =	vst v12  }
0x108: {  	v14 =	vld [tilespmem:s4+$0x20];
	[tilespmem:s21+$0xC440] =	vst v10  }
0x109: {  	v12 =	vld [tilespmem:s4+$0x30];
	[tilespmem:s21+$0xC450] =	vst v9  }
0x10a: {  	v10 =	vld [tilespmem:s4+$0x40];
	[tilespmem:s21+$0xC460] =	vst v8;
	s21 =	smov.u32 s4  }
.Ltmp6:
0x10b: {  	v9 =	vld [tilespmem:s21+$0x50];
	(pc) =	sbr.rel @p1 .LBB2_10-.Ltmp6, $4  }
0x10c: {  	v8 =	vld [tilespmem:s21+$0x60]  }
0x10d: {  	v15 =	vld.idx.msk [tilespmem:v13+s29+$0x0], $0xffff  }
0x10e: {  	v13 =	vld.idx.msk [tilespmem:v11+s29+$0x0], $0xffff  }
0x10f: {  	v11 =	vld.idx.msk [tilespmem:v16+s29+$0x0], $0xffff  }
0x110: {  	_ =	sdelay $0x3  }
0x111: {  	v14 =	vld.idx.msk [tilespmem:v14+s29+$0x0], $0xffff  }
0x112: {  	v12 =	vld.idx.msk [tilespmem:v12+s29+$0x0], $0xffff  }
0x113: {  	v10 =	vld.idx.msk [tilespmem:v10+s29+$0x0], $0xffff;
	[tilespmem:s21+$0xC470] =	vst v15  }
0x114: {  	v9 =	vld.idx.msk [tilespmem:v9+s29+$0x0], $0xffff;
	[tilespmem:s21+$0xC400] =	vst v13  }
0x115: {  	v8 =	vld.idx.msk [tilespmem:v8+s29+$0x0], $0xffff;
	[tilespmem:s21+$0xC410] =	vst v11  }
0x116: {  	[tilespmem:s21+$0xC420] =	vst v14  }
0x117: {  	[tilespmem:s21+$0xC430] =	vst v12  }
0x118: {  	[tilespmem:s21+$0xC440] =	vst v10  }
0x119: {  	[tilespmem:s21+$0xC450] =	vst v9  }
0x11a: {  	s3 =	simm.s32 $0x0;
	[tilespmem:s21+$0xC460] =	vst v8  }
0x11b: {  	[hbm4b:s15+s3] =	stream.linear.scatter [tilespmem:s7], [sflag:$0x1], $0x8000, $0x38;
	[tilespmem:$0x14400] =	vst v63  }
0x11c: {  	_ =	swait.ge [sflag:s25], $0x8000  }
0x11d: {  	[sflag:s25] =	ssyncset.done $0x0  }
0x11e: {  	s4 =	simm.s32 $0x0;
	s22 =	simm.s32 $0x0;
	[sflag:s25] =	ssyncadd.s32 $0xFFFF8000  }
0x11f: {  	[tilespmem:s29], [sflag:$0x1] =	stream.strided.gather [hbm4b:s16+s28], $0x4000, s30, s28, $0x38;
	[tilespmem:$0x14400] =	vst v63  }
0x120: {  	s4 =	sand.u32 $0x6000, s4;
	s23 =	sand.u32 $0x1C00, s3;
	_ =	swait.ge [sflag:s25], $0x4000  }
0x121: {  	s31 =	sand.u32 $0x380, s22;
	s4 =	sor.u32 s23, s4;
	[sflag:s25] =	ssyncset.done $0x0  }
0x122: {  	s21 =	sor.u32 s31, s4;
	[sflag:s25] =	ssyncadd.s32 $0xFFFFC000  }
0x123: {  	v11 =	vld [tilespmem:s21+$0x70]  }
0x124: {  	v13 =	vld [tilespmem:s21+$0x0]  }
0x125: {  	v16 =	vld [tilespmem:s21+$0x10]  }
0x126: {  	v14 =	vld [tilespmem:s21+$0x20]  }
0x127: {  	v12 =	vld [tilespmem:s21+$0x30]  }
0x128: {  	v10 =	vld [tilespmem:s21+$0x40]  }
0x129: {  	v9 =	vld [tilespmem:s21+$0x50]  }
0x12a: {  	v8 =	vld [tilespmem:s21+$0x60]  }
0x12b: {  	v15 =	vld.idx.msk [tilespmem:v11+s29+$0x0], $0xffff  }
0x12c: {  	v13 =	vld.idx.msk [tilespmem:v13+s29+$0x0], $0xffff  }
0x12d: {  	s22 =	simm.s32 $0x0;
	v11 =	vld.idx.msk [tilespmem:v16+s29+$0x0], $0xffff  }
.LBB2_12:
0x12e: {  	s22 =	sadd.s32 $0x8, s22;
	v14 =	vld.idx.msk [tilespmem:v14+s29+$0x0], $0xffff  }
0x12f: {  	s3 =	sadd.s32 $0x400, s3;
	s4 =	sshll.u32 s22, $0x4;
	p1 =	slt.u32 s22, $0x7F8;
	v12 =	vld.idx.msk [tilespmem:v12+s29+$0x0], $0xffff  }
0x130: {  	s23 =	sand.u32 $0x1C00, s3;
	s31 =	sshll.u32 s22, $0x1;
	s4 =	sand.u32 $0x6000, s4;
	v10 =	vld.idx.msk [tilespmem:v10+s29+$0x0], $0xffff  }
0x131: {  	s4 =	sor.u32 s23, s4;
	s23 =	sand.u32 $0x380, s31;
	v9 =	vld.idx.msk [tilespmem:v9+s29+$0x0], $0xffff;
	[tilespmem:s21+$0xC470] =	vst v15  }
0x132: {  	s4 =	sor.u32 s23, s4;
	[tilespmem:s21+$0xC400] =	vst v13;
	v8 =	vld.idx.msk [tilespmem:v8+s29+$0x0], $0xffff  }
0x133: {  	v13 =	vld [tilespmem:s4+$0x70];
	[tilespmem:s21+$0xC410] =	vst v11  }
0x134: {  	v11 =	vld [tilespmem:s4+$0x0];
	[tilespmem:s21+$0xC420] =	vst v14  }
0x135: {  	v16 =	vld [tilespmem:s4+$0x10];
	[tilespmem:s21+$0xC430] =	vst v12  }
0x136: {  	v14 =	vld [tilespmem:s4+$0x20];
	[tilespmem:s21+$0xC440] =	vst v10  }
0x137: {  	v12 =	vld [tilespmem:s4+$0x30];
	[tilespmem:s21+$0xC450] =	vst v9  }
0x138: {  	v10 =	vld [tilespmem:s4+$0x40];
	[tilespmem:s21+$0xC460] =	vst v8;
	s21 =	smov.u32 s4  }
.Ltmp7:
0x139: {  	v9 =	vld [tilespmem:s21+$0x50];
	(pc) =	sbr.rel @p1 .LBB2_12-.Ltmp7, $4  }
0x13a: {  	v8 =	vld [tilespmem:s21+$0x60]  }
0x13b: {  	v15 =	vld.idx.msk [tilespmem:v13+s29+$0x0], $0xffff  }
0x13c: {  	v13 =	vld.idx.msk [tilespmem:v11+s29+$0x0], $0xffff  }
0x13d: {  	v11 =	vld.idx.msk [tilespmem:v16+s29+$0x0], $0xffff  }
0x13e: {  	_ =	sdelay $0x3  }
0x13f: {  	v14 =	vld.idx.msk [tilespmem:v14+s29+$0x0], $0xffff  }
0x140: {  	v12 =	vld.idx.msk [tilespmem:v12+s29+$0x0], $0xffff  }
0x141: {  	v10 =	vld.idx.msk [tilespmem:v10+s29+$0x0], $0xffff;
	[tilespmem:s21+$0xC470] =	vst v15  }
0x142: {  	v9 =	vld.idx.msk [tilespmem:v9+s29+$0x0], $0xffff;
	[tilespmem:s21+$0xC400] =	vst v13  }
0x143: {  	v8 =	vld.idx.msk [tilespmem:v8+s29+$0x0], $0xffff;
	[tilespmem:s21+$0xC410] =	vst v11  }
0x144: {  	[tilespmem:s21+$0xC420] =	vst v14  }
0x145: {  	[tilespmem:s21+$0xC430] =	vst v12  }
0x146: {  	[tilespmem:s21+$0xC440] =	vst v10  }
0x147: {  	[tilespmem:s21+$0xC450] =	vst v9  }
0x148: {  	s3 =	simm.s32 $0x0;
	[tilespmem:s21+$0xC460] =	vst v8  }
0x149: {  	[hbm4b:s17+s3] =	stream.linear.scatter [tilespmem:s7], [sflag:$0x1], $0x8000, $0x38;
	[tilespmem:$0x14400] =	vst v63  }
0x14a: {  	_ =	swait.ge [sflag:s25], $0x8000  }
0x14b: {  	[sflag:s25] =	ssyncset.done $0x0  }
0x14c: {  	s4 =	simm.s32 $0x0;
	s22 =	simm.s32 $0x0;
	[sflag:s25] =	ssyncadd.s32 $0xFFFF8000  }
0x14d: {  	[tilespmem:s29], [sflag:$0x1] =	stream.strided.gather [hbm4b:s18+s28], $0x4000, s30, s28, $0x38;
	[tilespmem:$0x14400] =	vst v63  }
0x14e: {  	s4 =	sand.u32 $0x6000, s4;
	s23 =	sand.u32 $0x1C00, s3;
	_ =	swait.ge [sflag:s25], $0x4000  }
0x14f: {  	s31 =	sand.u32 $0x380, s22;
	s4 =	sor.u32 s23, s4;
	[sflag:s25] =	ssyncset.done $0x0  }
0x150: {  	s21 =	sor.u32 s31, s4;
	[sflag:s25] =	ssyncadd.s32 $0xFFFFC000  }
0x151: {  	v11 =	vld [tilespmem:s21+$0x70]  }
0x152: {  	v13 =	vld [tilespmem:s21+$0x0]  }
0x153: {  	v16 =	vld [tilespmem:s21+$0x10]  }
0x154: {  	v14 =	vld [tilespmem:s21+$0x20]  }
0x155: {  	v12 =	vld [tilespmem:s21+$0x30]  }
0x156: {  	v10 =	vld [tilespmem:s21+$0x40]  }
0x157: {  	v9 =	vld [tilespmem:s21+$0x50]  }
0x158: {  	v8 =	vld [tilespmem:s21+$0x60]  }
0x159: {  	v15 =	vld.idx.msk [tilespmem:v11+s29+$0x0], $0xffff  }
0x15a: {  	v13 =	vld.idx.msk [tilespmem:v13+s29+$0x0], $0xffff  }
0x15b: {  	s22 =	simm.s32 $0x0;
	v11 =	vld.idx.msk [tilespmem:v16+s29+$0x0], $0xffff  }
.LBB2_14:
0x15c: {  	s22 =	sadd.s32 $0x8, s22;
	v14 =	vld.idx.msk [tilespmem:v14+s29+$0x0], $0xffff  }
0x15d: {  	s3 =	sadd.s32 $0x400, s3;
	s4 =	sshll.u32 s22, $0x4;
	p1 =	slt.u32 s22, $0x7F8;
	v12 =	vld.idx.msk [tilespmem:v12+s29+$0x0], $0xffff  }
0x15e: {  	s23 =	sand.u32 $0x1C00, s3;
	s31 =	sshll.u32 s22, $0x1;
	s4 =	sand.u32 $0x6000, s4;
	v10 =	vld.idx.msk [tilespmem:v10+s29+$0x0], $0xffff  }
0x15f: {  	s4 =	sor.u32 s23, s4;
	s23 =	sand.u32 $0x380, s31;
	v9 =	vld.idx.msk [tilespmem:v9+s29+$0x0], $0xffff;
	[tilespmem:s21+$0xC470] =	vst v15  }
0x160: {  	s4 =	sor.u32 s23, s4;
	[tilespmem:s21+$0xC400] =	vst v13;
	v8 =	vld.idx.msk [tilespmem:v8+s29+$0x0], $0xffff  }
0x161: {  	v13 =	vld [tilespmem:s4+$0x70];
	[tilespmem:s21+$0xC410] =	vst v11  }
0x162: {  	v11 =	vld [tilespmem:s4+$0x0];
	[tilespmem:s21+$0xC420] =	vst v14  }
0x163: {  	v16 =	vld [tilespmem:s4+$0x10];
	[tilespmem:s21+$0xC430] =	vst v12  }
0x164: {  	v14 =	vld [tilespmem:s4+$0x20];
	[tilespmem:s21+$0xC440] =	vst v10  }
0x165: {  	v12 =	vld [tilespmem:s4+$0x30];
	[tilespmem:s21+$0xC450] =	vst v9  }
0x166: {  	v10 =	vld [tilespmem:s4+$0x40];
	[tilespmem:s21+$0xC460] =	vst v8;
	s21 =	smov.u32 s4  }
.Ltmp8:
0x167: {  	v9 =	vld [tilespmem:s21+$0x50];
	(pc) =	sbr.rel @p1 .LBB2_14-.Ltmp8, $4  }
0x168: {  	v8 =	vld [tilespmem:s21+$0x60]  }
0x169: {  	v15 =	vld.idx.msk [tilespmem:v13+s29+$0x0], $0xffff  }
0x16a: {  	v13 =	vld.idx.msk [tilespmem:v11+s29+$0x0], $0xffff  }
0x16b: {  	v11 =	vld.idx.msk [tilespmem:v16+s29+$0x0], $0xffff  }
0x16c: {  	_ =	sdelay $0x3  }
0x16d: {  	v14 =	vld.idx.msk [tilespmem:v14+s29+$0x0], $0xffff  }
0x16e: {  	v12 =	vld.idx.msk [tilespmem:v12+s29+$0x0], $0xffff  }
0x16f: {  	v10 =	vld.idx.msk [tilespmem:v10+s29+$0x0], $0xffff;
	[tilespmem:s21+$0xC470] =	vst v15  }
0x170: {  	v9 =	vld.idx.msk [tilespmem:v9+s29+$0x0], $0xffff;
	[tilespmem:s21+$0xC400] =	vst v13  }
0x171: {  	v8 =	vld.idx.msk [tilespmem:v8+s29+$0x0], $0xffff;
	[tilespmem:s21+$0xC410] =	vst v11  }
0x172: {  	[tilespmem:s21+$0xC420] =	vst v14  }
0x173: {  	[tilespmem:s21+$0xC430] =	vst v12  }
0x174: {  	[tilespmem:s21+$0xC440] =	vst v10  }
0x175: {  	[tilespmem:s21+$0xC450] =	vst v9  }
0x176: {  	s3 =	simm.s32 $0x0;
	[tilespmem:s21+$0xC460] =	vst v8  }
0x177: {  	[hbm4b:s19+s3] =	stream.linear.scatter [tilespmem:s7], [sflag:$0x1], $0x8000, $0x38;
	[tilespmem:$0x14400] =	vst v63  }
0x178: {  	_ =	swait.ge [sflag:s25], $0x8000  }
0x179: {  	[sflag:s25] =	ssyncset.done $0x0  }
0x17a: {  	s4 =	simm.s32 $0x0;
	s22 =	simm.s32 $0x0;
	[sflag:s25] =	ssyncadd.s32 $0xFFFF8000  }
0x17b: {  	[tilespmem:s29], [sflag:$0x1] =	stream.strided.gather [hbm4b:s20+s28], $0x4000, s30, s28, $0x38;
	[tilespmem:$0x14400] =	vst v63  }
0x17c: {  	s4 =	sand.u32 $0x6000, s4;
	s23 =	sand.u32 $0x1C00, s3;
	_ =	swait.ge [sflag:s25], $0x4000  }
0x17d: {  	s31 =	sand.u32 $0x380, s22;
	s4 =	sor.u32 s23, s4;
	[sflag:s25] =	ssyncset.done $0x0  }
0x17e: {  	s21 =	sor.u32 s31, s4;
	[sflag:s25] =	ssyncadd.s32 $0xFFFFC000  }
0x17f: {  	v11 =	vld [tilespmem:s21+$0x70]  }
0x180: {  	v13 =	vld [tilespmem:s21+$0x0]  }
0x181: {  	v16 =	vld [tilespmem:s21+$0x10]  }
0x182: {  	v14 =	vld [tilespmem:s21+$0x20]  }
0x183: {  	v12 =	vld [tilespmem:s21+$0x30]  }
0x184: {  	v10 =	vld [tilespmem:s21+$0x40]  }
0x185: {  	v9 =	vld [tilespmem:s21+$0x50]  }
0x186: {  	v8 =	vld [tilespmem:s21+$0x60]  }
0x187: {  	v15 =	vld.idx.msk [tilespmem:v11+s29+$0x0], $0xffff  }
0x188: {  	v13 =	vld.idx.msk [tilespmem:v13+s29+$0x0], $0xffff  }
0x189: {  	s22 =	simm.s32 $0x0;
	v11 =	vld.idx.msk [tilespmem:v16+s29+$0x0], $0xffff  }
.LBB2_16:
0x18a: {  	s22 =	sadd.s32 $0x8, s22;
	v14 =	vld.idx.msk [tilespmem:v14+s29+$0x0], $0xffff  }
0x18b: {  	s3 =	sadd.s32 $0x400, s3;
	s4 =	sshll.u32 s22, $0x4;
	p1 =	slt.u32 s22, $0x7F8;
	v12 =	vld.idx.msk [tilespmem:v12+s29+$0x0], $0xffff  }
0x18c: {  	s23 =	sand.u32 $0x1C00, s3;
	s31 =	sshll.u32 s22, $0x1;
	s4 =	sand.u32 $0x6000, s4;
	v10 =	vld.idx.msk [tilespmem:v10+s29+$0x0], $0xffff  }
0x18d: {  	s4 =	sor.u32 s23, s4;
	s23 =	sand.u32 $0x380, s31;
	v9 =	vld.idx.msk [tilespmem:v9+s29+$0x0], $0xffff;
	[tilespmem:s21+$0xC470] =	vst v15  }
0x18e: {  	s4 =	sor.u32 s23, s4;
	[tilespmem:s21+$0xC400] =	vst v13;
	v8 =	vld.idx.msk [tilespmem:v8+s29+$0x0], $0xffff  }
0x18f: {  	v13 =	vld [tilespmem:s4+$0x70];
	[tilespmem:s21+$0xC410] =	vst v11  }
0x190: {  	v11 =	vld [tilespmem:s4+$0x0];
	[tilespmem:s21+$0xC420] =	vst v14  }
0x191: {  	v16 =	vld [tilespmem:s4+$0x10];
	[tilespmem:s21+$0xC430] =	vst v12  }
0x192: {  	v14 =	vld [tilespmem:s4+$0x20];
	[tilespmem:s21+$0xC440] =	vst v10  }
0x193: {  	v12 =	vld [tilespmem:s4+$0x30];
	[tilespmem:s21+$0xC450] =	vst v9  }
0x194: {  	v10 =	vld [tilespmem:s4+$0x40];
	[tilespmem:s21+$0xC460] =	vst v8;
	s21 =	smov.u32 s4  }
.Ltmp9:
0x195: {  	v9 =	vld [tilespmem:s21+$0x50];
	(pc) =	sbr.rel @p1 .LBB2_16-.Ltmp9, $4  }
0x196: {  	v8 =	vld [tilespmem:s21+$0x60]  }
0x197: {  	v15 =	vld.idx.msk [tilespmem:v13+s29+$0x0], $0xffff  }
0x198: {  	v13 =	vld.idx.msk [tilespmem:v11+s29+$0x0], $0xffff  }
0x199: {  	v11 =	vld.idx.msk [tilespmem:v16+s29+$0x0], $0xffff  }
0x19a: {  	_ =	sdelay $0x3  }
0x19b: {  	v14 =	vld.idx.msk [tilespmem:v14+s29+$0x0], $0xffff  }
0x19c: {  	v12 =	vld.idx.msk [tilespmem:v12+s29+$0x0], $0xffff  }
0x19d: {  	v10 =	vld.idx.msk [tilespmem:v10+s29+$0x0], $0xffff;
	[tilespmem:s21+$0xC470] =	vst v15  }
0x19e: {  	v9 =	vld.idx.msk [tilespmem:v9+s29+$0x0], $0xffff;
	[tilespmem:s21+$0xC400] =	vst v13  }
0x19f: {  	v8 =	vld.idx.msk [tilespmem:v8+s29+$0x0], $0xffff;
	[tilespmem:s21+$0xC410] =	vst v11  }
0x1a0: {  	[tilespmem:s21+$0xC420] =	vst v14  }
0x1a1: {  	[tilespmem:s21+$0xC430] =	vst v12  }
0x1a2: {  	[tilespmem:s21+$0xC440] =	vst v10  }
0x1a3: {  	[tilespmem:s21+$0xC450] =	vst v9  }
.Ltmp10:
0x1a4: {  	[tilespmem:s21+$0xC460] =	vst v8;
	(pc) =	sbr.rel @p0 .LBB2_21-.Ltmp10, $4  }
0x1a5: {  	[hbm4b:s24+s2] =	stream.linear.scatter [tilespmem:s7], [sflag:$0x1], $0x8000, $0x38;
	[tilespmem:$0x14400] =	vst v63  }
0x1a6: {  	_ =	swait.ge [sflag:s25], $0x8000  }
0x1a7: {  	[sflag:s25] =	ssyncset.done $0x0  }
0x1a8: {  	s31 =	smov.u32 s6;
	[sflag:s25] =	ssyncadd.s32 $0xFFFF8000  }
0x1a9: {  	s30 =	smov.u32 s26;
	s26 =	smov.u32 s24  }
0x1aa: {  	s4 =	simm.s32 $0x80;
	s28 =	smov.u32 s20;
	s2 =	smov.u32 s5  }
0x1ab: {  	s5 =	smov.u32 s19;
	s24 =	smov.u32 s18;
	s20 =	smov.u32 s17  }
0x1ac: {  	s19 =	smov.u32 s16;
	s18 =	smov.u32 s15;
	s17 =	smov.u32 s14  }
0x1ad: {  	s16 =	smov.u32 s13;
	s15 =	smov.u32 s12;
	s14 =	smov.u32 s11  }
0x1ae: {  	s13 =	smov.u32 s10;
	s12 =	smov.u32 s9;
	s11 =	smov.u32 s8  }
0x1af: {  	s9 =	smov.u32 s31;
	s3 =	rddreg [dreg:$0x5];
	s6 =	simm.s32 $0x200  }
0x1b0: {  	[tilespmem:s29], [sflag:$0x1] =	stream.strided.gather [hbm4b:s3+s4], $0x4000, s6, s4, $0x38;
	[tilespmem:$0x14400] =	vst v63  }
0x1b1: {  	s21 =	simm.s32 $0x0;
	s23 =	simm.s32 $0x0;
	_ =	swait.ge [sflag:s25], $0x4000  }
0x1b2: {  	s22 =	simm.s32 $0x0;
	s10 =	sand.u32 $0x380, s21;
	[sflag:s25] =	ssyncset.done $0x0  }
0x1b3: {  	s22 =	sand.u32 $0x380, s22;
	s8 =	rddreg [dreg:$0x6];
	[sflag:s25] =	ssyncadd.s32 $0xFFFFC000  }
0x1b4: {  	[tilespmem:s0], [sflag:$0x1] =	stream.strided.gather [hbm4b:s8+s4], $0x400, s6, s4, $0x38;
	[tilespmem:$0x14400] =	vst v63  }
0x1b5: {  	v8 =	vmov s10;
	s4 =	sand.u32 $0x6000, s23;
	s23 =	sand.u32 $0x1C00, s21;
	_ =	swait.ge [sflag:s25], $0x400  }
0x1b6: {  	s3 =	sshll.u32 s10, $0x3;
	v8 =	vshrl.u32 v8, $0x7;
	s23 =	sor.u32 s23, s4;
	[sflag:s25] =	ssyncset.done $0x0  }
0x1b7: {  	v8 =	vshll.u32 v8, $0x7;
	s3 =	sor.u32 s3, s4;
	s31 =	sor.u32 s22, s23;
	[sflag:s25] =	ssyncadd.s32 $0xFFFFFC00  }
0x1b8: {  	v12 =	vbroadcast v8, $0x0;
	s22 =	sor.u32 s22, s3;
	v8 =	vld [tilespmem:s31+$0x70]  }
0x1b9: {  	v9 =	vld [tilespmem:s22+$0x0]  }
0x1ba: {  	v10 =	vld [tilespmem:s31+$0x10]  }
0x1bb: {  	v11 =	vor.u32 v7, v12;
	v13 =	vld [tilespmem:s31+$0x20]  }
0x1bc: {  	v15 =	vld [tilespmem:s31+$0x30]  }
0x1bd: {  	v21 =	vor.u32 v0, v12;
	v16 =	vld [tilespmem:s31+$0x40]  }
0x1be: {  	v17 =	vld [tilespmem:s31+$0x50]  }
0x1bf: {  	v20 =	vld [tilespmem:s31+$0x60]  }
0x1c0: {  	v11 =	vld.idx.msk [tilespmem:v11+s0+$0x0], $0xffff  }
0x1c1: {  	v19 =	vld.idx.msk [tilespmem:v8+s29+$0x0], $0xffff  }
0x1c2: {  	v21 =	vld.idx.msk [tilespmem:v21+s0+$0x0], $0xffff  }
0x1c3: {  	v18 =	vld.idx.msk [tilespmem:v9+s29+$0x0], $0xffff  }
0x1c4: {  	v14 =	vld.idx.msk [tilespmem:v10+s29+$0x0], $0xffff  }
0x1c5: {  	v22 =	vor.u32 v1, v12;
	v13 =	vld.idx.msk [tilespmem:v13+s29+$0x0], $0xffff  }
0x1c6: {  	v9 =	vld.idx.msk [tilespmem:v15+s29+$0x0], $0xffff;
	v23 =	vsub.f32 v19, v11;
	v19 =	vor.u32 v2, v12  }
0x1c7: {  	v10 =	vld.idx.msk [tilespmem:v17+s29+$0x0], $0xffff;
	v17 =	vor.u32 v3, v12  }
0x1c8: {  	v8 =	vld.idx.msk [tilespmem:v16+s29+$0x0], $0xffff;
	v16 =	vor.u32 v4, v12  }
0x1c9: {  	v15 =	vor.u32 v5, v12;
	v11 =	vld.idx.msk [tilespmem:v20+s29+$0x0], $0xffff  }
0x1ca: {  	s23 =	simm.s32 $0x0;
	s3 =	simm.s32 $0x0;
	v12 =	vor.u32 v6, v12;
	v20 =	vld.idx.msk [tilespmem:v22+s0+$0x0], $0xffff;
	[tilespmem:s31+$0xC470] =	vst v23  }
.LBB2_19:
0x1cb: {  	s23 =	sadd.s32 $0x8, s23;
	v19 =	vld.idx.msk [tilespmem:v19+s0+$0x0], $0xffff;
	s21 =	sadd.s32 $0x80, s21  }
0x1cc: {  	s3 =	sadd.s32 $0x400, s3;
	s4 =	sand.u32 $0x380, s21;
	s6 =	sshll.u32 s23, $0x4;
	v22 =	vld.idx.msk [tilespmem:v17+s0+$0x0], $0xffff  }
0x1cd: {  	s7 =	sshll.u32 s23, $0x1;
	s8 =	sand.u32 $0x1C00, s3;
	s6 =	sand.u32 $0x6000, s6;
	v17 =	vmov s4;
	v23 =	vld.idx.msk [tilespmem:v16+s0+$0x0], $0xffff  }
0x1ce: {  	s4 =	sshll.u32 s4, $0x3;
	s7 =	sand.u32 $0x380, s7;
	v16 =	vshrl.u32 v17, $0x7;
	s8 =	sor.u32 s8, s6;
	v17 =	vsub.f32 v18, v21;
	v18 =	vld.idx.msk [tilespmem:v15+s0+$0x0], $0xffff  }
0x1cf: {  	p1 =	slt.u32 s23, $0x7F8;
	s4 =	sor.u32 s4, s6;
	v15 =	vshll.u32 v16, $0x7;
	s6 =	sor.u32 s7, s8;
	v21 =	vld.idx.msk [tilespmem:v12+s0+$0x0], $0xffff  }
0x1d0: {  	v14 =	vsub.f32 v14, v20;
	v12 =	vbroadcast v15, $0x0;
	v24 =	vld [tilespmem:s6+$0x70];
	[tilespmem:s22+$0xC400] =	vst v17;
	s22 =	sor.u32 s7, s4  }
0x1d1: {  	v13 =	vsub.f32 v13, v19;
	v20 =	vld [tilespmem:s22+$0x0]  }
0x1d2: {  	v25 =	vor.u32 v0, v12;
	v26 =	vld [tilespmem:s6+$0x10];
	v27 =	vor.u32 v1, v12;
	v28 =	vor.u32 v7, v12;
	[tilespmem:s31+$0xC410] =	vst v14  }
0x1d3: {  	v19 =	vor.u32 v2, v12;
	v17 =	vor.u32 v3, v12;
	v16 =	vor.u32 v4, v12;
	v29 =	vld [tilespmem:s6+$0x20];
	[tilespmem:s31+$0xC420] =	vst v13  }
0x1d4: {  	v9 =	vsub.f32 v9, v22;
	v15 =	vor.u32 v5, v12;
	v12 =	vor.u32 v6, v12;
	v30 =	vld [tilespmem:s6+$0x30]  }
0x1d5: {  	v8 =	vsub.f32 v8, v23;
	v10 =	vsub.f32 v10, v18;
	v22 =	vld [tilespmem:s6+$0x40]  }
0x1d6: {  	v23 =	vld [tilespmem:s6+$0x50];
	[tilespmem:s31+$0xC430] =	vst v9;
	v9 =	vsub.f32 v11, v21  }
0x1d7: {  	v11 =	vld.idx.msk [tilespmem:v28+s0+$0x0], $0xffff;
	[tilespmem:s31+$0xC440] =	vst v8  }
0x1d8: {  	v21 =	vld.idx.msk [tilespmem:v24+s29+$0x0], $0xffff;
	[tilespmem:s31+$0xC450] =	vst v10  }
0x1d9: {  	v24 =	vld [tilespmem:s6+$0x60];
	[tilespmem:s31+$0xC460] =	vst v9;
	s31 =	smov.u32 s6  }
0x1da: {  	v18 =	vld.idx.msk [tilespmem:v20+s29+$0x0], $0xffff  }
0x1db: {  	v14 =	vld.idx.msk [tilespmem:v26+s29+$0x0], $0xffff  }
0x1dc: {  	v13 =	vld.idx.msk [tilespmem:v29+s29+$0x0], $0xffff  }
0x1dd: {  	v9 =	vld.idx.msk [tilespmem:v30+s29+$0x0], $0xffff  }
.Ltmp11:
0x1de: {  	v11 =	vsub.f32 v21, v11;
	v8 =	vld.idx.msk [tilespmem:v22+s29+$0x0], $0xffff;
	(pc) =	sbr.rel @p1 .LBB2_19-.Ltmp11, $4  }
0x1df: {  	v10 =	vld.idx.msk [tilespmem:v23+s29+$0x0], $0xffff  }
0x1e0: {  	v21 =	vld.idx.msk [tilespmem:v25+s0+$0x0], $0xffff;
	[tilespmem:s31+$0xC470] =	vst v11  }
0x1e1: {  	v11 =	vld.idx.msk [tilespmem:v24+s29+$0x0], $0xffff  }
0x1e2: {  	v20 =	vld.idx.msk [tilespmem:v27+s0+$0x0], $0xffff  }
.Ltmp12:
0x1e3: {  	_ = 	snop;
	(pc) =	sbr.rel .LBB2_20-.Ltmp12, $1  }
0x1e4: {  	_ =	sdelay $0x3  }
.LBB2_22:
0x1e5: {  	_ =	sfence.sel $0x180000  }
0x1e6: {  	[bflag:$0x0] =	sbarrier.arrive $0xFFFF  }
0x1e7: {  	_ =	strace $0x9000004A  }
0x1e8: {  	s0 =	stileid.u32;
	[bflag:$0x2] =	sbarrier.arrive $0xFFFF  }
0x1e9: {  	p0 =	sne.s32 s0, $0x0;
	s0 =	rddreg [dreg:$0x3]  }
0x1ea: {  	s0 =	sadd.s32 @!p0 $0x100000, s0  }
0x1eb: {  	[sflag:s0] =	ssyncadd.tile.s32 @!p0 $0x1;
	_ =	shalt  }
.Lfunc_end2:
_tile_overlayer_lowered:
.L_overlay_start_2:
0x1ec: {  	(tag) =	ssettag $0x2  }
0x1ed: {  	s0 =	rddreg [dreg:$0x0];
	s2 =	stileid.u32  }
0x1ee: {  	s1 =	rddreg [dreg:$0x1];
	p0 =	sne.s32 s2, $0x0  }
0x1ef: {  	s3 =	rddreg [dreg:$0x2];
	[bflag:$0x3] =	sbarrier.arrive $0xFFFF;
	s2 =	simm.s32 @!p0 $0x1C01  }
0x1f0: {  	[timem:s3], [sflag:s2] =	dma.local @!p0 [hbm:s0], s1  }
0x1f1: {  	s0 =	simm.s32 @!p0 $0x1  }
0x1f2: {  	_ =	swait.ge @!p0 [sflag:s0], s1  }
0x1f3: {  	s1 =	ssub.s32 @!p0 $0x0, s1;
	[sflag:s0] =	ssyncset.done @!p0 $0x0  }
0x1f4: {  	[sflag:s0] =	ssyncadd.s32 @!p0 s1  }
0x1f5: {  	[bflag:$0x3] =	sbarrier.arrive $0xFFFF  }
0x1f6: {  	_ =	shalt  }

</sc_bundles>
